<compile_context>
chip_gen: v7x
topology: tpu7x:2x2x1
jax: 0.10.2.dev20260603
libtpu: 0.0.44.dev20260713+nightly
codegen_flags: <defaults>
</compile_context>

<pallas_src>
import jax
import jax.numpy as jnp
from jax import lax
from jax.experimental import pallas as pl
from jax.experimental.pallas import tpu as pltpu
from jax.experimental.pallas import tpu_sc as plsc

_D = 256
_HW = 4 * _D
_N_DRUG = 1373
_B = 16384
_NC = 2
_NS = 16
_NW = _NC * _NS
_CB = 16
_BPW = _B // _NW
_NCHUNK = _BPW // _CB
_L = 16


def _body(h1, h2, d1, d2, m1, m2, x1, x2, out, x1_v, x2_v, x2h_v,
          dA, mA, dB, mB, dC, mC, gsA, gsB, gsC, wsA, wsB, wsC):
    wid = lax.axis_index("s") * _NC + lax.axis_index("c")
    base_w = wid * _BPW
    bufs = ((dA, mA), (dB, mB), (dC, mC))
    gsems = (gsA, gsB, gsC)
    wsems = (wsA, wsB, wsC)

    pltpu.sync_copy(x1.at[pl.ds(base_w, _BPW)], x1_v)
    pltpu.sync_copy(x2.at[pl.ds(base_w, _BPW)], x2_v)
    for j in range(_BPW // _L):
        x2h_v[pl.ds(j * _L, _L)] = x2_v[pl.ds(j * _L, _L)] + _N_DRUG

    def fire_gathers(c, buf, sem):
        off = c * _CB
        i1 = x1_v.at[pl.ds(off, _CB)]
        i2 = x2_v.at[pl.ds(off, _CB)]
        i2h = x2h_v.at[pl.ds(off, _CB)]
        for k, tab, idx in ((0, d1, i1), (1, d2, i1), (2, h1, i1),
                            (3, h2, i1), (0, m1, i2), (1, m2, i2),
                            (2, h1, i2h), (3, h2, i2h)):
            half = buf[0] if idx is i1 else buf[1]
            pltpu.async_copy(tab.at[idx], half.at[:, pl.ds(k * _D, _D)],
                             sem)

    def drain_gathers(buf, sem):
        dummy = out.at[pl.ds(0, _CB), 0, 0]
        pltpu.make_async_copy(dummy, buf[0], sem).wait()
        pltpu.make_async_copy(dummy, buf[1], sem).wait()

    def fire_write(c, buf, sem):
        b = base_w + c * _CB
        pltpu.async_copy(buf[0], out.at[pl.ds(b, _CB), 0, 0], sem)
        pltpu.async_copy(buf[1], out.at[pl.ds(b, _CB), 0, 1], sem)

    def drain_write(buf, sem):
        dummy = out.at[pl.ds(0, _CB), 0, 0]
        pltpu.make_async_copy(dummy, buf[0], sem).wait()
        pltpu.make_async_copy(dummy, buf[1], sem).wait()

    fire_gathers(0, bufs[0], gsems[0])
    fire_gathers(1, bufs[1], gsems[1])
    drain_gathers(bufs[0], gsems[0])
    fire_write(0, bufs[0], wsems[0])
    fire_gathers(2, bufs[2], gsems[2])
    drain_gathers(bufs[1], gsems[1])
    fire_write(1, bufs[1], wsems[1])
    drain_write(bufs[0], wsems[0])
    fire_gathers(3, bufs[0], gsems[0])

    def outer(o, _):
        for step in range(3):
            c = 2 + 3 * o + step
            x = (2 + step) % 3
            y = (x + 2) % 3
            drain_gathers(bufs[x], gsems[x])
            fire_write(c, bufs[x], wsems[x])
            drain_write(bufs[y], wsems[y])
            fire_gathers(c + 2, bufs[y], gsems[y])
        return ()

    lax.fori_loop(0, (_NCHUNK - 5) // 3, outer, (), unroll=False)

    c = _NCHUNK - 3
    x = c % 3
    y = (x + 2) % 3
    drain_gathers(bufs[x], gsems[x])
    fire_write(c, bufs[x], wsems[x])
    drain_write(bufs[y], wsems[y])
    fire_gathers(_NCHUNK - 1, bufs[y], gsems[y])
    for c in (_NCHUNK - 2, _NCHUNK - 1):
        x = c % 3
        drain_gathers(bufs[x], gsems[x])
        fire_write(c, bufs[x], wsems[x])
    for x in range(3):
        drain_write(bufs[x], wsems[x])


@jax.jit
def _run(h1, h2, d1, d2, m1, m2, x1, x2):
    mesh = plsc.VectorSubcoreMesh(core_axis_name="c", subcore_axis_name="s")
    f = pl.kernel(
        _body,
        out_type=jax.ShapeDtypeStruct((_B, 1, 2, _HW), jnp.float32),
        mesh=mesh,
        scratch_types=[
            pltpu.VMEM((_BPW,), jnp.int32),
            pltpu.VMEM((_BPW,), jnp.int32),
            pltpu.VMEM((_BPW,), jnp.int32),
            pltpu.VMEM((_CB, _HW), jnp.float32),
            pltpu.VMEM((_CB, _HW), jnp.float32),
            pltpu.VMEM((_CB, _HW), jnp.float32),
            pltpu.VMEM((_CB, _HW), jnp.float32),
            pltpu.VMEM((_CB, _HW), jnp.float32),
            pltpu.VMEM((_CB, _HW), jnp.float32),
            pltpu.SemaphoreType.DMA,
            pltpu.SemaphoreType.DMA,
            pltpu.SemaphoreType.DMA,
            pltpu.SemaphoreType.DMA,
            pltpu.SemaphoreType.DMA,
            pltpu.SemaphoreType.DMA,
        ],
    )
    return f(h1, h2, d1, d2, m1, m2, x1, x2)


def kernel(hete_1hop, hete_2hop, drug_homo_1hop, drug_homo_2hop,
           mic_homo_1hop, mic_homo_2hop, x1, x2):
    return _run(hete_1hop, hete_2hop, drug_homo_1hop, drug_homo_2hop,
                mic_homo_1hop, mic_homo_2hop,
                x1.astype(jnp.int32), x2.astype(jnp.int32))

# --- scband reference (transcript-rebuilt; emitter-appended) ---
"""Pipeline reference for scband-neighbor-info-integration-57071525430143 (READ-ONLY COPY).

The authoritative reference and input builder live on the scoring server;
editing this copy changes nothing except your own understanding.
"""

import jax, jax.numpy as jnp
import numpy as np

D = 256
N_DRUG = 1373
N_MIC = 173
N_HETE = N_DRUG + N_MIC
B = 16384


def setup_inputs(seed: int = 0) -> dict:
    key = jax.random.key(seed)
    ks = jax.random.split(key, 8)
    return {
        "hete_1hop": jax.random.normal(ks[0], (N_HETE, D), dtype=jnp.float32),
        "hete_2hop": jax.random.normal(ks[1], (N_HETE, D), dtype=jnp.float32),
        "drug_homo_1hop": jax.random.normal(ks[2], (N_DRUG, D), dtype=jnp.float32),
        "drug_homo_2hop": jax.random.normal(ks[3], (N_DRUG, D), dtype=jnp.float32),
        "mic_homo_1hop": jax.random.normal(ks[4], (N_MIC, D), dtype=jnp.float32),
        "mic_homo_2hop": jax.random.normal(ks[5], (N_MIC, D), dtype=jnp.float32),
        "x1": jax.random.randint(ks[6], (B,), 0, N_DRUG, dtype=jnp.int64 if jax.config.jax_enable_x64 else jnp.int32),
        "x2": jax.random.randint(ks[7], (B,), 0, N_MIC, dtype=jnp.int64 if jax.config.jax_enable_x64 else jnp.int32),
    }


def reference(hete_1hop, hete_2hop, drug_homo_1hop, drug_homo_2hop,
              mic_homo_1hop, mic_homo_2hop, x1, x2):
    embed_hete = jnp.concatenate([hete_1hop, hete_2hop], axis=1)
    embed_hete_pair = jnp.concatenate(
        [embed_hete[x1][:, None, None, :],
         embed_hete[x2 + N_DRUG][:, None, None, :]], axis=2)
    embed_homo_drug = jnp.concatenate([drug_homo_1hop, drug_homo_2hop], axis=1)
    embed_homo_drug = embed_homo_drug[x1][:, None, None, :]
    embed_homo_mic = jnp.concatenate([mic_homo_1hop, mic_homo_2hop], axis=1)
    embed_homo_mic = embed_homo_mic[x2][:, None, None, :]
    x = jnp.concatenate([embed_homo_drug, embed_homo_mic], axis=2)
    x = jnp.concatenate([x, embed_hete_pair], axis=3)
    return x

if __name__ == "__main__":
    import jax
    _d = setup_inputs()
    print(jax.jit(kernel)(*tuple(_d.values())))

</pallas_src>

<mosaic_0001>
#map = affine_map<(d0, d1) -> (0, 0)>
#map1 = affine_map<(d0, d1) -> (0)>
#map2 = affine_map<(d0, d1) -> (0, 0, 0, 0)>
module attributes {stable_mosaic.version = 14 : i64} {
  func.func @_body(%arg0: i32, %arg1: i32, %arg2: memref<1546x256xf32, #tpu.memory_space<hbm>>, %arg3: memref<1546x256xf32, #tpu.memory_space<hbm>>, %arg4: memref<1373x256xf32, #tpu.memory_space<hbm>>, %arg5: memref<1373x256xf32, #tpu.memory_space<hbm>>, %arg6: memref<173x256xf32, #tpu.memory_space<hbm>>, %arg7: memref<173x256xf32, #tpu.memory_space<hbm>>, %arg8: memref<16384xi32, #tpu.memory_space<hbm>>, %arg9: memref<16384xi32, #tpu.memory_space<hbm>>, %arg10: memref<16384x1x2x1024xf32, #tpu.memory_space<hbm>>, %arg11: memref<512xi32, #tpu.memory_space<vmem>>, %arg12: memref<512xi32, #tpu.memory_space<vmem>>, %arg13: memref<512xi32, #tpu.memory_space<vmem>>, %arg14: memref<16x1024xf32, #tpu.memory_space<vmem>>, %arg15: memref<16x1024xf32, #tpu.memory_space<vmem>>, %arg16: memref<16x1024xf32, #tpu.memory_space<vmem>>, %arg17: memref<16x1024xf32, #tpu.memory_space<vmem>>, %arg18: memref<16x1024xf32, #tpu.memory_space<vmem>>, %arg19: memref<16x1024xf32, #tpu.memory_space<vmem>>, %arg20: memref<!tpu.dma_semaphore, #tpu.memory_space<semaphore_mem>>, %arg21: memref<!tpu.dma_semaphore, #tpu.memory_space<semaphore_mem>>, %arg22: memref<!tpu.dma_semaphore, #tpu.memory_space<semaphore_mem>>, %arg23: memref<!tpu.dma_semaphore, #tpu.memory_space<semaphore_mem>>, %arg24: memref<!tpu.dma_semaphore, #tpu.memory_space<semaphore_mem>>, %arg25: memref<!tpu.dma_semaphore, #tpu.memory_space<semaphore_mem>>) attributes {dimension_semantics = [#tpu.dimension_semantics<core_parallel>, #tpu.dimension_semantics<subcore_parallel>], iteration_bounds = array<i64: 2, 16>, scalar_prefetch = 0 : i64, scratch_operands = 15 : i64, tpu.core_type = #tpu.core_type<sc_vector_subcore>, window_params = [{transform_indices = #map}, {transform_indices = #map}, {transform_indices = #map}, {transform_indices = #map}, {transform_indices = #map}, {transform_indices = #map}, {transform_indices = #map1}, {transform_indices = #map1}, {transform_indices = #map2}]} {
    %mul3A = arith.constant 2 : i32
    %mul3A_0 = arith.muli %arg1, %mul3A : i32
    %add3A = arith.addi %mul3A_0, %arg0 : i32
    %mul3A_1 = arith.constant 512 : i32
    %mul3A_2 = arith.muli %add3A, %mul3A_1 : i32
    "tpu.region"() ({
      %run_scoped3A = tpu.sem_alloc : memref<!tpu.dma_semaphore, #tpu.memory_space<semaphore_mem>>
      %dma_start3A_933 = tpu.memref_slice %arg8[%mul3A_2] : memref<16384xi32, #tpu.memory_space<hbm>> -> memref<512xi32, #tpu.memory_space<hbm>>
      %dma_start3A_934 = tpu.memref_slice %arg8[%mul3A_2] : memref<16384xi32, #tpu.memory_space<hbm>> -> memref<512xi32, #tpu.memory_space<hbm>>
      tpu.enqueue_dma source(%dma_start3A_934 : memref<512xi32, #tpu.memory_space<hbm>>) target(%arg11 : memref<512xi32, #tpu.memory_space<vmem>>) target_semaphore(%run_scoped3A : memref<!tpu.dma_semaphore, #tpu.memory_space<semaphore_mem>>)
      %dma_wait3A_935 = tpu.memref_slice %arg8[%mul3A_2] : memref<16384xi32, #tpu.memory_space<hbm>> -> memref<512xi32, #tpu.memory_space<hbm>>
      %dma_wait3A_936 = tpu.memref_slice %arg8[%mul3A_2] : memref<16384xi32, #tpu.memory_space<hbm>> -> memref<512xi32, #tpu.memory_space<hbm>>
      tpu.wait_dma2 semaphore(%run_scoped3A : memref<!tpu.dma_semaphore, #tpu.memory_space<semaphore_mem>>) src(%dma_wait3A_936 : memref<512xi32, #tpu.memory_space<hbm>>) dst(%arg11 : memref<512xi32, #tpu.memory_space<vmem>>)
      tpu.yield
    }) : () -> ()
    "tpu.region"() ({
      %run_scoped3A = tpu.sem_alloc : memref<!tpu.dma_semaphore, #tpu.memory_space<semaphore_mem>>
      %dma_start3A_933 = tpu.memref_slice %arg9[%mul3A_2] : memref<16384xi32, #tpu.memory_space<hbm>> -> memref<512xi32, #tpu.memory_space<hbm>>
      %dma_start3A_934 = tpu.memref_slice %arg9[%mul3A_2] : memref<16384xi32, #tpu.memory_space<hbm>> -> memref<512xi32, #tpu.memory_space<hbm>>
      tpu.enqueue_dma source(%dma_start3A_934 : memref<512xi32, #tpu.memory_space<hbm>>) target(%arg12 : memref<512xi32, #tpu.memory_space<vmem>>) target_semaphore(%run_scoped3A : memref<!tpu.dma_semaphore, #tpu.memory_space<semaphore_mem>>)
      %dma_wait3A_935 = tpu.memref_slice %arg9[%mul3A_2] : memref<16384xi32, #tpu.memory_space<hbm>> -> memref<512xi32, #tpu.memory_space<hbm>>
      %dma_wait3A_936 = tpu.memref_slice %arg9[%mul3A_2] : memref<16384xi32, #tpu.memory_space<hbm>> -> memref<512xi32, #tpu.memory_space<hbm>>
      tpu.wait_dma2 semaphore(%run_scoped3A : memref<!tpu.dma_semaphore, #tpu.memory_space<semaphore_mem>>) src(%dma_wait3A_936 : memref<512xi32, #tpu.memory_space<hbm>>) dst(%arg12 : memref<512xi32, #tpu.memory_space<vmem>>)
      tpu.yield
    }) : () -> ()
    %get3A = arith.constant 0 : index
    %get3A_3 = tpu.vector_load %arg12[%get3A] {strides = array<i32>} : memref<512xi32, #tpu.memory_space<vmem>>, vector<16xi32>,
    %get3A_4 = vector.shape_cast %get3A_3 : vector<16xi32> to vector<16xi32>
    %add3A_5 = arith.constant 1373 : i32
    %add3A_6 = vector.broadcast %add3A_5 : i32 to vector<16xi32>
    %add3A_7 = arith.addi %get3A_4, %add3A_6 : vector<16xi32>
    %swap3A = arith.constant 0 : index
    %swap3A_8 = tpu.vector_load %arg13[%swap3A] {strides = array<i32>} : memref<512xi32, #tpu.memory_space<vmem>>, vector<16xi32>,
    %swap3A_9 = vector.shape_cast %swap3A_8 : vector<16xi32> to vector<16xi32>
    %swap3A_10 = vector.shape_cast %add3A_7 : vector<16xi32> to vector<16xi32>
    tpu.vector_store %arg13[%swap3A], %swap3A_10 {strides = array<i32>} : memref<512xi32, #tpu.memory_space<vmem>>, vector<16xi32>,
    %get3A_11 = arith.constant 16 : index
    %get3A_12 = tpu.vector_load %arg12[%get3A_11] {strides = array<i32>} : memref<512xi32, #tpu.memory_space<vmem>>, vector<16xi32>,
    %get3A_13 = vector.shape_cast %get3A_12 : vector<16xi32> to vector<16xi32>
    %add3A_14 = arith.constant 1373 : i32
    %add3A_15 = vector.broadcast %add3A_14 : i32 to vector<16xi32>
    %add3A_16 = arith.addi %get3A_13, %add3A_15 : vector<16xi32>
    %swap3A_17 = arith.constant 16 : index
    %swap3A_18 = tpu.vector_load %arg13[%swap3A_17] {strides = array<i32>} : memref<512xi32, #tpu.memory_space<vmem>>, vector<16xi32>,
    %swap3A_19 = vector.shape_cast %swap3A_18 : vector<16xi32> to vector<16xi32>
    %swap3A_20 = vector.shape_cast %add3A_16 : vector<16xi32> to vector<16xi32>
    tpu.vector_store %arg13[%swap3A_17], %swap3A_20 {strides = array<i32>} : memref<512xi32, #tpu.memory_space<vmem>>, vector<16xi32>,
    %get3A_21 = arith.constant 32 : index
    %get3A_22 = tpu.vector_load %arg12[%get3A_21] {strides = array<i32>} : memref<512xi32, #tpu.memory_space<vmem>>, vector<16xi32>,
    %get3A_23 = vector.shape_cast %get3A_22 : vector<16xi32> to vector<16xi32>
    %add3A_24 = arith.constant 1373 : i32
    %add3A_25 = vector.broadcast %add3A_24 : i32 to vector<16xi32>
    %add3A_26 = arith.addi %get3A_23, %add3A_25 : vector<16xi32>
    %swap3A_27 = arith.constant 32 : index
    %swap3A_28 = tpu.vector_load %arg13[%swap3A_27] {strides = array<i32>} : memref<512xi32, #tpu.memory_space<vmem>>, vector<16xi32>,
    %swap3A_29 = vector.shape_cast %swap3A_28 : vector<16xi32> to vector<16xi32>
    %swap3A_30 = vector.shape_cast %add3A_26 : vector<16xi32> to vector<16xi32>
    tpu.vector_store %arg13[%swap3A_27], %swap3A_30 {strides = array<i32>} : memref<512xi32, #tpu.memory_space<vmem>>, vector<16xi32>,
    %get3A_31 = arith.constant 48 : index
    %get3A_32 = tpu.vector_load %arg12[%get3A_31] {strides = array<i32>} : memref<512xi32, #tpu.memory_space<vmem>>, vector<16xi32>,
    %get3A_33 = vector.shape_cast %get3A_32 : vector<16xi32> to vector<16xi32>
    %add3A_34 = arith.constant 1373 : i32
    %add3A_35 = vector.broadcast %add3A_34 : i32 to vector<16xi32>
    %add3A_36 = arith.addi %get3A_33, %add3A_35 : vector<16xi32>
    %swap3A_37 = arith.constant 48 : index
    %swap3A_38 = tpu.vector_load %arg13[%swap3A_37] {strides = array<i32>} : memref<512xi32, #tpu.memory_space<vmem>>, vector<16xi32>,
    %swap3A_39 = vector.shape_cast %swap3A_38 : vector<16xi32> to vector<16xi32>
    %swap3A_40 = vector.shape_cast %add3A_36 : vector<16xi32> to vector<16xi32>
    tpu.vector_store %arg13[%swap3A_37], %swap3A_40 {strides = array<i32>} : memref<512xi32, #tpu.memory_space<vmem>>, vector<16xi32>,
    %get3A_41 = arith.constant 64 : index
    %get3A_42 = tpu.vector_load %arg12[%get3A_41] {strides = array<i32>} : memref<512xi32, #tpu.memory_space<vmem>>, vector<16xi32>,
    %get3A_43 = vector.shape_cast %get3A_42 : vector<16xi32> to vector<16xi32>
    %add3A_44 = arith.constant 1373 : i32
    %add3A_45 = vector.broadcast %add3A_44 : i32 to vector<16xi32>
    %add3A_46 = arith.addi %get3A_43, %add3A_45 : vector<16xi32>
    %swap3A_47 = arith.constant 64 : index
    %swap3A_48 = tpu.vector_load %arg13[%swap3A_47] {strides = array<i32>} : memref<512xi32, #tpu.memory_space<vmem>>, vector<16xi32>,
    %swap3A_49 = vector.shape_cast %swap3A_48 : vector<16xi32> to vector<16xi32>
    %swap3A_50 = vector.shape_cast %add3A_46 : vector<16xi32> to vector<16xi32>
    tpu.vector_store %arg13[%swap3A_47], %swap3A_50 {strides = array<i32>} : memref<512xi32, #tpu.memory_space<vmem>>, vector<16xi32>,
    %get3A_51 = arith.constant 80 : index
    %get3A_52 = tpu.vector_load %arg12[%get3A_51] {strides = array<i32>} : memref<512xi32, #tpu.memory_space<vmem>>, vector<16xi32>,
    %get3A_53 = vector.shape_cast %get3A_52 : vector<16xi32> to vector<16xi32>
    %add3A_54 = arith.constant 1373 : i32
    %add3A_55 = vector.broadcast %add3A_54 : i32 to vector<16xi32>
    %add3A_56 = arith.addi %get3A_53, %add3A_55 : vector<16xi32>
    %swap3A_57 = arith.constant 80 : index
    %swap3A_58 = tpu.vector_load %arg13[%swap3A_57] {strides = array<i32>} : memref<512xi32, #tpu.memory_space<vmem>>, vector<16xi32>,
    %swap3A_59 = vector.shape_cast %swap3A_58 : vector<16xi32> to vector<16xi32>
    %swap3A_60 = vector.shape_cast %add3A_56 : vector<16xi32> to vector<16xi32>
    tpu.vector_store %arg13[%swap3A_57], %swap3A_60 {strides = array<i32>} : memref<512xi32, #tpu.memory_space<vmem>>, vector<16xi32>,
    %get3A_61 = arith.constant 96 : index
    %get3A_62 = tpu.vector_load %arg12[%get3A_61] {strides = array<i32>} : memref<512xi32, #tpu.memory_space<vmem>>, vector<16xi32>,
    %get3A_63 = vector.shape_cast %get3A_62 : vector<16xi32> to vector<16xi32>
    %add3A_64 = arith.constant 1373 : i32
    %add3A_65 = vector.broadcast %add3A_64 : i32 to vector<16xi32>
    %add3A_66 = arith.addi %get3A_63, %add3A_65 : vector<16xi32>
    %swap3A_67 = arith.constant 96 : index
    %swap3A_68 = tpu.vector_load %arg13[%swap3A_67] {strides = array<i32>} : memref<512xi32, #tpu.memory_space<vmem>>, vector<16xi32>,
    %swap3A_69 = vector.shape_cast %swap3A_68 : vector<16xi32> to vector<16xi32>
    %swap3A_70 = vector.shape_cast %add3A_66 : vector<16xi32> to vector<16xi32>
    tpu.vector_store %arg13[%swap3A_67], %swap3A_70 {strides = array<i32>} : memref<512xi32, #tpu.memory_space<vmem>>, vector<16xi32>,
    %get3A_71 = arith.constant 112 : index
    %get3A_72 = tpu.vector_load %arg12[%get3A_71] {strides = array<i32>} : memref<512xi32, #tpu.memory_space<vmem>>, vector<16xi32>,
    %get3A_73 = vector.shape_cast %get3A_72 : vector<16xi32> to vector<16xi32>
    %add3A_74 = arith.constant 1373 : i32
    %add3A_75 = vector.broadcast %add3A_74 : i32 to vector<16xi32>
    %add3A_76 = arith.addi %get3A_73, %add3A_75 : vector<16xi32>
    %swap3A_77 = arith.constant 112 : index
    %swap3A_78 = tpu.vector_load %arg13[%swap3A_77] {strides = array<i32>} : memref<512xi32, #tpu.memory_space<vmem>>, vector<16xi32>,
    %swap3A_79 = vector.shape_cast %swap3A_78 : vector<16xi32> to vector<16xi32>
    %swap3A_80 = vector.shape_cast %add3A_76 : vector<16xi32> to vector<16xi32>
    tpu.vector_store %arg13[%swap3A_77], %swap3A_80 {strides = array<i32>} : memref<512xi32, #tpu.memory_space<vmem>>, vector<16xi32>,
    %get3A_81 = arith.constant 128 : index
    %get3A_82 = tpu.vector_load %arg12[%get3A_81] {strides = array<i32>} : memref<512xi32, #tpu.memory_space<vmem>>, vector<16xi32>,
    %get3A_83 = vector.shape_cast %get3A_82 : vector<16xi32> to vector<16xi32>
    %add3A_84 = arith.constant 1373 : i32
    %add3A_85 = vector.broadcast %add3A_84 : i32 to vector<16xi32>
    %add3A_86 = arith.addi %get3A_83, %add3A_85 : vector<16xi32>
    %swap3A_87 = arith.constant 128 : index
    %swap3A_88 = tpu.vector_load %arg13[%swap3A_87] {strides = array<i32>} : memref<512xi32, #tpu.memory_space<vmem>>, vector<16xi32>,
    %swap3A_89 = vector.shape_cast %swap3A_88 : vector<16xi32> to vector<16xi32>
    %swap3A_90 = vector.shape_cast %add3A_86 : vector<16xi32> to vector<16xi32>
    tpu.vector_store %arg13[%swap3A_87], %swap3A_90 {strides = array<i32>} : memref<512xi32, #tpu.memory_space<vmem>>, vector<16xi32>,
    %get3A_91 = arith.constant 144 : index
    %get3A_92 = tpu.vector_load %arg12[%get3A_91] {strides = array<i32>} : memref<512xi32, #tpu.memory_space<vmem>>, vector<16xi32>,
    %get3A_93 = vector.shape_cast %get3A_92 : vector<16xi32> to vector<16xi32>
    %add3A_94 = arith.constant 1373 : i32
    %add3A_95 = vector.broadcast %add3A_94 : i32 to vector<16xi32>
    %add3A_96 = arith.addi %get3A_93, %add3A_95 : vector<16xi32>
    %swap3A_97 = arith.constant 144 : index
    %swap3A_98 = tpu.vector_load %arg13[%swap3A_97] {strides = array<i32>} : memref<512xi32, #tpu.memory_space<vmem>>, vector<16xi32>,
    %swap3A_99 = vector.shape_cast %swap3A_98 : vector<16xi32> to vector<16xi32>
    %swap3A_100 = vector.shape_cast %add3A_96 : vector<16xi32> to vector<16xi32>
    tpu.vector_store %arg13[%swap3A_97], %swap3A_100 {strides = array<i32>} : memref<512xi32, #tpu.memory_space<vmem>>, vector<16xi32>,
    %get3A_101 = arith.constant 160 : index
    %get3A_102 = tpu.vector_load %arg12[%get3A_101] {strides = array<i32>} : memref<512xi32, #tpu.memory_space<vmem>>, vector<16xi32>,
    %get3A_103 = vector.shape_cast %get3A_102 : vector<16xi32> to vector<16xi32>
    %add3A_104 = arith.constant 1373 : i32
    %add3A_105 = vector.broadcast %add3A_104 : i32 to vector<16xi32>
    %add3A_106 = arith.addi %get3A_103, %add3A_105 : vector<16xi32>
    %swap3A_107 = arith.constant 160 : index
    %swap3A_108 = tpu.vector_load %arg13[%swap3A_107] {strides = array<i32>} : memref<512xi32, #tpu.memory_space<vmem>>, vector<16xi32>,
    %swap3A_109 = vector.shape_cast %swap3A_108 : vector<16xi32> to vector<16xi32>
    %swap3A_110 = vector.shape_cast %add3A_106 : vector<16xi32> to vector<16xi32>
    tpu.vector_store %arg13[%swap3A_107], %swap3A_110 {strides = array<i32>} : memref<512xi32, #tpu.memory_space<vmem>>, vector<16xi32>,
    %get3A_111 = arith.constant 176 : index
    %get3A_112 = tpu.vector_load %arg12[%get3A_111] {strides = array<i32>} : memref<512xi32, #tpu.memory_space<vmem>>, vector<16xi32>,
    %get3A_113 = vector.shape_cast %get3A_112 : vector<16xi32> to vector<16xi32>
    %add3A_114 = arith.constant 1373 : i32
    %add3A_115 = vector.broadcast %add3A_114 : i32 to vector<16xi32>
    %add3A_116 = arith.addi %get3A_113, %add3A_115 : vector<16xi32>
    %swap3A_117 = arith.constant 176 : index
    %swap3A_118 = tpu.vector_load %arg13[%swap3A_117] {strides = array<i32>} : memref<512xi32, #tpu.memory_space<vmem>>, vector<16xi32>,
    %swap3A_119 = vector.shape_cast %swap3A_118 : vector<16xi32> to vector<16xi32>
    %swap3A_120 = vector.shape_cast %add3A_116 : vector<16xi32> to vector<16xi32>
    tpu.vector_store %arg13[%swap3A_117], %swap3A_120 {strides = array<i32>} : memref<512xi32, #tpu.memory_space<vmem>>, vector<16xi32>,
    %get3A_121 = arith.constant 192 : index
    %get3A_122 = tpu.vector_load %arg12[%get3A_121] {strides = array<i32>} : memref<512xi32, #tpu.memory_space<vmem>>, vector<16xi32>,
    %get3A_123 = vector.shape_cast %get3A_122 : vector<16xi32> to vector<16xi32>
    %add3A_124 = arith.constant 1373 : i32
    %add3A_125 = vector.broadcast %add3A_124 : i32 to vector<16xi32>
    %add3A_126 = arith.addi %get3A_123, %add3A_125 : vector<16xi32>
    %swap3A_127 = arith.constant 192 : index
    %swap3A_128 = tpu.vector_load %arg13[%swap3A_127] {strides = array<i32>} : memref<512xi32, #tpu.memory_space<vmem>>, vector<16xi32>,
    %swap3A_129 = vector.shape_cast %swap3A_128 : vector<16xi32> to vector<16xi32>
    %swap3A_130 = vector.shape_cast %add3A_126 : vector<16xi32> to vector<16xi32>
    tpu.vector_store %arg13[%swap3A_127], %swap3A_130 {strides = array<i32>} : memref<512xi32, #tpu.memory_space<vmem>>, vector<16xi32>,
    %get3A_131 = arith.constant 208 : index
    %get3A_132 = tpu.vector_load %arg12[%get3A_131] {strides = array<i32>} : memref<512xi32, #tpu.memory_space<vmem>>, vector<16xi32>,
    %get3A_133 = vector.shape_cast %get3A_132 : vector<16xi32> to vector<16xi32>
    %add3A_134 = arith.constant 1373 : i32
    %add3A_135 = vector.broadcast %add3A_134 : i32 to vector<16xi32>
    %add3A_136 = arith.addi %get3A_133, %add3A_135 : vector<16xi32>
    %swap3A_137 = arith.constant 208 : index
    %swap3A_138 = tpu.vector_load %arg13[%swap3A_137] {strides = array<i32>} : memref<512xi32, #tpu.memory_space<vmem>>, vector<16xi32>,
    %swap3A_139 = vector.shape_cast %swap3A_138 : vector<16xi32> to vector<16xi32>
    %swap3A_140 = vector.shape_cast %add3A_136 : vector<16xi32> to vector<16xi32>
    tpu.vector_store %arg13[%swap3A_137], %swap3A_140 {strides = array<i32>} : memref<512xi32, #tpu.memory_space<vmem>>, vector<16xi32>,
    %get3A_141 = arith.constant 224 : index
    %get3A_142 = tpu.vector_load %arg12[%get3A_141] {strides = array<i32>} : memref<512xi32, #tpu.memory_space<vmem>>, vector<16xi32>,
    %get3A_143 = vector.shape_cast %get3A_142 : vector<16xi32> to vector<16xi32>
    %add3A_144 = arith.constant 1373 : i32
    %add3A_145 = vector.broadcast %add3A_144 : i32 to vector<16xi32>
    %add3A_146 = arith.addi %get3A_143, %add3A_145 : vector<16xi32>
    %swap3A_147 = arith.constant 224 : index
    %swap3A_148 = tpu.vector_load %arg13[%swap3A_147] {strides = array<i32>} : memref<512xi32, #tpu.memory_space<vmem>>, vector<16xi32>,
    %swap3A_149 = vector.shape_cast %swap3A_148 : vector<16xi32> to vector<16xi32>
    %swap3A_150 = vector.shape_cast %add3A_146 : vector<16xi32> to vector<16xi32>
    tpu.vector_store %arg13[%swap3A_147], %swap3A_150 {strides = array<i32>} : memref<512xi32, #tpu.memory_space<vmem>>, vector<16xi32>,
    %get3A_151 = arith.constant 240 : index
    %get3A_152 = tpu.vector_load %arg12[%get3A_151] {strides = array<i32>} : memref<512xi32, #tpu.memory_space<vmem>>, vector<16xi32>,
    %get3A_153 = vector.shape_cast %get3A_152 : vector<16xi32> to vector<16xi32>
    %add3A_154 = arith.constant 1373 : i32
    %add3A_155 = vector.broadcast %add3A_154 : i32 to vector<16xi32>
    %add3A_156 = arith.addi %get3A_153, %add3A_155 : vector<16xi32>
    %swap3A_157 = arith.constant 240 : index
    %swap3A_158 = tpu.vector_load %arg13[%swap3A_157] {strides = array<i32>} : memref<512xi32, #tpu.memory_space<vmem>>, vector<16xi32>,
    %swap3A_159 = vector.shape_cast %swap3A_158 : vector<16xi32> to vector<16xi32>
    %swap3A_160 = vector.shape_cast %add3A_156 : vector<16xi32> to vector<16xi32>
    tpu.vector_store %arg13[%swap3A_157], %swap3A_160 {strides = array<i32>} : memref<512xi32, #tpu.memory_space<vmem>>, vector<16xi32>,
    %get3A_161 = arith.constant 256 : index
    %get3A_162 = tpu.vector_load %arg12[%get3A_161] {strides = array<i32>} : memref<512xi32, #tpu.memory_space<vmem>>, vector<16xi32>,
    %get3A_163 = vector.shape_cast %get3A_162 : vector<16xi32> to vector<16xi32>
    %add3A_164 = arith.constant 1373 : i32
    %add3A_165 = vector.broadcast %add3A_164 : i32 to vector<16xi32>
    %add3A_166 = arith.addi %get3A_163, %add3A_165 : vector<16xi32>
    %swap3A_167 = arith.constant 256 : index
    %swap3A_168 = tpu.vector_load %arg13[%swap3A_167] {strides = array<i32>} : memref<512xi32, #tpu.memory_space<vmem>>, vector<16xi32>,
    %swap3A_169 = vector.shape_cast %swap3A_168 : vector<16xi32> to vector<16xi32>
    %swap3A_170 = vector.shape_cast %add3A_166 : vector<16xi32> to vector<16xi32>
    tpu.vector_store %arg13[%swap3A_167], %swap3A_170 {strides = array<i32>} : memref<512xi32, #tpu.memory_space<vmem>>, vector<16xi32>,
    %get3A_171 = arith.constant 272 : index
    %get3A_172 = tpu.vector_load %arg12[%get3A_171] {strides = array<i32>} : memref<512xi32, #tpu.memory_space<vmem>>, vector<16xi32>,
    %get3A_173 = vector.shape_cast %get3A_172 : vector<16xi32> to vector<16xi32>
    %add3A_174 = arith.constant 1373 : i32
    %add3A_175 = vector.broadcast %add3A_174 : i32 to vector<16xi32>
    %add3A_176 = arith.addi %get3A_173, %add3A_175 : vector<16xi32>
    %swap3A_177 = arith.constant 272 : index
    %swap3A_178 = tpu.vector_load %arg13[%swap3A_177] {strides = array<i32>} : memref<512xi32, #tpu.memory_space<vmem>>, vector<16xi32>,
    %swap3A_179 = vector.shape_cast %swap3A_178 : vector<16xi32> to vector<16xi32>
    %swap3A_180 = vector.shape_cast %add3A_176 : vector<16xi32> to vector<16xi32>
    tpu.vector_store %arg13[%swap3A_177], %swap3A_180 {strides = array<i32>} : memref<512xi32, #tpu.memory_space<vmem>>, vector<16xi32>,
    %get3A_181 = arith.constant 288 : index
    %get3A_182 = tpu.vector_load %arg12[%get3A_181] {strides = array<i32>} : memref<512xi32, #tpu.memory_space<vmem>>, vector<16xi32>,
    %get3A_183 = vector.shape_cast %get3A_182 : vector<16xi32> to vector<16xi32>
    %add3A_184 = arith.constant 1373 : i32
    %add3A_185 = vector.broadcast %add3A_184 : i32 to vector<16xi32>
    %add3A_186 = arith.addi %get3A_183, %add3A_185 : vector<16xi32>
    %swap3A_187 = arith.constant 288 : index
    %swap3A_188 = tpu.vector_load %arg13[%swap3A_187] {strides = array<i32>} : memref<512xi32, #tpu.memory_space<vmem>>, vector<16xi32>,
    %swap3A_189 = vector.shape_cast %swap3A_188 : vector<16xi32> to vector<16xi32>
    %swap3A_190 = vector.shape_cast %add3A_186 : vector<16xi32> to vector<16xi32>
    tpu.vector_store %arg13[%swap3A_187], %swap3A_190 {strides = array<i32>} : memref<512xi32, #tpu.memory_space<vmem>>, vector<16xi32>,
    %get3A_191 = arith.constant 304 : index
    %get3A_192 = tpu.vector_load %arg12[%get3A_191] {strides = array<i32>} : memref<512xi32, #tpu.memory_space<vmem>>, vector<16xi32>,
    %get3A_193 = vector.shape_cast %get3A_192 : vector<16xi32> to vector<16xi32>
    %add3A_194 = arith.constant 1373 : i32
    %add3A_195 = vector.broadcast %add3A_194 : i32 to vector<16xi32>
    %add3A_196 = arith.addi %get3A_193, %add3A_195 : vector<16xi32>
    %swap3A_197 = arith.constant 304 : index
    %swap3A_198 = tpu.vector_load %arg13[%swap3A_197] {strides = array<i32>} : memref<512xi32, #tpu.memory_space<vmem>>, vector<16xi32>,
    %swap3A_199 = vector.shape_cast %swap3A_198 : vector<16xi32> to vector<16xi32>
    %swap3A_200 = vector.shape_cast %add3A_196 : vector<16xi32> to vector<16xi32>
    tpu.vector_store %arg13[%swap3A_197], %swap3A_200 {strides = array<i32>} : memref<512xi32, #tpu.memory_space<vmem>>, vector<16xi32>,
    %get3A_201 = arith.constant 320 : index
    %get3A_202 = tpu.vector_load %arg12[%get3A_201] {strides = array<i32>} : memref<512xi32, #tpu.memory_space<vmem>>, vector<16xi32>,
    %get3A_203 = vector.shape_cast %get3A_202 : vector<16xi32> to vector<16xi32>
    %add3A_204 = arith.constant 1373 : i32
    %add3A_205 = vector.broadcast %add3A_204 : i32 to vector<16xi32>
    %add3A_206 = arith.addi %get3A_203, %add3A_205 : vector<16xi32>
    %swap3A_207 = arith.constant 320 : index
    %swap3A_208 = tpu.vector_load %arg13[%swap3A_207] {strides = array<i32>} : memref<512xi32, #tpu.memory_space<vmem>>, vector<16xi32>,
    %swap3A_209 = vector.shape_cast %swap3A_208 : vector<16xi32> to vector<16xi32>
    %swap3A_210 = vector.shape_cast %add3A_206 : vector<16xi32> to vector<16xi32>
    tpu.vector_store %arg13[%swap3A_207], %swap3A_210 {strides = array<i32>} : memref<512xi32, #tpu.memory_space<vmem>>, vector<16xi32>,
    %get3A_211 = arith.constant 336 : index
    %get3A_212 = tpu.vector_load %arg12[%get3A_211] {strides = array<i32>} : memref<512xi32, #tpu.memory_space<vmem>>, vector<16xi32>,
    %get3A_213 = vector.shape_cast %get3A_212 : vector<16xi32> to vector<16xi32>
    %add3A_214 = arith.constant 1373 : i32
    %add3A_215 = vector.broadcast %add3A_214 : i32 to vector<16xi32>
    %add3A_216 = arith.addi %get3A_213, %add3A_215 : vector<16xi32>
    %swap3A_217 = arith.constant 336 : index
    %swap3A_218 = tpu.vector_load %arg13[%swap3A_217] {strides = array<i32>} : memref<512xi32, #tpu.memory_space<vmem>>, vector<16xi32>,
    %swap3A_219 = vector.shape_cast %swap3A_218 : vector<16xi32> to vector<16xi32>
    %swap3A_220 = vector.shape_cast %add3A_216 : vector<16xi32> to vector<16xi32>
    tpu.vector_store %arg13[%swap3A_217], %swap3A_220 {strides = array<i32>} : memref<512xi32, #tpu.memory_space<vmem>>, vector<16xi32>,
    %get3A_221 = arith.constant 352 : index
    %get3A_222 = tpu.vector_load %arg12[%get3A_221] {strides = array<i32>} : memref<512xi32, #tpu.memory_space<vmem>>, vector<16xi32>,
    %get3A_223 = vector.shape_cast %get3A_222 : vector<16xi32> to vector<16xi32>
    %add3A_224 = arith.constant 1373 : i32
    %add3A_225 = vector.broadcast %add3A_224 : i32 to vector<16xi32>
    %add3A_226 = arith.addi %get3A_223, %add3A_225 : vector<16xi32>
    %swap3A_227 = arith.constant 352 : index
    %swap3A_228 = tpu.vector_load %arg13[%swap3A_227] {strides = array<i32>} : memref<512xi32, #tpu.memory_space<vmem>>, vector<16xi32>,
    %swap3A_229 = vector.shape_cast %swap3A_228 : vector<16xi32> to vector<16xi32>
    %swap3A_230 = vector.shape_cast %add3A_226 : vector<16xi32> to vector<16xi32>
    tpu.vector_store %arg13[%swap3A_227], %swap3A_230 {strides = array<i32>} : memref<512xi32, #tpu.memory_space<vmem>>, vector<16xi32>,
    %get3A_231 = arith.constant 368 : index
    %get3A_232 = tpu.vector_load %arg12[%get3A_231] {strides = array<i32>} : memref<512xi32, #tpu.memory_space<vmem>>, vector<16xi32>,
    %get3A_233 = vector.shape_cast %get3A_232 : vector<16xi32> to vector<16xi32>
    %add3A_234 = arith.constant 1373 : i32
    %add3A_235 = vector.broadcast %add3A_234 : i32 to vector<16xi32>
    %add3A_236 = arith.addi %get3A_233, %add3A_235 : vector<16xi32>
    %swap3A_237 = arith.constant 368 : index
    %swap3A_238 = tpu.vector_load %arg13[%swap3A_237] {strides = array<i32>} : memref<512xi32, #tpu.memory_space<vmem>>, vector<16xi32>,
    %swap3A_239 = vector.shape_cast %swap3A_238 : vector<16xi32> to vector<16xi32>
    %swap3A_240 = vector.shape_cast %add3A_236 : vector<16xi32> to vector<16xi32>
    tpu.vector_store %arg13[%swap3A_237], %swap3A_240 {strides = array<i32>} : memref<512xi32, #tpu.memory_space<vmem>>, vector<16xi32>,
    %get3A_241 = arith.constant 384 : index
    %get3A_242 = tpu.vector_load %arg12[%get3A_241] {strides = array<i32>} : memref<512xi32, #tpu.memory_space<vmem>>, vector<16xi32>,
    %get3A_243 = vector.shape_cast %get3A_242 : vector<16xi32> to vector<16xi32>
    %add3A_244 = arith.constant 1373 : i32
    %add3A_245 = vector.broadcast %add3A_244 : i32 to vector<16xi32>
    %add3A_246 = arith.addi %get3A_243, %add3A_245 : vector<16xi32>
    %swap3A_247 = arith.constant 384 : index
    %swap3A_248 = tpu.vector_load %arg13[%swap3A_247] {strides = array<i32>} : memref<512xi32, #tpu.memory_space<vmem>>, vector<16xi32>,
    %swap3A_249 = vector.shape_cast %swap3A_248 : vector<16xi32> to vector<16xi32>
    %swap3A_250 = vector.shape_cast %add3A_246 : vector<16xi32> to vector<16xi32>
    tpu.vector_store %arg13[%swap3A_247], %swap3A_250 {strides = array<i32>} : memref<512xi32, #tpu.memory_space<vmem>>, vector<16xi32>,
    %get3A_251 = arith.constant 400 : index
    %get3A_252 = tpu.vector_load %arg12[%get3A_251] {strides = array<i32>} : memref<512xi32, #tpu.memory_space<vmem>>, vector<16xi32>,
    %get3A_253 = vector.shape_cast %get3A_252 : vector<16xi32> to vector<16xi32>
    %add3A_254 = arith.constant 1373 : i32
    %add3A_255 = vector.broadcast %add3A_254 : i32 to vector<16xi32>
    %add3A_256 = arith.addi %get3A_253, %add3A_255 : vector<16xi32>
    %swap3A_257 = arith.constant 400 : index
    %swap3A_258 = tpu.vector_load %arg13[%swap3A_257] {strides = array<i32>} : memref<512xi32, #tpu.memory_space<vmem>>, vector<16xi32>,
    %swap3A_259 = vector.shape_cast %swap3A_258 : vector<16xi32> to vector<16xi32>
    %swap3A_260 = vector.shape_cast %add3A_256 : vector<16xi32> to vector<16xi32>
    tpu.vector_store %arg13[%swap3A_257], %swap3A_260 {strides = array<i32>} : memref<512xi32, #tpu.memory_space<vmem>>, vector<16xi32>,
    %get3A_261 = arith.constant 416 : index
    %get3A_262 = tpu.vector_load %arg12[%get3A_261] {strides = array<i32>} : memref<512xi32, #tpu.memory_space<vmem>>, vector<16xi32>,
    %get3A_263 = vector.shape_cast %get3A_262 : vector<16xi32> to vector<16xi32>
    %add3A_264 = arith.constant 1373 : i32
    %add3A_265 = vector.broadcast %add3A_264 : i32 to vector<16xi32>
    %add3A_266 = arith.addi %get3A_263, %add3A_265 : vector<16xi32>
    %swap3A_267 = arith.constant 416 : index
    %swap3A_268 = tpu.vector_load %arg13[%swap3A_267] {strides = array<i32>} : memref<512xi32, #tpu.memory_space<vmem>>, vector<16xi32>,
    %swap3A_269 = vector.shape_cast %swap3A_268 : vector<16xi32> to vector<16xi32>
    %swap3A_270 = vector.shape_cast %add3A_266 : vector<16xi32> to vector<16xi32>
    tpu.vector_store %arg13[%swap3A_267], %swap3A_270 {strides = array<i32>} : memref<512xi32, #tpu.memory_space<vmem>>, vector<16xi32>,
    %get3A_271 = arith.constant 432 : index
    %get3A_272 = tpu.vector_load %arg12[%get3A_271] {strides = array<i32>} : memref<512xi32, #tpu.memory_space<vmem>>, vector<16xi32>,
    %get3A_273 = vector.shape_cast %get3A_272 : vector<16xi32> to vector<16xi32>
    %add3A_274 = arith.constant 1373 : i32
    %add3A_275 = vector.broadcast %add3A_274 : i32 to vector<16xi32>
    %add3A_276 = arith.addi %get3A_273, %add3A_275 : vector<16xi32>
    %swap3A_277 = arith.constant 432 : index
    %swap3A_278 = tpu.vector_load %arg13[%swap3A_277] {strides = array<i32>} : memref<512xi32, #tpu.memory_space<vmem>>, vector<16xi32>,
    %swap3A_279 = vector.shape_cast %swap3A_278 : vector<16xi32> to vector<16xi32>
    %swap3A_280 = vector.shape_cast %add3A_276 : vector<16xi32> to vector<16xi32>
    tpu.vector_store %arg13[%swap3A_277], %swap3A_280 {strides = array<i32>} : memref<512xi32, #tpu.memory_space<vmem>>, vector<16xi32>,
    %get3A_281 = arith.constant 448 : index
    %get3A_282 = tpu.vector_load %arg12[%get3A_281] {strides = array<i32>} : memref<512xi32, #tpu.memory_space<vmem>>, vector<16xi32>,
    %get3A_283 = vector.shape_cast %get3A_282 : vector<16xi32> to vector<16xi32>
    %add3A_284 = arith.constant 1373 : i32
    %add3A_285 = vector.broadcast %add3A_284 : i32 to vector<16xi32>
    %add3A_286 = arith.addi %get3A_283, %add3A_285 : vector<16xi32>
    %swap3A_287 = arith.constant 448 : index
    %swap3A_288 = tpu.vector_load %arg13[%swap3A_287] {strides = array<i32>} : memref<512xi32, #tpu.memory_space<vmem>>, vector<16xi32>,
    %swap3A_289 = vector.shape_cast %swap3A_288 : vector<16xi32> to vector<16xi32>
    %swap3A_290 = vector.shape_cast %add3A_286 : vector<16xi32> to vector<16xi32>
    tpu.vector_store %arg13[%swap3A_287], %swap3A_290 {strides = array<i32>} : memref<512xi32, #tpu.memory_space<vmem>>, vector<16xi32>,
    %get3A_291 = arith.constant 464 : index
    %get3A_292 = tpu.vector_load %arg12[%get3A_291] {strides = array<i32>} : memref<512xi32, #tpu.memory_space<vmem>>, vector<16xi32>,
    %get3A_293 = vector.shape_cast %get3A_292 : vector<16xi32> to vector<16xi32>
    %add3A_294 = arith.constant 1373 : i32
    %add3A_295 = vector.broadcast %add3A_294 : i32 to vector<16xi32>
    %add3A_296 = arith.addi %get3A_293, %add3A_295 : vector<16xi32>
    %swap3A_297 = arith.constant 464 : index
    %swap3A_298 = tpu.vector_load %arg13[%swap3A_297] {strides = array<i32>} : memref<512xi32, #tpu.memory_space<vmem>>, vector<16xi32>,
    %swap3A_299 = vector.shape_cast %swap3A_298 : vector<16xi32> to vector<16xi32>
    %swap3A_300 = vector.shape_cast %add3A_296 : vector<16xi32> to vector<16xi32>
    tpu.vector_store %arg13[%swap3A_297], %swap3A_300 {strides = array<i32>} : memref<512xi32, #tpu.memory_space<vmem>>, vector<16xi32>,
    %get3A_301 = arith.constant 480 : index
    %get3A_302 = tpu.vector_load %arg12[%get3A_301] {strides = array<i32>} : memref<512xi32, #tpu.memory_space<vmem>>, vector<16xi32>,
    %get3A_303 = vector.shape_cast %get3A_302 : vector<16xi32> to vector<16xi32>
    %add3A_304 = arith.constant 1373 : i32
    %add3A_305 = vector.broadcast %add3A_304 : i32 to vector<16xi32>
    %add3A_306 = arith.addi %get3A_303, %add3A_305 : vector<16xi32>
    %swap3A_307 = arith.constant 480 : index
    %swap3A_308 = tpu.vector_load %arg13[%swap3A_307] {strides = array<i32>} : memref<512xi32, #tpu.memory_space<vmem>>, vector<16xi32>,
    %swap3A_309 = vector.shape_cast %swap3A_308 : vector<16xi32> to vector<16xi32>
    %swap3A_310 = vector.shape_cast %add3A_306 : vector<16xi32> to vector<16xi32>
    tpu.vector_store %arg13[%swap3A_307], %swap3A_310 {strides = array<i32>} : memref<512xi32, #tpu.memory_space<vmem>>, vector<16xi32>,
    %get3A_311 = arith.constant 496 : index
    %get3A_312 = tpu.vector_load %arg12[%get3A_311] {strides = array<i32>} : memref<512xi32, #tpu.memory_space<vmem>>, vector<16xi32>,
    %get3A_313 = vector.shape_cast %get3A_312 : vector<16xi32> to vector<16xi32>
    %add3A_314 = arith.constant 1373 : i32
    %add3A_315 = vector.broadcast %add3A_314 : i32 to vector<16xi32>
    %add3A_316 = arith.addi %get3A_313, %add3A_315 : vector<16xi32>
    %swap3A_317 = arith.constant 496 : index
    %swap3A_318 = tpu.vector_load %arg13[%swap3A_317] {strides = array<i32>} : memref<512xi32, #tpu.memory_space<vmem>>, vector<16xi32>,
    %swap3A_319 = vector.shape_cast %swap3A_318 : vector<16xi32> to vector<16xi32>
    %swap3A_320 = vector.shape_cast %add3A_316 : vector<16xi32> to vector<16xi32>
    tpu.vector_store %arg13[%swap3A_317], %swap3A_320 {strides = array<i32>} : memref<512xi32, #tpu.memory_space<vmem>>, vector<16xi32>,
    %dma_start3A = arith.constant 0 : i32
    %dma_start3A_321 = arith.constant 0 : i32
    %dma_start3A_322 = tpu.memref_slice %arg14[%dma_start3A, %dma_start3A_321] : memref<16x1024xf32, #tpu.memory_space<vmem>> -> memref<16x256xf32, #tpu.memory_space<vmem>>
    %dma_start3A_323 = arith.constant 0 : i32
    %dma_start3A_324 = tpu.memref_slice %arg11[%dma_start3A_323] : memref<512xi32, #tpu.memory_space<vmem>> -> memref<16xi32, #tpu.memory_space<vmem>>
    %dma_start3A_325 = arith.constant 0 : i32
    %dma_start3A_326 = arith.constant 0 : i32
    %dma_start3A_327 = tpu.memref_slice %arg4[%dma_start3A_325, %dma_start3A_326] : memref<1373x256xf32, #tpu.memory_space<hbm>> -> memref<1373x256xf32, #tpu.memory_space<hbm>>
    tpu.enqueue_indirect_dma source(%dma_start3A_327 : memref<1373x256xf32, #tpu.memory_space<hbm>>) target(%dma_start3A_322 : memref<16x256xf32, #tpu.memory_space<vmem>>) offsets(%dma_start3A_324 : memref<16xi32, #tpu.memory_space<vmem>>) semaphore(%arg20 : memref<!tpu.dma_semaphore, #tpu.memory_space<semaphore_mem>>)
    %dma_start3A_328 = arith.constant 0 : i32
    %dma_start3A_329 = arith.constant 256 : i32
    %dma_start3A_330 = tpu.memref_slice %arg14[%dma_start3A_328, %dma_start3A_329] : memref<16x1024xf32, #tpu.memory_space<vmem>> -> memref<16x256xf32, #tpu.memory_space<vmem>>
    %dma_start3A_331 = arith.constant 0 : i32
    %dma_start3A_332 = tpu.memref_slice %arg11[%dma_start3A_331] : memref<512xi32, #tpu.memory_space<vmem>> -> memref<16xi32, #tpu.memory_space<vmem>>
    %dma_start3A_333 = arith.constant 0 : i32
    %dma_start3A_334 = arith.constant 0 : i32
    %dma_start3A_335 = tpu.memref_slice %arg5[%dma_start3A_333, %dma_start3A_334] : memref<1373x256xf32, #tpu.memory_space<hbm>> -> memref<1373x256xf32, #tpu.memory_space<hbm>>
    tpu.enqueue_indirect_dma source(%dma_start3A_335 : memref<1373x256xf32, #tpu.memory_space<hbm>>) target(%dma_start3A_330 : memref<16x256xf32, #tpu.memory_space<vmem>>) offsets(%dma_start3A_332 : memref<16xi32, #tpu.memory_space<vmem>>) semaphore(%arg20 : memref<!tpu.dma_semaphore, #tpu.memory_space<semaphore_mem>>)
    %dma_start3A_336 = arith.constant 0 : i32
    %dma_start3A_337 = arith.constant 512 : i32
    %dma_start3A_338 = tpu.memref_slice %arg14[%dma_start3A_336, %dma_start3A_337] : memref<16x1024xf32, #tpu.memory_space<vmem>> -> memref<16x256xf32, #tpu.memory_space<vmem>>
    %dma_start3A_339 = arith.constant 0 : i32
    %dma_start3A_340 = tpu.memref_slice %arg11[%dma_start3A_339] : memref<512xi32, #tpu.memory_space<vmem>> -> memref<16xi32, #tpu.memory_space<vmem>>
    %dma_start3A_341 = arith.constant 0 : i32
    %dma_start3A_342 = arith.constant 0 : i32
    %dma_start3A_343 = tpu.memref_slice %arg2[%dma_start3A_341, %dma_start3A_342] : memref<1546x256xf32, #tpu.memory_space<hbm>> -> memref<1546x256xf32, #tpu.memory_space<hbm>>
    tpu.enqueue_indirect_dma source(%dma_start3A_343 : memref<1546x256xf32, #tpu.memory_space<hbm>>) target(%dma_start3A_338 : memref<16x256xf32, #tpu.memory_space<vmem>>) offsets(%dma_start3A_340 : memref<16xi32, #tpu.memory_space<vmem>>) semaphore(%arg20 : memref<!tpu.dma_semaphore, #tpu.memory_space<semaphore_mem>>)
    %dma_start3A_344 = arith.constant 0 : i32
    %dma_start3A_345 = arith.constant 768 : i32
    %dma_start3A_346 = tpu.memref_slice %arg14[%dma_start3A_344, %dma_start3A_345] : memref<16x1024xf32, #tpu.memory_space<vmem>> -> memref<16x256xf32, #tpu.memory_space<vmem>>
    %dma_start3A_347 = arith.constant 0 : i32
    %dma_start3A_348 = tpu.memref_slice %arg11[%dma_start3A_347] : memref<512xi32, #tpu.memory_space<vmem>> -> memref<16xi32, #tpu.memory_space<vmem>>
    %dma_start3A_349 = arith.constant 0 : i32
    %dma_start3A_350 = arith.constant 0 : i32
    %dma_start3A_351 = tpu.memref_slice %arg3[%dma_start3A_349, %dma_start3A_350] : memref<1546x256xf32, #tpu.memory_space<hbm>> -> memref<1546x256xf32, #tpu.memory_space<hbm>>
    tpu.enqueue_indirect_dma source(%dma_start3A_351 : memref<1546x256xf32, #tpu.memory_space<hbm>>) target(%dma_start3A_346 : memref<16x256xf32, #tpu.memory_space<vmem>>) offsets(%dma_start3A_348 : memref<16xi32, #tpu.memory_space<vmem>>) semaphore(%arg20 : memref<!tpu.dma_semaphore, #tpu.memory_space<semaphore_mem>>)
    %dma_start3A_352 = arith.constant 0 : i32
    %dma_start3A_353 = arith.constant 0 : i32
    %dma_start3A_354 = tpu.memref_slice %arg15[%dma_start3A_352, %dma_start3A_353] : memref<16x1024xf32, #tpu.memory_space<vmem>> -> memref<16x256xf32, #tpu.memory_space<vmem>>
    %dma_start3A_355 = arith.constant 0 : i32
    %dma_start3A_356 = tpu.memref_slice %arg12[%dma_start3A_355] : memref<512xi32, #tpu.memory_space<vmem>> -> memref<16xi32, #tpu.memory_space<vmem>>
    %dma_start3A_357 = arith.constant 0 : i32
    %dma_start3A_358 = arith.constant 0 : i32
    %dma_start3A_359 = tpu.memref_slice %arg6[%dma_start3A_357, %dma_start3A_358] : memref<173x256xf32, #tpu.memory_space<hbm>> -> memref<173x256xf32, #tpu.memory_space<hbm>>
    tpu.enqueue_indirect_dma source(%dma_start3A_359 : memref<173x256xf32, #tpu.memory_space<hbm>>) target(%dma_start3A_354 : memref<16x256xf32, #tpu.memory_space<vmem>>) offsets(%dma_start3A_356 : memref<16xi32, #tpu.memory_space<vmem>>) semaphore(%arg20 : memref<!tpu.dma_semaphore, #tpu.memory_space<semaphore_mem>>)
    %dma_start3A_360 = arith.constant 0 : i32
    %dma_start3A_361 = arith.constant 256 : i32
    %dma_start3A_362 = tpu.memref_slice %arg15[%dma_start3A_360, %dma_start3A_361] : memref<16x1024xf32, #tpu.memory_space<vmem>> -> memref<16x256xf32, #tpu.memory_space<vmem>>
    %dma_start3A_363 = arith.constant 0 : i32
    %dma_start3A_364 = tpu.memref_slice %arg12[%dma_start3A_363] : memref<512xi32, #tpu.memory_space<vmem>> -> memref<16xi32, #tpu.memory_space<vmem>>
    %dma_start3A_365 = arith.constant 0 : i32
    %dma_start3A_366 = arith.constant 0 : i32
    %dma_start3A_367 = tpu.memref_slice %arg7[%dma_start3A_365, %dma_start3A_366] : memref<173x256xf32, #tpu.memory_space<hbm>> -> memref<173x256xf32, #tpu.memory_space<hbm>>
    tpu.enqueue_indirect_dma source(%dma_start3A_367 : memref<173x256xf32, #tpu.memory_space<hbm>>) target(%dma_start3A_362 : memref<16x256xf32, #tpu.memory_space<vmem>>) offsets(%dma_start3A_364 : memref<16xi32, #tpu.memory_space<vmem>>) semaphore(%arg20 : memref<!tpu.dma_semaphore, #tpu.memory_space<semaphore_mem>>)
    %dma_start3A_368 = arith.constant 0 : i32
    %dma_start3A_369 = arith.constant 512 : i32
    %dma_start3A_370 = tpu.memref_slice %arg15[%dma_start3A_368, %dma_start3A_369] : memref<16x1024xf32, #tpu.memory_space<vmem>> -> memref<16x256xf32, #tpu.memory_space<vmem>>
    %dma_start3A_371 = arith.constant 0 : i32
    %dma_start3A_372 = tpu.memref_slice %arg13[%dma_start3A_371] : memref<512xi32, #tpu.memory_space<vmem>> -> memref<16xi32, #tpu.memory_space<vmem>>
    %dma_start3A_373 = arith.constant 0 : i32
    %dma_start3A_374 = arith.constant 0 : i32
    %dma_start3A_375 = tpu.memref_slice %arg2[%dma_start3A_373, %dma_start3A_374] : memref<1546x256xf32, #tpu.memory_space<hbm>> -> memref<1546x256xf32, #tpu.memory_space<hbm>>
    tpu.enqueue_indirect_dma source(%dma_start3A_375 : memref<1546x256xf32, #tpu.memory_space<hbm>>) target(%dma_start3A_370 : memref<16x256xf32, #tpu.memory_space<vmem>>) offsets(%dma_start3A_372 : memref<16xi32, #tpu.memory_space<vmem>>) semaphore(%arg20 : memref<!tpu.dma_semaphore, #tpu.memory_space<semaphore_mem>>)
    %dma_start3A_376 = arith.constant 0 : i32
    %dma_start3A_377 = arith.constant 768 : i32
    %dma_start3A_378 = tpu.memref_slice %arg15[%dma_start3A_376, %dma_start3A_377] : memref<16x1024xf32, #tpu.memory_space<vmem>> -> memref<16x256xf32, #tpu.memory_space<vmem>>
    %dma_start3A_379 = arith.constant 0 : i32
    %dma_start3A_380 = tpu.memref_slice %arg13[%dma_start3A_379] : memref<512xi32, #tpu.memory_space<vmem>> -> memref<16xi32, #tpu.memory_space<vmem>>
    %dma_start3A_381 = arith.constant 0 : i32
    %dma_start3A_382 = arith.constant 0 : i32
    %dma_start3A_383 = tpu.memref_slice %arg3[%dma_start3A_381, %dma_start3A_382] : memref<1546x256xf32, #tpu.memory_space<hbm>> -> memref<1546x256xf32, #tpu.memory_space<hbm>>
    tpu.enqueue_indirect_dma source(%dma_start3A_383 : memref<1546x256xf32, #tpu.memory_space<hbm>>) target(%dma_start3A_378 : memref<16x256xf32, #tpu.memory_space<vmem>>) offsets(%dma_start3A_380 : memref<16xi32, #tpu.memory_space<vmem>>) semaphore(%arg20 : memref<!tpu.dma_semaphore, #tpu.memory_space<semaphore_mem>>)
    %dma_start3A_384 = arith.constant 0 : i32
    %dma_start3A_385 = arith.constant 0 : i32
    %dma_start3A_386 = tpu.memref_slice %arg16[%dma_start3A_384, %dma_start3A_385] : memref<16x1024xf32, #tpu.memory_space<vmem>> -> memref<16x256xf32, #tpu.memory_space<vmem>>
    %dma_start3A_387 = arith.constant 16 : i32
    %dma_start3A_388 = tpu.memref_slice %arg11[%dma_start3A_387] : memref<512xi32, #tpu.memory_space<vmem>> -> memref<16xi32, #tpu.memory_space<vmem>>
    %dma_start3A_389 = arith.constant 0 : i32
    %dma_start3A_390 = arith.constant 0 : i32
    %dma_start3A_391 = tpu.memref_slice %arg4[%dma_start3A_389, %dma_start3A_390] : memref<1373x256xf32, #tpu.memory_space<hbm>> -> memref<1373x256xf32, #tpu.memory_space<hbm>>
    tpu.enqueue_indirect_dma source(%dma_start3A_391 : memref<1373x256xf32, #tpu.memory_space<hbm>>) target(%dma_start3A_386 : memref<16x256xf32, #tpu.memory_space<vmem>>) offsets(%dma_start3A_388 : memref<16xi32, #tpu.memory_space<vmem>>) semaphore(%arg21 : memref<!tpu.dma_semaphore, #tpu.memory_space<semaphore_mem>>)
    %dma_start3A_392 = arith.constant 0 : i32
    %dma_start3A_393 = arith.constant 256 : i32
    %dma_start3A_394 = tpu.memref_slice %arg16[%dma_start3A_392, %dma_start3A_393] : memref<16x1024xf32, #tpu.memory_space<vmem>> -> memref<16x256xf32, #tpu.memory_space<vmem>>
    %dma_start3A_395 = arith.constant 16 : i32
    %dma_start3A_396 = tpu.memref_slice %arg11[%dma_start3A_395] : memref<512xi32, #tpu.memory_space<vmem>> -> memref<16xi32, #tpu.memory_space<vmem>>
    %dma_start3A_397 = arith.constant 0 : i32
    %dma_start3A_398 = arith.constant 0 : i32
    %dma_start3A_399 = tpu.memref_slice %arg5[%dma_start3A_397, %dma_start3A_398] : memref<1373x256xf32, #tpu.memory_space<hbm>> -> memref<1373x256xf32, #tpu.memory_space<hbm>>
    tpu.enqueue_indirect_dma source(%dma_start3A_399 : memref<1373x256xf32, #tpu.memory_space<hbm>>) target(%dma_start3A_394 : memref<16x256xf32, #tpu.memory_space<vmem>>) offsets(%dma_start3A_396 : memref<16xi32, #tpu.memory_space<vmem>>) semaphore(%arg21 : memref<!tpu.dma_semaphore, #tpu.memory_space<semaphore_mem>>)
    %dma_start3A_400 = arith.constant 0 : i32
    %dma_start3A_401 = arith.constant 512 : i32
    %dma_start3A_402 = tpu.memref_slice %arg16[%dma_start3A_400, %dma_start3A_401] : memref<16x1024xf32, #tpu.memory_space<vmem>> -> memref<16x256xf32, #tpu.memory_space<vmem>>
    %dma_start3A_403 = arith.constant 16 : i32
    %dma_start3A_404 = tpu.memref_slice %arg11[%dma_start3A_403] : memref<512xi32, #tpu.memory_space<vmem>> -> memref<16xi32, #tpu.memory_space<vmem>>
    %dma_start3A_405 = arith.constant 0 : i32
    %dma_start3A_406 = arith.constant 0 : i32
    %dma_start3A_407 = tpu.memref_slice %arg2[%dma_start3A_405, %dma_start3A_406] : memref<1546x256xf32, #tpu.memory_space<hbm>> -> memref<1546x256xf32, #tpu.memory_space<hbm>>
    tpu.enqueue_indirect_dma source(%dma_start3A_407 : memref<1546x256xf32, #tpu.memory_space<hbm>>) target(%dma_start3A_402 : memref<16x256xf32, #tpu.memory_space<vmem>>) offsets(%dma_start3A_404 : memref<16xi32, #tpu.memory_space<vmem>>) semaphore(%arg21 : memref<!tpu.dma_semaphore, #tpu.memory_space<semaphore_mem>>)
    %dma_start3A_408 = arith.constant 0 : i32
    %dma_start3A_409 = arith.constant 768 : i32
    %dma_start3A_410 = tpu.memref_slice %arg16[%dma_start3A_408, %dma_start3A_409] : memref<16x1024xf32, #tpu.memory_space<vmem>> -> memref<16x256xf32, #tpu.memory_space<vmem>>
    %dma_start3A_411 = arith.constant 16 : i32
    %dma_start3A_412 = tpu.memref_slice %arg11[%dma_start3A_411] : memref<512xi32, #tpu.memory_space<vmem>> -> memref<16xi32, #tpu.memory_space<vmem>>
    %dma_start3A_413 = arith.constant 0 : i32
    %dma_start3A_414 = arith.constant 0 : i32
    %dma_start3A_415 = tpu.memref_slice %arg3[%dma_start3A_413, %dma_start3A_414] : memref<1546x256xf32, #tpu.memory_space<hbm>> -> memref<1546x256xf32, #tpu.memory_space<hbm>>
    tpu.enqueue_indirect_dma source(%dma_start3A_415 : memref<1546x256xf32, #tpu.memory_space<hbm>>) target(%dma_start3A_410 : memref<16x256xf32, #tpu.memory_space<vmem>>) offsets(%dma_start3A_412 : memref<16xi32, #tpu.memory_space<vmem>>) semaphore(%arg21 : memref<!tpu.dma_semaphore, #tpu.memory_space<semaphore_mem>>)
    %dma_start3A_416 = arith.constant 0 : i32
    %dma_start3A_417 = arith.constant 0 : i32
    %dma_start3A_418 = tpu.memref_slice %arg17[%dma_start3A_416, %dma_start3A_417] : memref<16x1024xf32, #tpu.memory_space<vmem>> -> memref<16x256xf32, #tpu.memory_space<vmem>>
    %dma_start3A_419 = arith.constant 16 : i32
    %dma_start3A_420 = tpu.memref_slice %arg12[%dma_start3A_419] : memref<512xi32, #tpu.memory_space<vmem>> -> memref<16xi32, #tpu.memory_space<vmem>>
    %dma_start3A_421 = arith.constant 0 : i32
    %dma_start3A_422 = arith.constant 0 : i32
    %dma_start3A_423 = tpu.memref_slice %arg6[%dma_start3A_421, %dma_start3A_422] : memref<173x256xf32, #tpu.memory_space<hbm>> -> memref<173x256xf32, #tpu.memory_space<hbm>>
    tpu.enqueue_indirect_dma source(%dma_start3A_423 : memref<173x256xf32, #tpu.memory_space<hbm>>) target(%dma_start3A_418 : memref<16x256xf32, #tpu.memory_space<vmem>>) offsets(%dma_start3A_420 : memref<16xi32, #tpu.memory_space<vmem>>) semaphore(%arg21 : memref<!tpu.dma_semaphore, #tpu.memory_space<semaphore_mem>>)
    %dma_start3A_424 = arith.constant 0 : i32
    %dma_start3A_425 = arith.constant 256 : i32
    %dma_start3A_426 = tpu.memref_slice %arg17[%dma_start3A_424, %dma_start3A_425] : memref<16x1024xf32, #tpu.memory_space<vmem>> -> memref<16x256xf32, #tpu.memory_space<vmem>>
    %dma_start3A_427 = arith.constant 16 : i32
    %dma_start3A_428 = tpu.memref_slice %arg12[%dma_start3A_427] : memref<512xi32, #tpu.memory_space<vmem>> -> memref<16xi32, #tpu.memory_space<vmem>>
    %dma_start3A_429 = arith.constant 0 : i32
    %dma_start3A_430 = arith.constant 0 : i32
    %dma_start3A_431 = tpu.memref_slice %arg7[%dma_start3A_429, %dma_start3A_430] : memref<173x256xf32, #tpu.memory_space<hbm>> -> memref<173x256xf32, #tpu.memory_space<hbm>>
    tpu.enqueue_indirect_dma source(%dma_start3A_431 : memref<173x256xf32, #tpu.memory_space<hbm>>) target(%dma_start3A_426 : memref<16x256xf32, #tpu.memory_space<vmem>>) offsets(%dma_start3A_428 : memref<16xi32, #tpu.memory_space<vmem>>) semaphore(%arg21 : memref<!tpu.dma_semaphore, #tpu.memory_space<semaphore_mem>>)
    %dma_start3A_432 = arith.constant 0 : i32
    %dma_start3A_433 = arith.constant 512 : i32
    %dma_start3A_434 = tpu.memref_slice %arg17[%dma_start3A_432, %dma_start3A_433] : memref<16x1024xf32, #tpu.memory_space<vmem>> -> memref<16x256xf32, #tpu.memory_space<vmem>>
    %dma_start3A_435 = arith.constant 16 : i32
    %dma_start3A_436 = tpu.memref_slice %arg13[%dma_start3A_435] : memref<512xi32, #tpu.memory_space<vmem>> -> memref<16xi32, #tpu.memory_space<vmem>>
    %dma_start3A_437 = arith.constant 0 : i32
    %dma_start3A_438 = arith.constant 0 : i32
    %dma_start3A_439 = tpu.memref_slice %arg2[%dma_start3A_437, %dma_start3A_438] : memref<1546x256xf32, #tpu.memory_space<hbm>> -> memref<1546x256xf32, #tpu.memory_space<hbm>>
    tpu.enqueue_indirect_dma source(%dma_start3A_439 : memref<1546x256xf32, #tpu.memory_space<hbm>>) target(%dma_start3A_434 : memref<16x256xf32, #tpu.memory_space<vmem>>) offsets(%dma_start3A_436 : memref<16xi32, #tpu.memory_space<vmem>>) semaphore(%arg21 : memref<!tpu.dma_semaphore, #tpu.memory_space<semaphore_mem>>)
    %dma_start3A_440 = arith.constant 0 : i32
    %dma_start3A_441 = arith.constant 768 : i32
    %dma_start3A_442 = tpu.memref_slice %arg17[%dma_start3A_440, %dma_start3A_441] : memref<16x1024xf32, #tpu.memory_space<vmem>> -> memref<16x256xf32, #tpu.memory_space<vmem>>
    %dma_start3A_443 = arith.constant 16 : i32
    %dma_start3A_444 = tpu.memref_slice %arg13[%dma_start3A_443] : memref<512xi32, #tpu.memory_space<vmem>> -> memref<16xi32, #tpu.memory_space<vmem>>
    %dma_start3A_445 = arith.constant 0 : i32
    %dma_start3A_446 = arith.constant 0 : i32
    %dma_start3A_447 = tpu.memref_slice %arg3[%dma_start3A_445, %dma_start3A_446] : memref<1546x256xf32, #tpu.memory_space<hbm>> -> memref<1546x256xf32, #tpu.memory_space<hbm>>
    tpu.enqueue_indirect_dma source(%dma_start3A_447 : memref<1546x256xf32, #tpu.memory_space<hbm>>) target(%dma_start3A_442 : memref<16x256xf32, #tpu.memory_space<vmem>>) offsets(%dma_start3A_444 : memref<16xi32, #tpu.memory_space<vmem>>) semaphore(%arg21 : memref<!tpu.dma_semaphore, #tpu.memory_space<semaphore_mem>>)
    %dma_wait3A = arith.constant 0 : i32
    %dma_wait3A_448 = arith.constant 0 : i32
    %dma_wait3A_449 = arith.constant 0 : i32
    %dma_wait3A_450 = arith.constant 0 : i32
    %dma_wait3A_451 = tpu.memref_slice %arg10[%dma_wait3A_449, %dma_wait3A, %dma_wait3A_448, %dma_wait3A_450] : memref<16384x1x2x1024xf32, #tpu.memory_space<hbm>> -> memref<16x1x1x1024xf32, #tpu.memory_space<hbm>>
    %dma_wait3A_452 = tpu.memref_squeeze %dma_wait3A_451 : memref<16x1x1x1024xf32, #tpu.memory_space<hbm>> -> memref<16x1024xf32, #tpu.memory_space<hbm>>
    %dma_wait3A_453 = arith.constant 0 : i32
    %dma_wait3A_454 = arith.constant 0 : i32
    %dma_wait3A_455 = tpu.memref_slice %arg10[%dma_wait3A_453, %dma_wait3A, %dma_wait3A_448, %dma_wait3A_454] : memref<16384x1x2x1024xf32, #tpu.memory_space<hbm>> -> memref<16x1x1x1024xf32, #tpu.memory_space<hbm>>
    %dma_wait3A_456 = tpu.memref_squeeze %dma_wait3A_455 : memref<16x1x1x1024xf32, #tpu.memory_space<hbm>> -> memref<16x1024xf32, #tpu.memory_space<hbm>>
    tpu.wait_dma2 semaphore(%arg20 : memref<!tpu.dma_semaphore, #tpu.memory_space<semaphore_mem>>) src(%dma_wait3A_456 : memref<16x1024xf32, #tpu.memory_space<hbm>>) dst(%arg14 : memref<16x1024xf32, #tpu.memory_space<vmem>>)
    %dma_wait3A_457 = arith.constant 0 : i32
    %dma_wait3A_458 = arith.constant 0 : i32
    %dma_wait3A_459 = arith.constant 0 : i32
    %dma_wait3A_460 = arith.constant 0 : i32
    %dma_wait3A_461 = tpu.memref_slice %arg10[%dma_wait3A_459, %dma_wait3A_457, %dma_wait3A_458, %dma_wait3A_460] : memref<16384x1x2x1024xf32, #tpu.memory_space<hbm>> -> memref<16x1x1x1024xf32, #tpu.memory_space<hbm>>
    %dma_wait3A_462 = tpu.memref_squeeze %dma_wait3A_461 : memref<16x1x1x1024xf32, #tpu.memory_space<hbm>> -> memref<16x1024xf32, #tpu.memory_space<hbm>>
    %dma_wait3A_463 = arith.constant 0 : i32
    %dma_wait3A_464 = arith.constant 0 : i32
    %dma_wait3A_465 = tpu.memref_slice %arg10[%dma_wait3A_463, %dma_wait3A_457, %dma_wait3A_458, %dma_wait3A_464] : memref<16384x1x2x1024xf32, #tpu.memory_space<hbm>> -> memref<16x1x1x1024xf32, #tpu.memory_space<hbm>>
    %dma_wait3A_466 = tpu.memref_squeeze %dma_wait3A_465 : memref<16x1x1x1024xf32, #tpu.memory_space<hbm>> -> memref<16x1024xf32, #tpu.memory_space<hbm>>
    tpu.wait_dma2 semaphore(%arg20 : memref<!tpu.dma_semaphore, #tpu.memory_space<semaphore_mem>>) src(%dma_wait3A_466 : memref<16x1024xf32, #tpu.memory_space<hbm>>) dst(%arg15 : memref<16x1024xf32, #tpu.memory_space<vmem>>)
    %add3A_467 = arith.constant 0 : i32
    %add3A_468 = arith.addi %mul3A_2, %add3A_467 : i32
    %dma_start3A_469 = arith.constant 0 : i32
    %dma_start3A_470 = arith.constant 0 : i32
    %dma_start3A_471 = arith.constant 0 : i32
    %dma_start3A_472 = tpu.memref_slice %arg10[%add3A_468, %dma_start3A_469, %dma_start3A_470, %dma_start3A_471] : memref<16384x1x2x1024xf32, #tpu.memory_space<hbm>> -> memref<16x1x1x1024xf32, #tpu.memory_space<hbm>>
    %dma_start3A_473 = tpu.memref_squeeze %dma_start3A_472 : memref<16x1x1x1024xf32, #tpu.memory_space<hbm>> -> memref<16x1024xf32, #tpu.memory_space<hbm>>
    %dma_start3A_474 = arith.constant 0 : i32
    %dma_start3A_475 = tpu.memref_slice %arg10[%add3A_468, %dma_start3A_469, %dma_start3A_470, %dma_start3A_474] : memref<16384x1x2x1024xf32, #tpu.memory_space<hbm>> -> memref<16x1x1x1024xf32, #tpu.memory_space<hbm>>
    %dma_start3A_476 = tpu.memref_squeeze %dma_start3A_475 : memref<16x1x1x1024xf32, #tpu.memory_space<hbm>> -> memref<16x1024xf32, #tpu.memory_space<hbm>>
    tpu.enqueue_dma source(%arg14 : memref<16x1024xf32, #tpu.memory_space<vmem>>) target(%dma_start3A_476 : memref<16x1024xf32, #tpu.memory_space<hbm>>) target_semaphore(%arg23 : memref<!tpu.dma_semaphore, #tpu.memory_space<semaphore_mem>>)
    %dma_start3A_477 = arith.constant 0 : i32
    %dma_start3A_478 = arith.constant 1 : i32
    %dma_start3A_479 = arith.constant 0 : i32
    %dma_start3A_480 = tpu.memref_slice %arg10[%add3A_468, %dma_start3A_477, %dma_start3A_478, %dma_start3A_479] : memref<16384x1x2x1024xf32, #tpu.memory_space<hbm>> -> memref<16x1x1x1024xf32, #tpu.memory_space<hbm>>
    %dma_start3A_481 = tpu.memref_squeeze %dma_start3A_480 : memref<16x1x1x1024xf32, #tpu.memory_space<hbm>> -> memref<16x1024xf32, #tpu.memory_space<hbm>>
    %dma_start3A_482 = arith.constant 0 : i32
    %dma_start3A_483 = tpu.memref_slice %arg10[%add3A_468, %dma_start3A_477, %dma_start3A_478, %dma_start3A_482] : memref<16384x1x2x1024xf32, #tpu.memory_space<hbm>> -> memref<16x1x1x1024xf32, #tpu.memory_space<hbm>>
    %dma_start3A_484 = tpu.memref_squeeze %dma_start3A_483 : memref<16x1x1x1024xf32, #tpu.memory_space<hbm>> -> memref<16x1024xf32, #tpu.memory_space<hbm>>
    tpu.enqueue_dma source(%arg15 : memref<16x1024xf32, #tpu.memory_space<vmem>>) target(%dma_start3A_484 : memref<16x1024xf32, #tpu.memory_space<hbm>>) target_semaphore(%arg23 : memref<!tpu.dma_semaphore, #tpu.memory_space<semaphore_mem>>)
    %dma_start3A_485 = arith.constant 0 : i32
    %dma_start3A_486 = arith.constant 0 : i32
    %dma_start3A_487 = tpu.memref_slice %arg18[%dma_start3A_485, %dma_start3A_486] : memref<16x1024xf32, #tpu.memory_space<vmem>> -> memref<16x256xf32, #tpu.memory_space<vmem>>
    %dma_start3A_488 = arith.constant 32 : i32
    %dma_start3A_489 = tpu.memref_slice %arg11[%dma_start3A_488] : memref<512xi32, #tpu.memory_space<vmem>> -> memref<16xi32, #tpu.memory_space<vmem>>
    %dma_start3A_490 = arith.constant 0 : i32
    %dma_start3A_491 = arith.constant 0 : i32
    %dma_start3A_492 = tpu.memref_slice %arg4[%dma_start3A_490, %dma_start3A_491] : memref<1373x256xf32, #tpu.memory_space<hbm>> -> memref<1373x256xf32, #tpu.memory_space<hbm>>
    tpu.enqueue_indirect_dma source(%dma_start3A_492 : memref<1373x256xf32, #tpu.memory_space<hbm>>) target(%dma_start3A_487 : memref<16x256xf32, #tpu.memory_space<vmem>>) offsets(%dma_start3A_489 : memref<16xi32, #tpu.memory_space<vmem>>) semaphore(%arg22 : memref<!tpu.dma_semaphore, #tpu.memory_space<semaphore_mem>>)
    %dma_start3A_493 = arith.constant 0 : i32
    %dma_start3A_494 = arith.constant 256 : i32
    %dma_start3A_495 = tpu.memref_slice %arg18[%dma_start3A_493, %dma_start3A_494] : memref<16x1024xf32, #tpu.memory_space<vmem>> -> memref<16x256xf32, #tpu.memory_space<vmem>>
    %dma_start3A_496 = arith.constant 32 : i32
    %dma_start3A_497 = tpu.memref_slice %arg11[%dma_start3A_496] : memref<512xi32, #tpu.memory_space<vmem>> -> memref<16xi32, #tpu.memory_space<vmem>>
    %dma_start3A_498 = arith.constant 0 : i32
    %dma_start3A_499 = arith.constant 0 : i32
    %dma_start3A_500 = tpu.memref_slice %arg5[%dma_start3A_498, %dma_start3A_499] : memref<1373x256xf32, #tpu.memory_space<hbm>> -> memref<1373x256xf32, #tpu.memory_space<hbm>>
    tpu.enqueue_indirect_dma source(%dma_start3A_500 : memref<1373x256xf32, #tpu.memory_space<hbm>>) target(%dma_start3A_495 : memref<16x256xf32, #tpu.memory_space<vmem>>) offsets(%dma_start3A_497 : memref<16xi32, #tpu.memory_space<vmem>>) semaphore(%arg22 : memref<!tpu.dma_semaphore, #tpu.memory_space<semaphore_mem>>)
    %dma_start3A_501 = arith.constant 0 : i32
    %dma_start3A_502 = arith.constant 512 : i32
    %dma_start3A_503 = tpu.memref_slice %arg18[%dma_start3A_501, %dma_start3A_502] : memref<16x1024xf32, #tpu.memory_space<vmem>> -> memref<16x256xf32, #tpu.memory_space<vmem>>
    %dma_start3A_504 = arith.constant 32 : i32
    %dma_start3A_505 = tpu.memref_slice %arg11[%dma_start3A_504] : memref<512xi32, #tpu.memory_space<vmem>> -> memref<16xi32, #tpu.memory_space<vmem>>
    %dma_start3A_506 = arith.constant 0 : i32
    %dma_start3A_507 = arith.constant 0 : i32
    %dma_start3A_508 = tpu.memref_slice %arg2[%dma_start3A_506, %dma_start3A_507] : memref<1546x256xf32, #tpu.memory_space<hbm>> -> memref<1546x256xf32, #tpu.memory_space<hbm>>
    tpu.enqueue_indirect_dma source(%dma_start3A_508 : memref<1546x256xf32, #tpu.memory_space<hbm>>) target(%dma_start3A_503 : memref<16x256xf32, #tpu.memory_space<vmem>>) offsets(%dma_start3A_505 : memref<16xi32, #tpu.memory_space<vmem>>) semaphore(%arg22 : memref<!tpu.dma_semaphore, #tpu.memory_space<semaphore_mem>>)
    %dma_start3A_509 = arith.constant 0 : i32
    %dma_start3A_510 = arith.constant 768 : i32
    %dma_start3A_511 = tpu.memref_slice %arg18[%dma_start3A_509, %dma_start3A_510] : memref<16x1024xf32, #tpu.memory_space<vmem>> -> memref<16x256xf32, #tpu.memory_space<vmem>>
    %dma_start3A_512 = arith.constant 32 : i32
    %dma_start3A_513 = tpu.memref_slice %arg11[%dma_start3A_512] : memref<512xi32, #tpu.memory_space<vmem>> -> memref<16xi32, #tpu.memory_space<vmem>>
    %dma_start3A_514 = arith.constant 0 : i32
    %dma_start3A_515 = arith.constant 0 : i32
    %dma_start3A_516 = tpu.memref_slice %arg3[%dma_start3A_514, %dma_start3A_515] : memref<1546x256xf32, #tpu.memory_space<hbm>> -> memref<1546x256xf32, #tpu.memory_space<hbm>>
    tpu.enqueue_indirect_dma source(%dma_start3A_516 : memref<1546x256xf32, #tpu.memory_space<hbm>>) target(%dma_start3A_511 : memref<16x256xf32, #tpu.memory_space<vmem>>) offsets(%dma_start3A_513 : memref<16xi32, #tpu.memory_space<vmem>>) semaphore(%arg22 : memref<!tpu.dma_semaphore, #tpu.memory_space<semaphore_mem>>)
    %dma_start3A_517 = arith.constant 0 : i32
    %dma_start3A_518 = arith.constant 0 : i32
    %dma_start3A_519 = tpu.memref_slice %arg19[%dma_start3A_517, %dma_start3A_518] : memref<16x1024xf32, #tpu.memory_space<vmem>> -> memref<16x256xf32, #tpu.memory_space<vmem>>
    %dma_start3A_520 = arith.constant 32 : i32
    %dma_start3A_521 = tpu.memref_slice %arg12[%dma_start3A_520] : memref<512xi32, #tpu.memory_space<vmem>> -> memref<16xi32, #tpu.memory_space<vmem>>
    %dma_start3A_522 = arith.constant 0 : i32
    %dma_start3A_523 = arith.constant 0 : i32
    %dma_start3A_524 = tpu.memref_slice %arg6[%dma_start3A_522, %dma_start3A_523] : memref<173x256xf32, #tpu.memory_space<hbm>> -> memref<173x256xf32, #tpu.memory_space<hbm>>
    tpu.enqueue_indirect_dma source(%dma_start3A_524 : memref<173x256xf32, #tpu.memory_space<hbm>>) target(%dma_start3A_519 : memref<16x256xf32, #tpu.memory_space<vmem>>) offsets(%dma_start3A_521 : memref<16xi32, #tpu.memory_space<vmem>>) semaphore(%arg22 : memref<!tpu.dma_semaphore, #tpu.memory_space<semaphore_mem>>)
    %dma_start3A_525 = arith.constant 0 : i32
    %dma_start3A_526 = arith.constant 256 : i32
    %dma_start3A_527 = tpu.memref_slice %arg19[%dma_start3A_525, %dma_start3A_526] : memref<16x1024xf32, #tpu.memory_space<vmem>> -> memref<16x256xf32, #tpu.memory_space<vmem>>
    %dma_start3A_528 = arith.constant 32 : i32
    %dma_start3A_529 = tpu.memref_slice %arg12[%dma_start3A_528] : memref<512xi32, #tpu.memory_space<vmem>> -> memref<16xi32, #tpu.memory_space<vmem>>
    %dma_start3A_530 = arith.constant 0 : i32
    %dma_start3A_531 = arith.constant 0 : i32
    %dma_start3A_532 = tpu.memref_slice %arg7[%dma_start3A_530, %dma_start3A_531] : memref<173x256xf32, #tpu.memory_space<hbm>> -> memref<173x256xf32, #tpu.memory_space<hbm>>
    tpu.enqueue_indirect_dma source(%dma_start3A_532 : memref<173x256xf32, #tpu.memory_space<hbm>>) target(%dma_start3A_527 : memref<16x256xf32, #tpu.memory_space<vmem>>) offsets(%dma_start3A_529 : memref<16xi32, #tpu.memory_space<vmem>>) semaphore(%arg22 : memref<!tpu.dma_semaphore, #tpu.memory_space<semaphore_mem>>)
    %dma_start3A_533 = arith.constant 0 : i32
    %dma_start3A_534 = arith.constant 512 : i32
    %dma_start3A_535 = tpu.memref_slice %arg19[%dma_start3A_533, %dma_start3A_534] : memref<16x1024xf32, #tpu.memory_space<vmem>> -> memref<16x256xf32, #tpu.memory_space<vmem>>
    %dma_start3A_536 = arith.constant 32 : i32
    %dma_start3A_537 = tpu.memref_slice %arg13[%dma_start3A_536] : memref<512xi32, #tpu.memory_space<vmem>> -> memref<16xi32, #tpu.memory_space<vmem>>
    %dma_start3A_538 = arith.constant 0 : i32
    %dma_start3A_539 = arith.constant 0 : i32
    %dma_start3A_540 = tpu.memref_slice %arg2[%dma_start3A_538, %dma_start3A_539] : memref<1546x256xf32, #tpu.memory_space<hbm>> -> memref<1546x256xf32, #tpu.memory_space<hbm>>
    tpu.enqueue_indirect_dma source(%dma_start3A_540 : memref<1546x256xf32, #tpu.memory_space<hbm>>) target(%dma_start3A_535 : memref<16x256xf32, #tpu.memory_space<vmem>>) offsets(%dma_start3A_537 : memref<16xi32, #tpu.memory_space<vmem>>) semaphore(%arg22 : memref<!tpu.dma_semaphore, #tpu.memory_space<semaphore_mem>>)
    %dma_start3A_541 = arith.constant 0 : i32
    %dma_start3A_542 = arith.constant 768 : i32
    %dma_start3A_543 = tpu.memref_slice %arg19[%dma_start3A_541, %dma_start3A_542] : memref<16x1024xf32, #tpu.memory_space<vmem>> -> memref<16x256xf32, #tpu.memory_space<vmem>>
    %dma_start3A_544 = arith.constant 32 : i32
    %dma_start3A_545 = tpu.memref_slice %arg13[%dma_start3A_544] : memref<512xi32, #tpu.memory_space<vmem>> -> memref<16xi32, #tpu.memory_space<vmem>>
    %dma_start3A_546 = arith.constant 0 : i32
    %dma_start3A_547 = arith.constant 0 : i32
    %dma_start3A_548 = tpu.memref_slice %arg3[%dma_start3A_546, %dma_start3A_547] : memref<1546x256xf32, #tpu.memory_space<hbm>> -> memref<1546x256xf32, #tpu.memory_space<hbm>>
    tpu.enqueue_indirect_dma source(%dma_start3A_548 : memref<1546x256xf32, #tpu.memory_space<hbm>>) target(%dma_start3A_543 : memref<16x256xf32, #tpu.memory_space<vmem>>) offsets(%dma_start3A_545 : memref<16xi32, #tpu.memory_space<vmem>>) semaphore(%arg22 : memref<!tpu.dma_semaphore, #tpu.memory_space<semaphore_mem>>)
    %dma_wait3A_549 = arith.constant 0 : i32
    %dma_wait3A_550 = arith.constant 0 : i32
    %dma_wait3A_551 = arith.constant 0 : i32
    %dma_wait3A_552 = arith.constant 0 : i32
    %dma_wait3A_553 = tpu.memref_slice %arg10[%dma_wait3A_551, %dma_wait3A_549, %dma_wait3A_550, %dma_wait3A_552] : memref<16384x1x2x1024xf32, #tpu.memory_space<hbm>> -> memref<16x1x1x1024xf32, #tpu.memory_space<hbm>>
    %dma_wait3A_554 = tpu.memref_squeeze %dma_wait3A_553 : memref<16x1x1x1024xf32, #tpu.memory_space<hbm>> -> memref<16x1024xf32, #tpu.memory_space<hbm>>
    %dma_wait3A_555 = arith.constant 0 : i32
    %dma_wait3A_556 = arith.constant 0 : i32
    %dma_wait3A_557 = tpu.memref_slice %arg10[%dma_wait3A_555, %dma_wait3A_549, %dma_wait3A_550, %dma_wait3A_556] : memref<16384x1x2x1024xf32, #tpu.memory_space<hbm>> -> memref<16x1x1x1024xf32, #tpu.memory_space<hbm>>
    %dma_wait3A_558 = tpu.memref_squeeze %dma_wait3A_557 : memref<16x1x1x1024xf32, #tpu.memory_space<hbm>> -> memref<16x1024xf32, #tpu.memory_space<hbm>>
    tpu.wait_dma2 semaphore(%arg21 : memref<!tpu.dma_semaphore, #tpu.memory_space<semaphore_mem>>) src(%dma_wait3A_558 : memref<16x1024xf32, #tpu.memory_space<hbm>>) dst(%arg16 : memref<16x1024xf32, #tpu.memory_space<vmem>>)
    %dma_wait3A_559 = arith.constant 0 : i32
    %dma_wait3A_560 = arith.constant 0 : i32
    %dma_wait3A_561 = arith.constant 0 : i32
    %dma_wait3A_562 = arith.constant 0 : i32
    %dma_wait3A_563 = tpu.memref_slice %arg10[%dma_wait3A_561, %dma_wait3A_559, %dma_wait3A_560, %dma_wait3A_562] : memref<16384x1x2x1024xf32, #tpu.memory_space<hbm>> -> memref<16x1x1x1024xf32, #tpu.memory_space<hbm>>
    %dma_wait3A_564 = tpu.memref_squeeze %dma_wait3A_563 : memref<16x1x1x1024xf32, #tpu.memory_space<hbm>> -> memref<16x1024xf32, #tpu.memory_space<hbm>>
    %dma_wait3A_565 = arith.constant 0 : i32
    %dma_wait3A_566 = arith.constant 0 : i32
    %dma_wait3A_567 = tpu.memref_slice %arg10[%dma_wait3A_565, %dma_wait3A_559, %dma_wait3A_560, %dma_wait3A_566] : memref<16384x1x2x1024xf32, #tpu.memory_space<hbm>> -> memref<16x1x1x1024xf32, #tpu.memory_space<hbm>>
    %dma_wait3A_568 = tpu.memref_squeeze %dma_wait3A_567 : memref<16x1x1x1024xf32, #tpu.memory_space<hbm>> -> memref<16x1024xf32, #tpu.memory_space<hbm>>
    tpu.wait_dma2 semaphore(%arg21 : memref<!tpu.dma_semaphore, #tpu.memory_space<semaphore_mem>>) src(%dma_wait3A_568 : memref<16x1024xf32, #tpu.memory_space<hbm>>) dst(%arg17 : memref<16x1024xf32, #tpu.memory_space<vmem>>)
    %add3A_569 = arith.constant 16 : i32
    %add3A_570 = arith.addi %mul3A_2, %add3A_569 : i32
    %dma_start3A_571 = arith.constant 0 : i32
    %dma_start3A_572 = arith.constant 0 : i32
    %dma_start3A_573 = arith.constant 0 : i32
    %dma_start3A_574 = tpu.memref_slice %arg10[%add3A_570, %dma_start3A_571, %dma_start3A_572, %dma_start3A_573] : memref<16384x1x2x1024xf32, #tpu.memory_space<hbm>> -> memref<16x1x1x1024xf32, #tpu.memory_space<hbm>>
    %dma_start3A_575 = tpu.memref_squeeze %dma_start3A_574 : memref<16x1x1x1024xf32, #tpu.memory_space<hbm>> -> memref<16x1024xf32, #tpu.memory_space<hbm>>
    %dma_start3A_576 = arith.constant 0 : i32
    %dma_start3A_577 = tpu.memref_slice %arg10[%add3A_570, %dma_start3A_571, %dma_start3A_572, %dma_start3A_576] : memref<16384x1x2x1024xf32, #tpu.memory_space<hbm>> -> memref<16x1x1x1024xf32, #tpu.memory_space<hbm>>
    %dma_start3A_578 = tpu.memref_squeeze %dma_start3A_577 : memref<16x1x1x1024xf32, #tpu.memory_space<hbm>> -> memref<16x1024xf32, #tpu.memory_space<hbm>>
    tpu.enqueue_dma source(%arg16 : memref<16x1024xf32, #tpu.memory_space<vmem>>) target(%dma_start3A_578 : memref<16x1024xf32, #tpu.memory_space<hbm>>) target_semaphore(%arg24 : memref<!tpu.dma_semaphore, #tpu.memory_space<semaphore_mem>>)
    %dma_start3A_579 = arith.constant 0 : i32
    %dma_start3A_580 = arith.constant 1 : i32
    %dma_start3A_581 = arith.constant 0 : i32
    %dma_start3A_582 = tpu.memref_slice %arg10[%add3A_570, %dma_start3A_579, %dma_start3A_580, %dma_start3A_581] : memref<16384x1x2x1024xf32, #tpu.memory_space<hbm>> -> memref<16x1x1x1024xf32, #tpu.memory_space<hbm>>
    %dma_start3A_583 = tpu.memref_squeeze %dma_start3A_582 : memref<16x1x1x1024xf32, #tpu.memory_space<hbm>> -> memref<16x1024xf32, #tpu.memory_space<hbm>>
    %dma_start3A_584 = arith.constant 0 : i32
    %dma_start3A_585 = tpu.memref_slice %arg10[%add3A_570, %dma_start3A_579, %dma_start3A_580, %dma_start3A_584] : memref<16384x1x2x1024xf32, #tpu.memory_space<hbm>> -> memref<16x1x1x1024xf32, #tpu.memory_space<hbm>>
    %dma_start3A_586 = tpu.memref_squeeze %dma_start3A_585 : memref<16x1x1x1024xf32, #tpu.memory_space<hbm>> -> memref<16x1024xf32, #tpu.memory_space<hbm>>
    tpu.enqueue_dma source(%arg17 : memref<16x1024xf32, #tpu.memory_space<vmem>>) target(%dma_start3A_586 : memref<16x1024xf32, #tpu.memory_space<hbm>>) target_semaphore(%arg24 : memref<!tpu.dma_semaphore, #tpu.memory_space<semaphore_mem>>)
    %dma_wait3A_587 = arith.constant 0 : i32
    %dma_wait3A_588 = arith.constant 0 : i32
    %dma_wait3A_589 = arith.constant 0 : i32
    %dma_wait3A_590 = arith.constant 0 : i32
    %dma_wait3A_591 = tpu.memref_slice %arg10[%dma_wait3A_589, %dma_wait3A_587, %dma_wait3A_588, %dma_wait3A_590] : memref<16384x1x2x1024xf32, #tpu.memory_space<hbm>> -> memref<16x1x1x1024xf32, #tpu.memory_space<hbm>>
    %dma_wait3A_592 = tpu.memref_squeeze %dma_wait3A_591 : memref<16x1x1x1024xf32, #tpu.memory_space<hbm>> -> memref<16x1024xf32, #tpu.memory_space<hbm>>
    %dma_wait3A_593 = arith.constant 0 : i32
    %dma_wait3A_594 = arith.constant 0 : i32
    %dma_wait3A_595 = tpu.memref_slice %arg10[%dma_wait3A_593, %dma_wait3A_587, %dma_wait3A_588, %dma_wait3A_594] : memref<16384x1x2x1024xf32, #tpu.memory_space<hbm>> -> memref<16x1x1x1024xf32, #tpu.memory_space<hbm>>
    %dma_wait3A_596 = tpu.memref_squeeze %dma_wait3A_595 : memref<16x1x1x1024xf32, #tpu.memory_space<hbm>> -> memref<16x1024xf32, #tpu.memory_space<hbm>>
    tpu.wait_dma2 semaphore(%arg23 : memref<!tpu.dma_semaphore, #tpu.memory_space<semaphore_mem>>) src(%dma_wait3A_596 : memref<16x1024xf32, #tpu.memory_space<hbm>>) dst(%arg14 : memref<16x1024xf32, #tpu.memory_space<vmem>>)
    %dma_wait3A_597 = arith.constant 0 : i32
    %dma_wait3A_598 = arith.constant 0 : i32
    %dma_wait3A_599 = arith.constant 0 : i32
    %dma_wait3A_600 = arith.constant 0 : i32
    %dma_wait3A_601 = tpu.memref_slice %arg10[%dma_wait3A_599, %dma_wait3A_597, %dma_wait3A_598, %dma_wait3A_600] : memref<16384x1x2x1024xf32, #tpu.memory_space<hbm>> -> memref<16x1x1x1024xf32, #tpu.memory_space<hbm>>
    %dma_wait3A_602 = tpu.memref_squeeze %dma_wait3A_601 : memref<16x1x1x1024xf32, #tpu.memory_space<hbm>> -> memref<16x1024xf32, #tpu.memory_space<hbm>>
    %dma_wait3A_603 = arith.constant 0 : i32
    %dma_wait3A_604 = arith.constant 0 : i32
    %dma_wait3A_605 = tpu.memref_slice %arg10[%dma_wait3A_603, %dma_wait3A_597, %dma_wait3A_598, %dma_wait3A_604] : memref<16384x1x2x1024xf32, #tpu.memory_space<hbm>> -> memref<16x1x1x1024xf32, #tpu.memory_space<hbm>>
    %dma_wait3A_606 = tpu.memref_squeeze %dma_wait3A_605 : memref<16x1x1x1024xf32, #tpu.memory_space<hbm>> -> memref<16x1024xf32, #tpu.memory_space<hbm>>
    tpu.wait_dma2 semaphore(%arg23 : memref<!tpu.dma_semaphore, #tpu.memory_space<semaphore_mem>>) src(%dma_wait3A_606 : memref<16x1024xf32, #tpu.memory_space<hbm>>) dst(%arg15 : memref<16x1024xf32, #tpu.memory_space<vmem>>)
    %dma_start3A_607 = arith.constant 0 : i32
    %dma_start3A_608 = arith.constant 0 : i32
    %dma_start3A_609 = tpu.memref_slice %arg14[%dma_start3A_607, %dma_start3A_608] : memref<16x1024xf32, #tpu.memory_space<vmem>> -> memref<16x256xf32, #tpu.memory_space<vmem>>
    %dma_start3A_610 = arith.constant 48 : i32
    %dma_start3A_611 = tpu.memref_slice %arg11[%dma_start3A_610] : memref<512xi32, #tpu.memory_space<vmem>> -> memref<16xi32, #tpu.memory_space<vmem>>
    %dma_start3A_612 = arith.constant 0 : i32
    %dma_start3A_613 = arith.constant 0 : i32
    %dma_start3A_614 = tpu.memref_slice %arg4[%dma_start3A_612, %dma_start3A_613] : memref<1373x256xf32, #tpu.memory_space<hbm>> -> memref<1373x256xf32, #tpu.memory_space<hbm>>
    tpu.enqueue_indirect_dma source(%dma_start3A_614 : memref<1373x256xf32, #tpu.memory_space<hbm>>) target(%dma_start3A_609 : memref<16x256xf32, #tpu.memory_space<vmem>>) offsets(%dma_start3A_611 : memref<16xi32, #tpu.memory_space<vmem>>) semaphore(%arg20 : memref<!tpu.dma_semaphore, #tpu.memory_space<semaphore_mem>>)
    %dma_start3A_615 = arith.constant 0 : i32
    %dma_start3A_616 = arith.constant 256 : i32
    %dma_start3A_617 = tpu.memref_slice %arg14[%dma_start3A_615, %dma_start3A_616] : memref<16x1024xf32, #tpu.memory_space<vmem>> -> memref<16x256xf32, #tpu.memory_space<vmem>>
    %dma_start3A_618 = arith.constant 48 : i32
    %dma_start3A_619 = tpu.memref_slice %arg11[%dma_start3A_618] : memref<512xi32, #tpu.memory_space<vmem>> -> memref<16xi32, #tpu.memory_space<vmem>>
    %dma_start3A_620 = arith.constant 0 : i32
    %dma_start3A_621 = arith.constant 0 : i32
    %dma_start3A_622 = tpu.memref_slice %arg5[%dma_start3A_620, %dma_start3A_621] : memref<1373x256xf32, #tpu.memory_space<hbm>> -> memref<1373x256xf32, #tpu.memory_space<hbm>>
    tpu.enqueue_indirect_dma source(%dma_start3A_622 : memref<1373x256xf32, #tpu.memory_space<hbm>>) target(%dma_start3A_617 : memref<16x256xf32, #tpu.memory_space<vmem>>) offsets(%dma_start3A_619 : memref<16xi32, #tpu.memory_space<vmem>>) semaphore(%arg20 : memref<!tpu.dma_semaphore, #tpu.memory_space<semaphore_mem>>)
    %dma_start3A_623 = arith.constant 0 : i32
    %dma_start3A_624 = arith.constant 512 : i32
    %dma_start3A_625 = tpu.memref_slice %arg14[%dma_start3A_623, %dma_start3A_624] : memref<16x1024xf32, #tpu.memory_space<vmem>> -> memref<16x256xf32, #tpu.memory_space<vmem>>
    %dma_start3A_626 = arith.constant 48 : i32
    %dma_start3A_627 = tpu.memref_slice %arg11[%dma_start3A_626] : memref<512xi32, #tpu.memory_space<vmem>> -> memref<16xi32, #tpu.memory_space<vmem>>
    %dma_start3A_628 = arith.constant 0 : i32
    %dma_start3A_629 = arith.constant 0 : i32
    %dma_start3A_630 = tpu.memref_slice %arg2[%dma_start3A_628, %dma_start3A_629] : memref<1546x256xf32, #tpu.memory_space<hbm>> -> memref<1546x256xf32, #tpu.memory_space<hbm>>
    tpu.enqueue_indirect_dma source(%dma_start3A_630 : memref<1546x256xf32, #tpu.memory_space<hbm>>) target(%dma_start3A_625 : memref<16x256xf32, #tpu.memory_space<vmem>>) offsets(%dma_start3A_627 : memref<16xi32, #tpu.memory_space<vmem>>) semaphore(%arg20 : memref<!tpu.dma_semaphore, #tpu.memory_space<semaphore_mem>>)
    %dma_start3A_631 = arith.constant 0 : i32
    %dma_start3A_632 = arith.constant 768 : i32
    %dma_start3A_633 = tpu.memref_slice %arg14[%dma_start3A_631, %dma_start3A_632] : memref<16x1024xf32, #tpu.memory_space<vmem>> -> memref<16x256xf32, #tpu.memory_space<vmem>>
    %dma_start3A_634 = arith.constant 48 : i32
    %dma_start3A_635 = tpu.memref_slice %arg11[%dma_start3A_634] : memref<512xi32, #tpu.memory_space<vmem>> -> memref<16xi32, #tpu.memory_space<vmem>>
    %dma_start3A_636 = arith.constant 0 : i32
    %dma_start3A_637 = arith.constant 0 : i32
    %dma_start3A_638 = tpu.memref_slice %arg3[%dma_start3A_636, %dma_start3A_637] : memref<1546x256xf32, #tpu.memory_space<hbm>> -> memref<1546x256xf32, #tpu.memory_space<hbm>>
    tpu.enqueue_indirect_dma source(%dma_start3A_638 : memref<1546x256xf32, #tpu.memory_space<hbm>>) target(%dma_start3A_633 : memref<16x256xf32, #tpu.memory_space<vmem>>) offsets(%dma_start3A_635 : memref<16xi32, #tpu.memory_space<vmem>>) semaphore(%arg20 : memref<!tpu.dma_semaphore, #tpu.memory_space<semaphore_mem>>)
    %dma_start3A_639 = arith.constant 0 : i32
    %dma_start3A_640 = arith.constant 0 : i32
    %dma_start3A_641 = tpu.memref_slice %arg15[%dma_start3A_639, %dma_start3A_640] : memref<16x1024xf32, #tpu.memory_space<vmem>> -> memref<16x256xf32, #tpu.memory_space<vmem>>
    %dma_start3A_642 = arith.constant 48 : i32
    %dma_start3A_643 = tpu.memref_slice %arg12[%dma_start3A_642] : memref<512xi32, #tpu.memory_space<vmem>> -> memref<16xi32, #tpu.memory_space<vmem>>
    %dma_start3A_644 = arith.constant 0 : i32
    %dma_start3A_645 = arith.constant 0 : i32
    %dma_start3A_646 = tpu.memref_slice %arg6[%dma_start3A_644, %dma_start3A_645] : memref<173x256xf32, #tpu.memory_space<hbm>> -> memref<173x256xf32, #tpu.memory_space<hbm>>
    tpu.enqueue_indirect_dma source(%dma_start3A_646 : memref<173x256xf32, #tpu.memory_space<hbm>>) target(%dma_start3A_641 : memref<16x256xf32, #tpu.memory_space<vmem>>) offsets(%dma_start3A_643 : memref<16xi32, #tpu.memory_space<vmem>>) semaphore(%arg20 : memref<!tpu.dma_semaphore, #tpu.memory_space<semaphore_mem>>)
    %dma_start3A_647 = arith.constant 0 : i32
    %dma_start3A_648 = arith.constant 256 : i32
    %dma_start3A_649 = tpu.memref_slice %arg15[%dma_start3A_647, %dma_start3A_648] : memref<16x1024xf32, #tpu.memory_space<vmem>> -> memref<16x256xf32, #tpu.memory_space<vmem>>
    %dma_start3A_650 = arith.constant 48 : i32
    %dma_start3A_651 = tpu.memref_slice %arg12[%dma_start3A_650] : memref<512xi32, #tpu.memory_space<vmem>> -> memref<16xi32, #tpu.memory_space<vmem>>
    %dma_start3A_652 = arith.constant 0 : i32
    %dma_start3A_653 = arith.constant 0 : i32
    %dma_start3A_654 = tpu.memref_slice %arg7[%dma_start3A_652, %dma_start3A_653] : memref<173x256xf32, #tpu.memory_space<hbm>> -> memref<173x256xf32, #tpu.memory_space<hbm>>
    tpu.enqueue_indirect_dma source(%dma_start3A_654 : memref<173x256xf32, #tpu.memory_space<hbm>>) target(%dma_start3A_649 : memref<16x256xf32, #tpu.memory_space<vmem>>) offsets(%dma_start3A_651 : memref<16xi32, #tpu.memory_space<vmem>>) semaphore(%arg20 : memref<!tpu.dma_semaphore, #tpu.memory_space<semaphore_mem>>)
    %dma_start3A_655 = arith.constant 0 : i32
    %dma_start3A_656 = arith.constant 512 : i32
    %dma_start3A_657 = tpu.memref_slice %arg15[%dma_start3A_655, %dma_start3A_656] : memref<16x1024xf32, #tpu.memory_space<vmem>> -> memref<16x256xf32, #tpu.memory_space<vmem>>
    %dma_start3A_658 = arith.constant 48 : i32
    %dma_start3A_659 = tpu.memref_slice %arg13[%dma_start3A_658] : memref<512xi32, #tpu.memory_space<vmem>> -> memref<16xi32, #tpu.memory_space<vmem>>
    %dma_start3A_660 = arith.constant 0 : i32
    %dma_start3A_661 = arith.constant 0 : i32
    %dma_start3A_662 = tpu.memref_slice %arg2[%dma_start3A_660, %dma_start3A_661] : memref<1546x256xf32, #tpu.memory_space<hbm>> -> memref<1546x256xf32, #tpu.memory_space<hbm>>
    tpu.enqueue_indirect_dma source(%dma_start3A_662 : memref<1546x256xf32, #tpu.memory_space<hbm>>) target(%dma_start3A_657 : memref<16x256xf32, #tpu.memory_space<vmem>>) offsets(%dma_start3A_659 : memref<16xi32, #tpu.memory_space<vmem>>) semaphore(%arg20 : memref<!tpu.dma_semaphore, #tpu.memory_space<semaphore_mem>>)
    %dma_start3A_663 = arith.constant 0 : i32
    %dma_start3A_664 = arith.constant 768 : i32
    %dma_start3A_665 = tpu.memref_slice %arg15[%dma_start3A_663, %dma_start3A_664] : memref<16x1024xf32, #tpu.memory_space<vmem>> -> memref<16x256xf32, #tpu.memory_space<vmem>>
    %dma_start3A_666 = arith.constant 48 : i32
    %dma_start3A_667 = tpu.memref_slice %arg13[%dma_start3A_666] : memref<512xi32, #tpu.memory_space<vmem>> -> memref<16xi32, #tpu.memory_space<vmem>>
    %dma_start3A_668 = arith.constant 0 : i32
    %dma_start3A_669 = arith.constant 0 : i32
    %dma_start3A_670 = tpu.memref_slice %arg3[%dma_start3A_668, %dma_start3A_669] : memref<1546x256xf32, #tpu.memory_space<hbm>> -> memref<1546x256xf32, #tpu.memory_space<hbm>>
    tpu.enqueue_indirect_dma source(%dma_start3A_670 : memref<1546x256xf32, #tpu.memory_space<hbm>>) target(%dma_start3A_665 : memref<16x256xf32, #tpu.memory_space<vmem>>) offsets(%dma_start3A_667 : memref<16xi32, #tpu.memory_space<vmem>>) semaphore(%arg20 : memref<!tpu.dma_semaphore, #tpu.memory_space<semaphore_mem>>)
    %scan3A = arith.constant 0 : i32
    %scan3A_671 = arith.constant 9 : i32
    %scan3A_672 = arith.addi %scan3A, %scan3A_671 : i32
    %scan3A_673 = arith.constant 1 : i32
    scf.for %scan3A_933 = %scan3A to %scan3A_672 step %scan3A_673  : i32 {
      %mul3A_934 = arith.constant 3 : i32
      %mul3A_935 = arith.muli %mul3A_934, %scan3A_933 : i32
      %add3A_936 = arith.constant 2 : i32
      %add3A_937 = arith.addi %add3A_936, %mul3A_935 : i32
      %add3A_938 = arith.constant 0 : i32
      %add3A_939 = arith.addi %add3A_937, %add3A_938 : i32
      %dma_wait3A_940 = arith.constant 0 : i32
      %dma_wait3A_941 = arith.constant 0 : i32
      %dma_wait3A_942 = arith.constant 0 : i32
      %dma_wait3A_943 = arith.constant 0 : i32
      %dma_wait3A_944 = tpu.memref_slice %arg10[%dma_wait3A_942, %dma_wait3A_940, %dma_wait3A_941, %dma_wait3A_943] : memref<16384x1x2x1024xf32, #tpu.memory_space<hbm>> -> memref<16x1x1x1024xf32, #tpu.memory_space<hbm>>
      %dma_wait3A_945 = tpu.memref_squeeze %dma_wait3A_944 : memref<16x1x1x1024xf32, #tpu.memory_space<hbm>> -> memref<16x1024xf32, #tpu.memory_space<hbm>>
      %dma_wait3A_946 = arith.constant 0 : i32
      %dma_wait3A_947 = arith.constant 0 : i32
      %dma_wait3A_948 = tpu.memref_slice %arg10[%dma_wait3A_946, %dma_wait3A_940, %dma_wait3A_941, %dma_wait3A_947] : memref<16384x1x2x1024xf32, #tpu.memory_space<hbm>> -> memref<16x1x1x1024xf32, #tpu.memory_space<hbm>>
      %dma_wait3A_949 = tpu.memref_squeeze %dma_wait3A_948 : memref<16x1x1x1024xf32, #tpu.memory_space<hbm>> -> memref<16x1024xf32, #tpu.memory_space<hbm>>
      tpu.wait_dma2 semaphore(%arg22 : memref<!tpu.dma_semaphore, #tpu.memory_space<semaphore_mem>>) src(%dma_wait3A_949 : memref<16x1024xf32, #tpu.memory_space<hbm>>) dst(%arg18 : memref<16x1024xf32, #tpu.memory_space<vmem>>)
      %dma_wait3A_950 = arith.constant 0 : i32
      %dma_wait3A_951 = arith.constant 0 : i32
      %dma_wait3A_952 = arith.constant 0 : i32
      %dma_wait3A_953 = arith.constant 0 : i32
      %dma_wait3A_954 = tpu.memref_slice %arg10[%dma_wait3A_952, %dma_wait3A_950, %dma_wait3A_951, %dma_wait3A_953] : memref<16384x1x2x1024xf32, #tpu.memory_space<hbm>> -> memref<16x1x1x1024xf32, #tpu.memory_space<hbm>>
      %dma_wait3A_955 = tpu.memref_squeeze %dma_wait3A_954 : memref<16x1x1x1024xf32, #tpu.memory_space<hbm>> -> memref<16x1024xf32, #tpu.memory_space<hbm>>
      %dma_wait3A_956 = arith.constant 0 : i32
      %dma_wait3A_957 = arith.constant 0 : i32
      %dma_wait3A_958 = tpu.memref_slice %arg10[%dma_wait3A_956, %dma_wait3A_950, %dma_wait3A_951, %dma_wait3A_957] : memref<16384x1x2x1024xf32, #tpu.memory_space<hbm>> -> memref<16x1x1x1024xf32, #tpu.memory_space<hbm>>
      %dma_wait3A_959 = tpu.memref_squeeze %dma_wait3A_958 : memref<16x1x1x1024xf32, #tpu.memory_space<hbm>> -> memref<16x1024xf32, #tpu.memory_space<hbm>>
      tpu.wait_dma2 semaphore(%arg22 : memref<!tpu.dma_semaphore, #tpu.memory_space<semaphore_mem>>) src(%dma_wait3A_959 : memref<16x1024xf32, #tpu.memory_space<hbm>>) dst(%arg19 : memref<16x1024xf32, #tpu.memory_space<vmem>>)
      %mul3A_960 = arith.constant 16 : i32
      %mul3A_961 = arith.muli %add3A_939, %mul3A_960 : i32
      %add3A_962 = arith.addi %mul3A_2, %mul3A_961 : i32
      %dma_start3A_963 = arith.constant 0 : i32
      %dma_start3A_964 = arith.constant 0 : i32
      %dma_start3A_965 = arith.constant 0 : i32
      %dma_start3A_966 = tpu.memref_slice %arg10[%add3A_962, %dma_start3A_963, %dma_start3A_964, %dma_start3A_965] : memref<16384x1x2x1024xf32, #tpu.memory_space<hbm>> -> memref<16x1x1x1024xf32, #tpu.memory_space<hbm>>
      %dma_start3A_967 = tpu.memref_squeeze %dma_start3A_966 : memref<16x1x1x1024xf32, #tpu.memory_space<hbm>> -> memref<16x1024xf32, #tpu.memory_space<hbm>>
      %dma_start3A_968 = arith.constant 0 : i32
      %dma_start3A_969 = tpu.memref_slice %arg10[%add3A_962, %dma_start3A_963, %dma_start3A_964, %dma_start3A_968] : memref<16384x1x2x1024xf32, #tpu.memory_space<hbm>> -> memref<16x1x1x1024xf32, #tpu.memory_space<hbm>>
      %dma_start3A_970 = tpu.memref_squeeze %dma_start3A_969 : memref<16x1x1x1024xf32, #tpu.memory_space<hbm>> -> memref<16x1024xf32, #tpu.memory_space<hbm>>
      tpu.enqueue_dma source(%arg18 : memref<16x1024xf32, #tpu.memory_space<vmem>>) target(%dma_start3A_970 : memref<16x1024xf32, #tpu.memory_space<hbm>>) target_semaphore(%arg25 : memref<!tpu.dma_semaphore, #tpu.memory_space<semaphore_mem>>)
      %dma_start3A_971 = arith.constant 0 : i32
      %dma_start3A_972 = arith.constant 1 : i32
      %dma_start3A_973 = arith.constant 0 : i32
      %dma_start3A_974 = tpu.memref_slice %arg10[%add3A_962, %dma_start3A_971, %dma_start3A_972, %dma_start3A_973] : memref<16384x1x2x1024xf32, #tpu.memory_space<hbm>> -> memref<16x1x1x1024xf32, #tpu.memory_space<hbm>>
      %dma_start3A_975 = tpu.memref_squeeze %dma_start3A_974 : memref<16x1x1x1024xf32, #tpu.memory_space<hbm>> -> memref<16x1024xf32, #tpu.memory_space<hbm>>
      %dma_start3A_976 = arith.constant 0 : i32
      %dma_start3A_977 = tpu.memref_slice %arg10[%add3A_962, %dma_start3A_971, %dma_start3A_972, %dma_start3A_976] : memref<16384x1x2x1024xf32, #tpu.memory_space<hbm>> -> memref<16x1x1x1024xf32, #tpu.memory_space<hbm>>
      %dma_start3A_978 = tpu.memref_squeeze %dma_start3A_977 : memref<16x1x1x1024xf32, #tpu.memory_space<hbm>> -> memref<16x1024xf32, #tpu.memory_space<hbm>>
      tpu.enqueue_dma source(%arg19 : memref<16x1024xf32, #tpu.memory_space<vmem>>) target(%dma_start3A_978 : memref<16x1024xf32, #tpu.memory_space<hbm>>) target_semaphore(%arg25 : memref<!tpu.dma_semaphore, #tpu.memory_space<semaphore_mem>>)
      %dma_wait3A_979 = arith.constant 0 : i32
      %dma_wait3A_980 = arith.constant 0 : i32
      %dma_wait3A_981 = arith.constant 0 : i32
      %dma_wait3A_982 = arith.constant 0 : i32
      %dma_wait3A_983 = tpu.memref_slice %arg10[%dma_wait3A_981, %dma_wait3A_979, %dma_wait3A_980, %dma_wait3A_982] : memref<16384x1x2x1024xf32, #tpu.memory_space<hbm>> -> memref<16x1x1x1024xf32, #tpu.memory_space<hbm>>
      %dma_wait3A_984 = tpu.memref_squeeze %dma_wait3A_983 : memref<16x1x1x1024xf32, #tpu.memory_space<hbm>> -> memref<16x1024xf32, #tpu.memory_space<hbm>>
      %dma_wait3A_985 = arith.constant 0 : i32
      %dma_wait3A_986 = arith.constant 0 : i32
      %dma_wait3A_987 = tpu.memref_slice %arg10[%dma_wait3A_985, %dma_wait3A_979, %dma_wait3A_980, %dma_wait3A_986] : memref<16384x1x2x1024xf32, #tpu.memory_space<hbm>> -> memref<16x1x1x1024xf32, #tpu.memory_space<hbm>>
      %dma_wait3A_988 = tpu.memref_squeeze %dma_wait3A_987 : memref<16x1x1x1024xf32, #tpu.memory_space<hbm>> -> memref<16x1024xf32, #tpu.memory_space<hbm>>
      tpu.wait_dma2 semaphore(%arg24 : memref<!tpu.dma_semaphore, #tpu.memory_space<semaphore_mem>>) src(%dma_wait3A_988 : memref<16x1024xf32, #tpu.memory_space<hbm>>) dst(%arg16 : memref<16x1024xf32, #tpu.memory_space<vmem>>)
      %dma_wait3A_989 = arith.constant 0 : i32
      %dma_wait3A_990 = arith.constant 0 : i32
      %dma_wait3A_991 = arith.constant 0 : i32
      %dma_wait3A_992 = arith.constant 0 : i32
      %dma_wait3A_993 = tpu.memref_slice %arg10[%dma_wait3A_991, %dma_wait3A_989, %dma_wait3A_990, %dma_wait3A_992] : memref<16384x1x2x1024xf32, #tpu.memory_space<hbm>> -> memref<16x1x1x1024xf32, #tpu.memory_space<hbm>>
      %dma_wait3A_994 = tpu.memref_squeeze %dma_wait3A_993 : memref<16x1x1x1024xf32, #tpu.memory_space<hbm>> -> memref<16x1024xf32, #tpu.memory_space<hbm>>
      %dma_wait3A_995 = arith.constant 0 : i32
      %dma_wait3A_996 = arith.constant 0 : i32
      %dma_wait3A_997 = tpu.memref_slice %arg10[%dma_wait3A_995, %dma_wait3A_989, %dma_wait3A_990, %dma_wait3A_996] : memref<16384x1x2x1024xf32, #tpu.memory_space<hbm>> -> memref<16x1x1x1024xf32, #tpu.memory_space<hbm>>
      %dma_wait3A_998 = tpu.memref_squeeze %dma_wait3A_997 : memref<16x1x1x1024xf32, #tpu.memory_space<hbm>> -> memref<16x1024xf32, #tpu.memory_space<hbm>>
      tpu.wait_dma2 semaphore(%arg24 : memref<!tpu.dma_semaphore, #tpu.memory_space<semaphore_mem>>) src(%dma_wait3A_998 : memref<16x1024xf32, #tpu.memory_space<hbm>>) dst(%arg17 : memref<16x1024xf32, #tpu.memory_space<vmem>>)
      %add3A_999 = arith.constant 2 : i32
      %add3A_1000 = arith.addi %add3A_939, %add3A_999 : i32
      %mul3A_1001 = arith.constant 16 : i32
      %mul3A_1002 = arith.muli %add3A_1000, %mul3A_1001 : i32
      %dma_start3A_1003 = arith.constant 0 : i32
      %dma_start3A_1004 = arith.constant 0 : i32
      %dma_start3A_1005 = tpu.memref_slice %arg16[%dma_start3A_1003, %dma_start3A_1004] : memref<16x1024xf32, #tpu.memory_space<vmem>> -> memref<16x256xf32, #tpu.memory_space<vmem>>
      %dma_start3A_1006 = tpu.memref_slice %arg11[%mul3A_1002] : memref<512xi32, #tpu.memory_space<vmem>> -> memref<16xi32, #tpu.memory_space<vmem>>
      %dma_start3A_1007 = arith.constant 0 : i32
      %dma_start3A_1008 = arith.constant 0 : i32
      %dma_start3A_1009 = tpu.memref_slice %arg4[%dma_start3A_1007, %dma_start3A_1008] : memref<1373x256xf32, #tpu.memory_space<hbm>> -> memref<1373x256xf32, #tpu.memory_space<hbm>>
      tpu.enqueue_indirect_dma source(%dma_start3A_1009 : memref<1373x256xf32, #tpu.memory_space<hbm>>) target(%dma_start3A_1005 : memref<16x256xf32, #tpu.memory_space<vmem>>) offsets(%dma_start3A_1006 : memref<16xi32, #tpu.memory_space<vmem>>) semaphore(%arg21 : memref<!tpu.dma_semaphore, #tpu.memory_space<semaphore_mem>>)
      %dma_start3A_1010 = arith.constant 0 : i32
      %dma_start3A_1011 = arith.constant 256 : i32
      %dma_start3A_1012 = tpu.memref_slice %arg16[%dma_start3A_1010, %dma_start3A_1011] : memref<16x1024xf32, #tpu.memory_space<vmem>> -> memref<16x256xf32, #tpu.memory_space<vmem>>
      %dma_start3A_1013 = tpu.memref_slice %arg11[%mul3A_1002] : memref<512xi32, #tpu.memory_space<vmem>> -> memref<16xi32, #tpu.memory_space<vmem>>
      %dma_start3A_1014 = arith.constant 0 : i32
      %dma_start3A_1015 = arith.constant 0 : i32
      %dma_start3A_1016 = tpu.memref_slice %arg5[%dma_start3A_1014, %dma_start3A_1015] : memref<1373x256xf32, #tpu.memory_space<hbm>> -> memref<1373x256xf32, #tpu.memory_space<hbm>>
      tpu.enqueue_indirect_dma source(%dma_start3A_1016 : memref<1373x256xf32, #tpu.memory_space<hbm>>) target(%dma_start3A_1012 : memref<16x256xf32, #tpu.memory_space<vmem>>) offsets(%dma_start3A_1013 : memref<16xi32, #tpu.memory_space<vmem>>) semaphore(%arg21 : memref<!tpu.dma_semaphore, #tpu.memory_space<semaphore_mem>>)
      %dma_start3A_1017 = arith.constant 0 : i32
      %dma_start3A_1018 = arith.constant 512 : i32
      %dma_start3A_1019 = tpu.memref_slice %arg16[%dma_start3A_1017, %dma_start3A_1018] : memref<16x1024xf32, #tpu.memory_space<vmem>> -> memref<16x256xf32, #tpu.memory_space<vmem>>
      %dma_start3A_1020 = tpu.memref_slice %arg11[%mul3A_1002] : memref<512xi32, #tpu.memory_space<vmem>> -> memref<16xi32, #tpu.memory_space<vmem>>
      %dma_start3A_1021 = arith.constant 0 : i32
      %dma_start3A_1022 = arith.constant 0 : i32
      %dma_start3A_1023 = tpu.memref_slice %arg2[%dma_start3A_1021, %dma_start3A_1022] : memref<1546x256xf32, #tpu.memory_space<hbm>> -> memref<1546x256xf32, #tpu.memory_space<hbm>>
      tpu.enqueue_indirect_dma source(%dma_start3A_1023 : memref<1546x256xf32, #tpu.memory_space<hbm>>) target(%dma_start3A_1019 : memref<16x256xf32, #tpu.memory_space<vmem>>) offsets(%dma_start3A_1020 : memref<16xi32, #tpu.memory_space<vmem>>) semaphore(%arg21 : memref<!tpu.dma_semaphore, #tpu.memory_space<semaphore_mem>>)
      %dma_start3A_1024 = arith.constant 0 : i32
      %dma_start3A_1025 = arith.constant 768 : i32
      %dma_start3A_1026 = tpu.memref_slice %arg16[%dma_start3A_1024, %dma_start3A_1025] : memref<16x1024xf32, #tpu.memory_space<vmem>> -> memref<16x256xf32, #tpu.memory_space<vmem>>
      %dma_start3A_1027 = tpu.memref_slice %arg11[%mul3A_1002] : memref<512xi32, #tpu.memory_space<vmem>> -> memref<16xi32, #tpu.memory_space<vmem>>
      %dma_start3A_1028 = arith.constant 0 : i32
      %dma_start3A_1029 = arith.constant 0 : i32
      %dma_start3A_1030 = tpu.memref_slice %arg3[%dma_start3A_1028, %dma_start3A_1029] : memref<1546x256xf32, #tpu.memory_space<hbm>> -> memref<1546x256xf32, #tpu.memory_space<hbm>>
      tpu.enqueue_indirect_dma source(%dma_start3A_1030 : memref<1546x256xf32, #tpu.memory_space<hbm>>) target(%dma_start3A_1026 : memref<16x256xf32, #tpu.memory_space<vmem>>) offsets(%dma_start3A_1027 : memref<16xi32, #tpu.memory_space<vmem>>) semaphore(%arg21 : memref<!tpu.dma_semaphore, #tpu.memory_space<semaphore_mem>>)
      %dma_start3A_1031 = arith.constant 0 : i32
      %dma_start3A_1032 = arith.constant 0 : i32
      %dma_start3A_1033 = tpu.memref_slice %arg17[%dma_start3A_1031, %dma_start3A_1032] : memref<16x1024xf32, #tpu.memory_space<vmem>> -> memref<16x256xf32, #tpu.memory_space<vmem>>
      %dma_start3A_1034 = tpu.memref_slice %arg12[%mul3A_1002] : memref<512xi32, #tpu.memory_space<vmem>> -> memref<16xi32, #tpu.memory_space<vmem>>
      %dma_start3A_1035 = arith.constant 0 : i32
      %dma_start3A_1036 = arith.constant 0 : i32
      %dma_start3A_1037 = tpu.memref_slice %arg6[%dma_start3A_1035, %dma_start3A_1036] : memref<173x256xf32, #tpu.memory_space<hbm>> -> memref<173x256xf32, #tpu.memory_space<hbm>>
      tpu.enqueue_indirect_dma source(%dma_start3A_1037 : memref<173x256xf32, #tpu.memory_space<hbm>>) target(%dma_start3A_1033 : memref<16x256xf32, #tpu.memory_space<vmem>>) offsets(%dma_start3A_1034 : memref<16xi32, #tpu.memory_space<vmem>>) semaphore(%arg21 : memref<!tpu.dma_semaphore, #tpu.memory_space<semaphore_mem>>)
      %dma_start3A_1038 = arith.constant 0 : i32
      %dma_start3A_1039 = arith.constant 256 : i32
      %dma_start3A_1040 = tpu.memref_slice %arg17[%dma_start3A_1038, %dma_start3A_1039] : memref<16x1024xf32, #tpu.memory_space<vmem>> -> memref<16x256xf32, #tpu.memory_space<vmem>>
      %dma_start3A_1041 = tpu.memref_slice %arg12[%mul3A_1002] : memref<512xi32, #tpu.memory_space<vmem>> -> memref<16xi32, #tpu.memory_space<vmem>>
      %dma_start3A_1042 = arith.constant 0 : i32
      %dma_start3A_1043 = arith.constant 0 : i32
      %dma_start3A_1044 = tpu.memref_slice %arg7[%dma_start3A_1042, %dma_start3A_1043] : memref<173x256xf32, #tpu.memory_space<hbm>> -> memref<173x256xf32, #tpu.memory_space<hbm>>
      tpu.enqueue_indirect_dma source(%dma_start3A_1044 : memref<173x256xf32, #tpu.memory_space<hbm>>) target(%dma_start3A_1040 : memref<16x256xf32, #tpu.memory_space<vmem>>) offsets(%dma_start3A_1041 : memref<16xi32, #tpu.memory_space<vmem>>) semaphore(%arg21 : memref<!tpu.dma_semaphore, #tpu.memory_space<semaphore_mem>>)
      %dma_start3A_1045 = arith.constant 0 : i32
      %dma_start3A_1046 = arith.constant 512 : i32
      %dma_start3A_1047 = tpu.memref_slice %arg17[%dma_start3A_1045, %dma_start3A_1046] : memref<16x1024xf32, #tpu.memory_space<vmem>> -> memref<16x256xf32, #tpu.memory_space<vmem>>
      %dma_start3A_1048 = tpu.memref_slice %arg13[%mul3A_1002] : memref<512xi32, #tpu.memory_space<vmem>> -> memref<16xi32, #tpu.memory_space<vmem>>
      %dma_start3A_1049 = arith.constant 0 : i32
      %dma_start3A_1050 = arith.constant 0 : i32
      %dma_start3A_1051 = tpu.memref_slice %arg2[%dma_start3A_1049, %dma_start3A_1050] : memref<1546x256xf32, #tpu.memory_space<hbm>> -> memref<1546x256xf32, #tpu.memory_space<hbm>>
      tpu.enqueue_indirect_dma source(%dma_start3A_1051 : memref<1546x256xf32, #tpu.memory_space<hbm>>) target(%dma_start3A_1047 : memref<16x256xf32, #tpu.memory_space<vmem>>) offsets(%dma_start3A_1048 : memref<16xi32, #tpu.memory_space<vmem>>) semaphore(%arg21 : memref<!tpu.dma_semaphore, #tpu.memory_space<semaphore_mem>>)
      %dma_start3A_1052 = arith.constant 0 : i32
      %dma_start3A_1053 = arith.constant 768 : i32
      %dma_start3A_1054 = tpu.memref_slice %arg17[%dma_start3A_1052, %dma_start3A_1053] : memref<16x1024xf32, #tpu.memory_space<vmem>> -> memref<16x256xf32, #tpu.memory_space<vmem>>
      %dma_start3A_1055 = tpu.memref_slice %arg13[%mul3A_1002] : memref<512xi32, #tpu.memory_space<vmem>> -> memref<16xi32, #tpu.memory_space<vmem>>
      %dma_start3A_1056 = arith.constant 0 : i32
      %dma_start3A_1057 = arith.constant 0 : i32
      %dma_start3A_1058 = tpu.memref_slice %arg3[%dma_start3A_1056, %dma_start3A_1057] : memref<1546x256xf32, #tpu.memory_space<hbm>> -> memref<1546x256xf32, #tpu.memory_space<hbm>>
      tpu.enqueue_indirect_dma source(%dma_start3A_1058 : memref<1546x256xf32, #tpu.memory_space<hbm>>) target(%dma_start3A_1054 : memref<16x256xf32, #tpu.memory_space<vmem>>) offsets(%dma_start3A_1055 : memref<16xi32, #tpu.memory_space<vmem>>) semaphore(%arg21 : memref<!tpu.dma_semaphore, #tpu.memory_space<semaphore_mem>>)
      %mul3A_1059 = arith.constant 3 : i32
      %mul3A_1060 = arith.muli %mul3A_1059, %scan3A_933 : i32
      %add3A_1061 = arith.constant 2 : i32
      %add3A_1062 = arith.addi %add3A_1061, %mul3A_1060 : i32
      %add3A_1063 = arith.constant 1 : i32
      %add3A_1064 = arith.addi %add3A_1062, %add3A_1063 : i32
      %dma_wait3A_1065 = arith.constant 0 : i32
      %dma_wait3A_1066 = arith.constant 0 : i32
      %dma_wait3A_1067 = arith.constant 0 : i32
      %dma_wait3A_1068 = arith.constant 0 : i32
      %dma_wait3A_1069 = tpu.memref_slice %arg10[%dma_wait3A_1067, %dma_wait3A_1065, %dma_wait3A_1066, %dma_wait3A_1068] : memref<16384x1x2x1024xf32, #tpu.memory_space<hbm>> -> memref<16x1x1x1024xf32, #tpu.memory_space<hbm>>
      %dma_wait3A_1070 = tpu.memref_squeeze %dma_wait3A_1069 : memref<16x1x1x1024xf32, #tpu.memory_space<hbm>> -> memref<16x1024xf32, #tpu.memory_space<hbm>>
      %dma_wait3A_1071 = arith.constant 0 : i32
      %dma_wait3A_1072 = arith.constant 0 : i32
      %dma_wait3A_1073 = tpu.memref_slice %arg10[%dma_wait3A_1071, %dma_wait3A_1065, %dma_wait3A_1066, %dma_wait3A_1072] : memref<16384x1x2x1024xf32, #tpu.memory_space<hbm>> -> memref<16x1x1x1024xf32, #tpu.memory_space<hbm>>
      %dma_wait3A_1074 = tpu.memref_squeeze %dma_wait3A_1073 : memref<16x1x1x1024xf32, #tpu.memory_space<hbm>> -> memref<16x1024xf32, #tpu.memory_space<hbm>>
      tpu.wait_dma2 semaphore(%arg20 : memref<!tpu.dma_semaphore, #tpu.memory_space<semaphore_mem>>) src(%dma_wait3A_1074 : memref<16x1024xf32, #tpu.memory_space<hbm>>) dst(%arg14 : memref<16x1024xf32, #tpu.memory_space<vmem>>)
      %dma_wait3A_1075 = arith.constant 0 : i32
      %dma_wait3A_1076 = arith.constant 0 : i32
      %dma_wait3A_1077 = arith.constant 0 : i32
      %dma_wait3A_1078 = arith.constant 0 : i32
      %dma_wait3A_1079 = tpu.memref_slice %arg10[%dma_wait3A_1077, %dma_wait3A_1075, %dma_wait3A_1076, %dma_wait3A_1078] : memref<16384x1x2x1024xf32, #tpu.memory_space<hbm>> -> memref<16x1x1x1024xf32, #tpu.memory_space<hbm>>
      %dma_wait3A_1080 = tpu.memref_squeeze %dma_wait3A_1079 : memref<16x1x1x1024xf32, #tpu.memory_space<hbm>> -> memref<16x1024xf32, #tpu.memory_space<hbm>>
      %dma_wait3A_1081 = arith.constant 0 : i32
      %dma_wait3A_1082 = arith.constant 0 : i32
      %dma_wait3A_1083 = tpu.memref_slice %arg10[%dma_wait3A_1081, %dma_wait3A_1075, %dma_wait3A_1076, %dma_wait3A_1082] : memref<16384x1x2x1024xf32, #tpu.memory_space<hbm>> -> memref<16x1x1x1024xf32, #tpu.memory_space<hbm>>
      %dma_wait3A_1084 = tpu.memref_squeeze %dma_wait3A_1083 : memref<16x1x1x1024xf32, #tpu.memory_space<hbm>> -> memref<16x1024xf32, #tpu.memory_space<hbm>>
      tpu.wait_dma2 semaphore(%arg20 : memref<!tpu.dma_semaphore, #tpu.memory_space<semaphore_mem>>) src(%dma_wait3A_1084 : memref<16x1024xf32, #tpu.memory_space<hbm>>) dst(%arg15 : memref<16x1024xf32, #tpu.memory_space<vmem>>)
      %mul3A_1085 = arith.constant 16 : i32
      %mul3A_1086 = arith.muli %add3A_1064, %mul3A_1085 : i32
      %add3A_1087 = arith.addi %mul3A_2, %mul3A_1086 : i32
      %dma_start3A_1088 = arith.constant 0 : i32
      %dma_start3A_1089 = arith.constant 0 : i32
      %dma_start3A_1090 = arith.constant 0 : i32
      %dma_start3A_1091 = tpu.memref_slice %arg10[%add3A_1087, %dma_start3A_1088, %dma_start3A_1089, %dma_start3A_1090] : memref<16384x1x2x1024xf32, #tpu.memory_space<hbm>> -> memref<16x1x1x1024xf32, #tpu.memory_space<hbm>>
      %dma_start3A_1092 = tpu.memref_squeeze %dma_start3A_1091 : memref<16x1x1x1024xf32, #tpu.memory_space<hbm>> -> memref<16x1024xf32, #tpu.memory_space<hbm>>
      %dma_start3A_1093 = arith.constant 0 : i32
      %dma_start3A_1094 = tpu.memref_slice %arg10[%add3A_1087, %dma_start3A_1088, %dma_start3A_1089, %dma_start3A_1093] : memref<16384x1x2x1024xf32, #tpu.memory_space<hbm>> -> memref<16x1x1x1024xf32, #tpu.memory_space<hbm>>
      %dma_start3A_1095 = tpu.memref_squeeze %dma_start3A_1094 : memref<16x1x1x1024xf32, #tpu.memory_space<hbm>> -> memref<16x1024xf32, #tpu.memory_space<hbm>>
      tpu.enqueue_dma source(%arg14 : memref<16x1024xf32, #tpu.memory_space<vmem>>) target(%dma_start3A_1095 : memref<16x1024xf32, #tpu.memory_space<hbm>>) target_semaphore(%arg23 : memref<!tpu.dma_semaphore, #tpu.memory_space<semaphore_mem>>)
      %dma_start3A_1096 = arith.constant 0 : i32
      %dma_start3A_1097 = arith.constant 1 : i32
      %dma_start3A_1098 = arith.constant 0 : i32
      %dma_start3A_1099 = tpu.memref_slice %arg10[%add3A_1087, %dma_start3A_1096, %dma_start3A_1097, %dma_start3A_1098] : memref<16384x1x2x1024xf32, #tpu.memory_space<hbm>> -> memref<16x1x1x1024xf32, #tpu.memory_space<hbm>>
      %dma_start3A_1100 = tpu.memref_squeeze %dma_start3A_1099 : memref<16x1x1x1024xf32, #tpu.memory_space<hbm>> -> memref<16x1024xf32, #tpu.memory_space<hbm>>
      %dma_start3A_1101 = arith.constant 0 : i32
      %dma_start3A_1102 = tpu.memref_slice %arg10[%add3A_1087, %dma_start3A_1096, %dma_start3A_1097, %dma_start3A_1101] : memref<16384x1x2x1024xf32, #tpu.memory_space<hbm>> -> memref<16x1x1x1024xf32, #tpu.memory_space<hbm>>
      %dma_start3A_1103 = tpu.memref_squeeze %dma_start3A_1102 : memref<16x1x1x1024xf32, #tpu.memory_space<hbm>> -> memref<16x1024xf32, #tpu.memory_space<hbm>>
      tpu.enqueue_dma source(%arg15 : memref<16x1024xf32, #tpu.memory_space<vmem>>) target(%dma_start3A_1103 : memref<16x1024xf32, #tpu.memory_space<hbm>>) target_semaphore(%arg23 : memref<!tpu.dma_semaphore, #tpu.memory_space<semaphore_mem>>)
      %dma_wait3A_1104 = arith.constant 0 : i32
      %dma_wait3A_1105 = arith.constant 0 : i32
      %dma_wait3A_1106 = arith.constant 0 : i32
      %dma_wait3A_1107 = arith.constant 0 : i32
      %dma_wait3A_1108 = tpu.memref_slice %arg10[%dma_wait3A_1106, %dma_wait3A_1104, %dma_wait3A_1105, %dma_wait3A_1107] : memref<16384x1x2x1024xf32, #tpu.memory_space<hbm>> -> memref<16x1x1x1024xf32, #tpu.memory_space<hbm>>
      %dma_wait3A_1109 = tpu.memref_squeeze %dma_wait3A_1108 : memref<16x1x1x1024xf32, #tpu.memory_space<hbm>> -> memref<16x1024xf32, #tpu.memory_space<hbm>>
      %dma_wait3A_1110 = arith.constant 0 : i32
      %dma_wait3A_1111 = arith.constant 0 : i32
      %dma_wait3A_1112 = tpu.memref_slice %arg10[%dma_wait3A_1110, %dma_wait3A_1104, %dma_wait3A_1105, %dma_wait3A_1111] : memref<16384x1x2x1024xf32, #tpu.memory_space<hbm>> -> memref<16x1x1x1024xf32, #tpu.memory_space<hbm>>
      %dma_wait3A_1113 = tpu.memref_squeeze %dma_wait3A_1112 : memref<16x1x1x1024xf32, #tpu.memory_space<hbm>> -> memref<16x1024xf32, #tpu.memory_space<hbm>>
      tpu.wait_dma2 semaphore(%arg25 : memref<!tpu.dma_semaphore, #tpu.memory_space<semaphore_mem>>) src(%dma_wait3A_1113 : memref<16x1024xf32, #tpu.memory_space<hbm>>) dst(%arg18 : memref<16x1024xf32, #tpu.memory_space<vmem>>)
      %dma_wait3A_1114 = arith.constant 0 : i32
      %dma_wait3A_1115 = arith.constant 0 : i32
      %dma_wait3A_1116 = arith.constant 0 : i32
      %dma_wait3A_1117 = arith.constant 0 : i32
      %dma_wait3A_1118 = tpu.memref_slice %arg10[%dma_wait3A_1116, %dma_wait3A_1114, %dma_wait3A_1115, %dma_wait3A_1117] : memref<16384x1x2x1024xf32, #tpu.memory_space<hbm>> -> memref<16x1x1x1024xf32, #tpu.memory_space<hbm>>
      %dma_wait3A_1119 = tpu.memref_squeeze %dma_wait3A_1118 : memref<16x1x1x1024xf32, #tpu.memory_space<hbm>> -> memref<16x1024xf32, #tpu.memory_space<hbm>>
      %dma_wait3A_1120 = arith.constant 0 : i32
      %dma_wait3A_1121 = arith.constant 0 : i32
      %dma_wait3A_1122 = tpu.memref_slice %arg10[%dma_wait3A_1120, %dma_wait3A_1114, %dma_wait3A_1115, %dma_wait3A_1121] : memref<16384x1x2x1024xf32, #tpu.memory_space<hbm>> -> memref<16x1x1x1024xf32, #tpu.memory_space<hbm>>
      %dma_wait3A_1123 = tpu.memref_squeeze %dma_wait3A_1122 : memref<16x1x1x1024xf32, #tpu.memory_space<hbm>> -> memref<16x1024xf32, #tpu.memory_space<hbm>>
      tpu.wait_dma2 semaphore(%arg25 : memref<!tpu.dma_semaphore, #tpu.memory_space<semaphore_mem>>) src(%dma_wait3A_1123 : memref<16x1024xf32, #tpu.memory_space<hbm>>) dst(%arg19 : memref<16x1024xf32, #tpu.memory_space<vmem>>)
      %add3A_1124 = arith.constant 2 : i32
      %add3A_1125 = arith.addi %add3A_1064, %add3A_1124 : i32
      %mul3A_1126 = arith.constant 16 : i32
      %mul3A_1127 = arith.muli %add3A_1125, %mul3A_1126 : i32
      %dma_start3A_1128 = arith.constant 0 : i32
      %dma_start3A_1129 = arith.constant 0 : i32
      %dma_start3A_1130 = tpu.memref_slice %arg18[%dma_start3A_1128, %dma_start3A_1129] : memref<16x1024xf32, #tpu.memory_space<vmem>> -> memref<16x256xf32, #tpu.memory_space<vmem>>
      %dma_start3A_1131 = tpu.memref_slice %arg11[%mul3A_1127] : memref<512xi32, #tpu.memory_space<vmem>> -> memref<16xi32, #tpu.memory_space<vmem>>
      %dma_start3A_1132 = arith.constant 0 : i32
      %dma_start3A_1133 = arith.constant 0 : i32
      %dma_start3A_1134 = tpu.memref_slice %arg4[%dma_start3A_1132, %dma_start3A_1133] : memref<1373x256xf32, #tpu.memory_space<hbm>> -> memref<1373x256xf32, #tpu.memory_space<hbm>>
      tpu.enqueue_indirect_dma source(%dma_start3A_1134 : memref<1373x256xf32, #tpu.memory_space<hbm>>) target(%dma_start3A_1130 : memref<16x256xf32, #tpu.memory_space<vmem>>) offsets(%dma_start3A_1131 : memref<16xi32, #tpu.memory_space<vmem>>) semaphore(%arg22 : memref<!tpu.dma_semaphore, #tpu.memory_space<semaphore_mem>>)
      %dma_start3A_1135 = arith.constant 0 : i32
      %dma_start3A_1136 = arith.constant 256 : i32
      %dma_start3A_1137 = tpu.memref_slice %arg18[%dma_start3A_1135, %dma_start3A_1136] : memref<16x1024xf32, #tpu.memory_space<vmem>> -> memref<16x256xf32, #tpu.memory_space<vmem>>
      %dma_start3A_1138 = tpu.memref_slice %arg11[%mul3A_1127] : memref<512xi32, #tpu.memory_space<vmem>> -> memref<16xi32, #tpu.memory_space<vmem>>
      %dma_start3A_1139 = arith.constant 0 : i32
      %dma_start3A_1140 = arith.constant 0 : i32
      %dma_start3A_1141 = tpu.memref_slice %arg5[%dma_start3A_1139, %dma_start3A_1140] : memref<1373x256xf32, #tpu.memory_space<hbm>> -> memref<1373x256xf32, #tpu.memory_space<hbm>>
      tpu.enqueue_indirect_dma source(%dma_start3A_1141 : memref<1373x256xf32, #tpu.memory_space<hbm>>) target(%dma_start3A_1137 : memref<16x256xf32, #tpu.memory_space<vmem>>) offsets(%dma_start3A_1138 : memref<16xi32, #tpu.memory_space<vmem>>) semaphore(%arg22 : memref<!tpu.dma_semaphore, #tpu.memory_space<semaphore_mem>>)
      %dma_start3A_1142 = arith.constant 0 : i32
      %dma_start3A_1143 = arith.constant 512 : i32
      %dma_start3A_1144 = tpu.memref_slice %arg18[%dma_start3A_1142, %dma_start3A_1143] : memref<16x1024xf32, #tpu.memory_space<vmem>> -> memref<16x256xf32, #tpu.memory_space<vmem>>
      %dma_start3A_1145 = tpu.memref_slice %arg11[%mul3A_1127] : memref<512xi32, #tpu.memory_space<vmem>> -> memref<16xi32, #tpu.memory_space<vmem>>
      %dma_start3A_1146 = arith.constant 0 : i32
      %dma_start3A_1147 = arith.constant 0 : i32
      %dma_start3A_1148 = tpu.memref_slice %arg2[%dma_start3A_1146, %dma_start3A_1147] : memref<1546x256xf32, #tpu.memory_space<hbm>> -> memref<1546x256xf32, #tpu.memory_space<hbm>>
      tpu.enqueue_indirect_dma source(%dma_start3A_1148 : memref<1546x256xf32, #tpu.memory_space<hbm>>) target(%dma_start3A_1144 : memref<16x256xf32, #tpu.memory_space<vmem>>) offsets(%dma_start3A_1145 : memref<16xi32, #tpu.memory_space<vmem>>) semaphore(%arg22 : memref<!tpu.dma_semaphore, #tpu.memory_space<semaphore_mem>>)
      %dma_start3A_1149 = arith.constant 0 : i32
      %dma_start3A_1150 = arith.constant 768 : i32
      %dma_start3A_1151 = tpu.memref_slice %arg18[%dma_start3A_1149, %dma_start3A_1150] : memref<16x1024xf32, #tpu.memory_space<vmem>> -> memref<16x256xf32, #tpu.memory_space<vmem>>
      %dma_start3A_1152 = tpu.memref_slice %arg11[%mul3A_1127] : memref<512xi32, #tpu.memory_space<vmem>> -> memref<16xi32, #tpu.memory_space<vmem>>
      %dma_start3A_1153 = arith.constant 0 : i32
      %dma_start3A_1154 = arith.constant 0 : i32
      %dma_start3A_1155 = tpu.memref_slice %arg3[%dma_start3A_1153, %dma_start3A_1154] : memref<1546x256xf32, #tpu.memory_space<hbm>> -> memref<1546x256xf32, #tpu.memory_space<hbm>>
      tpu.enqueue_indirect_dma source(%dma_start3A_1155 : memref<1546x256xf32, #tpu.memory_space<hbm>>) target(%dma_start3A_1151 : memref<16x256xf32, #tpu.memory_space<vmem>>) offsets(%dma_start3A_1152 : memref<16xi32, #tpu.memory_space<vmem>>) semaphore(%arg22 : memref<!tpu.dma_semaphore, #tpu.memory_space<semaphore_mem>>)
      %dma_start3A_1156 = arith.constant 0 : i32
      %dma_start3A_1157 = arith.constant 0 : i32
      %dma_start3A_1158 = tpu.memref_slice %arg19[%dma_start3A_1156, %dma_start3A_1157] : memref<16x1024xf32, #tpu.memory_space<vmem>> -> memref<16x256xf32, #tpu.memory_space<vmem>>
      %dma_start3A_1159 = tpu.memref_slice %arg12[%mul3A_1127] : memref<512xi32, #tpu.memory_space<vmem>> -> memref<16xi32, #tpu.memory_space<vmem>>
      %dma_start3A_1160 = arith.constant 0 : i32
      %dma_start3A_1161 = arith.constant 0 : i32
      %dma_start3A_1162 = tpu.memref_slice %arg6[%dma_start3A_1160, %dma_start3A_1161] : memref<173x256xf32, #tpu.memory_space<hbm>> -> memref<173x256xf32, #tpu.memory_space<hbm>>
      tpu.enqueue_indirect_dma source(%dma_start3A_1162 : memref<173x256xf32, #tpu.memory_space<hbm>>) target(%dma_start3A_1158 : memref<16x256xf32, #tpu.memory_space<vmem>>) offsets(%dma_start3A_1159 : memref<16xi32, #tpu.memory_space<vmem>>) semaphore(%arg22 : memref<!tpu.dma_semaphore, #tpu.memory_space<semaphore_mem>>)
      %dma_start3A_1163 = arith.constant 0 : i32
      %dma_start3A_1164 = arith.constant 256 : i32
      %dma_start3A_1165 = tpu.memref_slice %arg19[%dma_start3A_1163, %dma_start3A_1164] : memref<16x1024xf32, #tpu.memory_space<vmem>> -> memref<16x256xf32, #tpu.memory_space<vmem>>
      %dma_start3A_1166 = tpu.memref_slice %arg12[%mul3A_1127] : memref<512xi32, #tpu.memory_space<vmem>> -> memref<16xi32, #tpu.memory_space<vmem>>
      %dma_start3A_1167 = arith.constant 0 : i32
      %dma_start3A_1168 = arith.constant 0 : i32
      %dma_start3A_1169 = tpu.memref_slice %arg7[%dma_start3A_1167, %dma_start3A_1168] : memref<173x256xf32, #tpu.memory_space<hbm>> -> memref<173x256xf32, #tpu.memory_space<hbm>>
      tpu.enqueue_indirect_dma source(%dma_start3A_1169 : memref<173x256xf32, #tpu.memory_space<hbm>>) target(%dma_start3A_1165 : memref<16x256xf32, #tpu.memory_space<vmem>>) offsets(%dma_start3A_1166 : memref<16xi32, #tpu.memory_space<vmem>>) semaphore(%arg22 : memref<!tpu.dma_semaphore, #tpu.memory_space<semaphore_mem>>)
      %dma_start3A_1170 = arith.constant 0 : i32
      %dma_start3A_1171 = arith.constant 512 : i32
      %dma_start3A_1172 = tpu.memref_slice %arg19[%dma_start3A_1170, %dma_start3A_1171] : memref<16x1024xf32, #tpu.memory_space<vmem>> -> memref<16x256xf32, #tpu.memory_space<vmem>>
      %dma_start3A_1173 = tpu.memref_slice %arg13[%mul3A_1127] : memref<512xi32, #tpu.memory_space<vmem>> -> memref<16xi32, #tpu.memory_space<vmem>>
      %dma_start3A_1174 = arith.constant 0 : i32
      %dma_start3A_1175 = arith.constant 0 : i32
      %dma_start3A_1176 = tpu.memref_slice %arg2[%dma_start3A_1174, %dma_start3A_1175] : memref<1546x256xf32, #tpu.memory_space<hbm>> -> memref<1546x256xf32, #tpu.memory_space<hbm>>
      tpu.enqueue_indirect_dma source(%dma_start3A_1176 : memref<1546x256xf32, #tpu.memory_space<hbm>>) target(%dma_start3A_1172 : memref<16x256xf32, #tpu.memory_space<vmem>>) offsets(%dma_start3A_1173 : memref<16xi32, #tpu.memory_space<vmem>>) semaphore(%arg22 : memref<!tpu.dma_semaphore, #tpu.memory_space<semaphore_mem>>)
      %dma_start3A_1177 = arith.constant 0 : i32
      %dma_start3A_1178 = arith.constant 768 : i32
      %dma_start3A_1179 = tpu.memref_slice %arg19[%dma_start3A_1177, %dma_start3A_1178] : memref<16x1024xf32, #tpu.memory_space<vmem>> -> memref<16x256xf32, #tpu.memory_space<vmem>>
      %dma_start3A_1180 = tpu.memref_slice %arg13[%mul3A_1127] : memref<512xi32, #tpu.memory_space<vmem>> -> memref<16xi32, #tpu.memory_space<vmem>>
      %dma_start3A_1181 = arith.constant 0 : i32
      %dma_start3A_1182 = arith.constant 0 : i32
      %dma_start3A_1183 = tpu.memref_slice %arg3[%dma_start3A_1181, %dma_start3A_1182] : memref<1546x256xf32, #tpu.memory_space<hbm>> -> memref<1546x256xf32, #tpu.memory_space<hbm>>
      tpu.enqueue_indirect_dma source(%dma_start3A_1183 : memref<1546x256xf32, #tpu.memory_space<hbm>>) target(%dma_start3A_1179 : memref<16x256xf32, #tpu.memory_space<vmem>>) offsets(%dma_start3A_1180 : memref<16xi32, #tpu.memory_space<vmem>>) semaphore(%arg22 : memref<!tpu.dma_semaphore, #tpu.memory_space<semaphore_mem>>)
      %mul3A_1184 = arith.constant 3 : i32
      %mul3A_1185 = arith.muli %mul3A_1184, %scan3A_933 : i32
      %add3A_1186 = arith.constant 2 : i32
      %add3A_1187 = arith.addi %add3A_1186, %mul3A_1185 : i32
      %add3A_1188 = arith.constant 2 : i32
      %add3A_1189 = arith.addi %add3A_1187, %add3A_1188 : i32
      %dma_wait3A_1190 = arith.constant 0 : i32
      %dma_wait3A_1191 = arith.constant 0 : i32
      %dma_wait3A_1192 = arith.constant 0 : i32
      %dma_wait3A_1193 = arith.constant 0 : i32
      %dma_wait3A_1194 = tpu.memref_slice %arg10[%dma_wait3A_1192, %dma_wait3A_1190, %dma_wait3A_1191, %dma_wait3A_1193] : memref<16384x1x2x1024xf32, #tpu.memory_space<hbm>> -> memref<16x1x1x1024xf32, #tpu.memory_space<hbm>>
      %dma_wait3A_1195 = tpu.memref_squeeze %dma_wait3A_1194 : memref<16x1x1x1024xf32, #tpu.memory_space<hbm>> -> memref<16x1024xf32, #tpu.memory_space<hbm>>
      %dma_wait3A_1196 = arith.constant 0 : i32
      %dma_wait3A_1197 = arith.constant 0 : i32
      %dma_wait3A_1198 = tpu.memref_slice %arg10[%dma_wait3A_1196, %dma_wait3A_1190, %dma_wait3A_1191, %dma_wait3A_1197] : memref<16384x1x2x1024xf32, #tpu.memory_space<hbm>> -> memref<16x1x1x1024xf32, #tpu.memory_space<hbm>>
      %dma_wait3A_1199 = tpu.memref_squeeze %dma_wait3A_1198 : memref<16x1x1x1024xf32, #tpu.memory_space<hbm>> -> memref<16x1024xf32, #tpu.memory_space<hbm>>
      tpu.wait_dma2 semaphore(%arg21 : memref<!tpu.dma_semaphore, #tpu.memory_space<semaphore_mem>>) src(%dma_wait3A_1199 : memref<16x1024xf32, #tpu.memory_space<hbm>>) dst(%arg16 : memref<16x1024xf32, #tpu.memory_space<vmem>>)
      %dma_wait3A_1200 = arith.constant 0 : i32
      %dma_wait3A_1201 = arith.constant 0 : i32
      %dma_wait3A_1202 = arith.constant 0 : i32
      %dma_wait3A_1203 = arith.constant 0 : i32
      %dma_wait3A_1204 = tpu.memref_slice %arg10[%dma_wait3A_1202, %dma_wait3A_1200, %dma_wait3A_1201, %dma_wait3A_1203] : memref<16384x1x2x1024xf32, #tpu.memory_space<hbm>> -> memref<16x1x1x1024xf32, #tpu.memory_space<hbm>>
      %dma_wait3A_1205 = tpu.memref_squeeze %dma_wait3A_1204 : memref<16x1x1x1024xf32, #tpu.memory_space<hbm>> -> memref<16x1024xf32, #tpu.memory_space<hbm>>
      %dma_wait3A_1206 = arith.constant 0 : i32
      %dma_wait3A_1207 = arith.constant 0 : i32
      %dma_wait3A_1208 = tpu.memref_slice %arg10[%dma_wait3A_1206, %dma_wait3A_1200, %dma_wait3A_1201, %dma_wait3A_1207] : memref<16384x1x2x1024xf32, #tpu.memory_space<hbm>> -> memref<16x1x1x1024xf32, #tpu.memory_space<hbm>>
      %dma_wait3A_1209 = tpu.memref_squeeze %dma_wait3A_1208 : memref<16x1x1x1024xf32, #tpu.memory_space<hbm>> -> memref<16x1024xf32, #tpu.memory_space<hbm>>
      tpu.wait_dma2 semaphore(%arg21 : memref<!tpu.dma_semaphore, #tpu.memory_space<semaphore_mem>>) src(%dma_wait3A_1209 : memref<16x1024xf32, #tpu.memory_space<hbm>>) dst(%arg17 : memref<16x1024xf32, #tpu.memory_space<vmem>>)
      %mul3A_1210 = arith.constant 16 : i32
      %mul3A_1211 = arith.muli %add3A_1189, %mul3A_1210 : i32
      %add3A_1212 = arith.addi %mul3A_2, %mul3A_1211 : i32
      %dma_start3A_1213 = arith.constant 0 : i32
      %dma_start3A_1214 = arith.constant 0 : i32
      %dma_start3A_1215 = arith.constant 0 : i32
      %dma_start3A_1216 = tpu.memref_slice %arg10[%add3A_1212, %dma_start3A_1213, %dma_start3A_1214, %dma_start3A_1215] : memref<16384x1x2x1024xf32, #tpu.memory_space<hbm>> -> memref<16x1x1x1024xf32, #tpu.memory_space<hbm>>
      %dma_start3A_1217 = tpu.memref_squeeze %dma_start3A_1216 : memref<16x1x1x1024xf32, #tpu.memory_space<hbm>> -> memref<16x1024xf32, #tpu.memory_space<hbm>>
      %dma_start3A_1218 = arith.constant 0 : i32
      %dma_start3A_1219 = tpu.memref_slice %arg10[%add3A_1212, %dma_start3A_1213, %dma_start3A_1214, %dma_start3A_1218] : memref<16384x1x2x1024xf32, #tpu.memory_space<hbm>> -> memref<16x1x1x1024xf32, #tpu.memory_space<hbm>>
      %dma_start3A_1220 = tpu.memref_squeeze %dma_start3A_1219 : memref<16x1x1x1024xf32, #tpu.memory_space<hbm>> -> memref<16x1024xf32, #tpu.memory_space<hbm>>
      tpu.enqueue_dma source(%arg16 : memref<16x1024xf32, #tpu.memory_space<vmem>>) target(%dma_start3A_1220 : memref<16x1024xf32, #tpu.memory_space<hbm>>) target_semaphore(%arg24 : memref<!tpu.dma_semaphore, #tpu.memory_space<semaphore_mem>>)
      %dma_start3A_1221 = arith.constant 0 : i32
      %dma_start3A_1222 = arith.constant 1 : i32
      %dma_start3A_1223 = arith.constant 0 : i32
      %dma_start3A_1224 = tpu.memref_slice %arg10[%add3A_1212, %dma_start3A_1221, %dma_start3A_1222, %dma_start3A_1223] : memref<16384x1x2x1024xf32, #tpu.memory_space<hbm>> -> memref<16x1x1x1024xf32, #tpu.memory_space<hbm>>
      %dma_start3A_1225 = tpu.memref_squeeze %dma_start3A_1224 : memref<16x1x1x1024xf32, #tpu.memory_space<hbm>> -> memref<16x1024xf32, #tpu.memory_space<hbm>>
      %dma_start3A_1226 = arith.constant 0 : i32
      %dma_start3A_1227 = tpu.memref_slice %arg10[%add3A_1212, %dma_start3A_1221, %dma_start3A_1222, %dma_start3A_1226] : memref<16384x1x2x1024xf32, #tpu.memory_space<hbm>> -> memref<16x1x1x1024xf32, #tpu.memory_space<hbm>>
      %dma_start3A_1228 = tpu.memref_squeeze %dma_start3A_1227 : memref<16x1x1x1024xf32, #tpu.memory_space<hbm>> -> memref<16x1024xf32, #tpu.memory_space<hbm>>
      tpu.enqueue_dma source(%arg17 : memref<16x1024xf32, #tpu.memory_space<vmem>>) target(%dma_start3A_1228 : memref<16x1024xf32, #tpu.memory_space<hbm>>) target_semaphore(%arg24 : memref<!tpu.dma_semaphore, #tpu.memory_space<semaphore_mem>>)
      %dma_wait3A_1229 = arith.constant 0 : i32
      %dma_wait3A_1230 = arith.constant 0 : i32
      %dma_wait3A_1231 = arith.constant 0 : i32
      %dma_wait3A_1232 = arith.constant 0 : i32
      %dma_wait3A_1233 = tpu.memref_slice %arg10[%dma_wait3A_1231, %dma_wait3A_1229, %dma_wait3A_1230, %dma_wait3A_1232] : memref<16384x1x2x1024xf32, #tpu.memory_space<hbm>> -> memref<16x1x1x1024xf32, #tpu.memory_space<hbm>>
      %dma_wait3A_1234 = tpu.memref_squeeze %dma_wait3A_1233 : memref<16x1x1x1024xf32, #tpu.memory_space<hbm>> -> memref<16x1024xf32, #tpu.memory_space<hbm>>
      %dma_wait3A_1235 = arith.constant 0 : i32
      %dma_wait3A_1236 = arith.constant 0 : i32
      %dma_wait3A_1237 = tpu.memref_slice %arg10[%dma_wait3A_1235, %dma_wait3A_1229, %dma_wait3A_1230, %dma_wait3A_1236] : memref<16384x1x2x1024xf32, #tpu.memory_space<hbm>> -> memref<16x1x1x1024xf32, #tpu.memory_space<hbm>>
      %dma_wait3A_1238 = tpu.memref_squeeze %dma_wait3A_1237 : memref<16x1x1x1024xf32, #tpu.memory_space<hbm>> -> memref<16x1024xf32, #tpu.memory_space<hbm>>
      tpu.wait_dma2 semaphore(%arg23 : memref<!tpu.dma_semaphore, #tpu.memory_space<semaphore_mem>>) src(%dma_wait3A_1238 : memref<16x1024xf32, #tpu.memory_space<hbm>>) dst(%arg14 : memref<16x1024xf32, #tpu.memory_space<vmem>>)
      %dma_wait3A_1239 = arith.constant 0 : i32
      %dma_wait3A_1240 = arith.constant 0 : i32
      %dma_wait3A_1241 = arith.constant 0 : i32
      %dma_wait3A_1242 = arith.constant 0 : i32
      %dma_wait3A_1243 = tpu.memref_slice %arg10[%dma_wait3A_1241, %dma_wait3A_1239, %dma_wait3A_1240, %dma_wait3A_1242] : memref<16384x1x2x1024xf32, #tpu.memory_space<hbm>> -> memref<16x1x1x1024xf32, #tpu.memory_space<hbm>>
      %dma_wait3A_1244 = tpu.memref_squeeze %dma_wait3A_1243 : memref<16x1x1x1024xf32, #tpu.memory_space<hbm>> -> memref<16x1024xf32, #tpu.memory_space<hbm>>
      %dma_wait3A_1245 = arith.constant 0 : i32
      %dma_wait3A_1246 = arith.constant 0 : i32
      %dma_wait3A_1247 = tpu.memref_slice %arg10[%dma_wait3A_1245, %dma_wait3A_1239, %dma_wait3A_1240, %dma_wait3A_1246] : memref<16384x1x2x1024xf32, #tpu.memory_space<hbm>> -> memref<16x1x1x1024xf32, #tpu.memory_space<hbm>>
      %dma_wait3A_1248 = tpu.memref_squeeze %dma_wait3A_1247 : memref<16x1x1x1024xf32, #tpu.memory_space<hbm>> -> memref<16x1024xf32, #tpu.memory_space<hbm>>
      tpu.wait_dma2 semaphore(%arg23 : memref<!tpu.dma_semaphore, #tpu.memory_space<semaphore_mem>>) src(%dma_wait3A_1248 : memref<16x1024xf32, #tpu.memory_space<hbm>>) dst(%arg15 : memref<16x1024xf32, #tpu.memory_space<vmem>>)
      %add3A_1249 = arith.constant 2 : i32
      %add3A_1250 = arith.addi %add3A_1189, %add3A_1249 : i32
      %mul3A_1251 = arith.constant 16 : i32
      %mul3A_1252 = arith.muli %add3A_1250, %mul3A_1251 : i32
      %dma_start3A_1253 = arith.constant 0 : i32
      %dma_start3A_1254 = arith.constant 0 : i32
      %dma_start3A_1255 = tpu.memref_slice %arg14[%dma_start3A_1253, %dma_start3A_1254] : memref<16x1024xf32, #tpu.memory_space<vmem>> -> memref<16x256xf32, #tpu.memory_space<vmem>>
      %dma_start3A_1256 = tpu.memref_slice %arg11[%mul3A_1252] : memref<512xi32, #tpu.memory_space<vmem>> -> memref<16xi32, #tpu.memory_space<vmem>>
      %dma_start3A_1257 = arith.constant 0 : i32
      %dma_start3A_1258 = arith.constant 0 : i32
      %dma_start3A_1259 = tpu.memref_slice %arg4[%dma_start3A_1257, %dma_start3A_1258] : memref<1373x256xf32, #tpu.memory_space<hbm>> -> memref<1373x256xf32, #tpu.memory_space<hbm>>
      tpu.enqueue_indirect_dma source(%dma_start3A_1259 : memref<1373x256xf32, #tpu.memory_space<hbm>>) target(%dma_start3A_1255 : memref<16x256xf32, #tpu.memory_space<vmem>>) offsets(%dma_start3A_1256 : memref<16xi32, #tpu.memory_space<vmem>>) semaphore(%arg20 : memref<!tpu.dma_semaphore, #tpu.memory_space<semaphore_mem>>)
      %dma_start3A_1260 = arith.constant 0 : i32
      %dma_start3A_1261 = arith.constant 256 : i32
      %dma_start3A_1262 = tpu.memref_slice %arg14[%dma_start3A_1260, %dma_start3A_1261] : memref<16x1024xf32, #tpu.memory_space<vmem>> -> memref<16x256xf32, #tpu.memory_space<vmem>>
      %dma_start3A_1263 = tpu.memref_slice %arg11[%mul3A_1252] : memref<512xi32, #tpu.memory_space<vmem>> -> memref<16xi32, #tpu.memory_space<vmem>>
      %dma_start3A_1264 = arith.constant 0 : i32
      %dma_start3A_1265 = arith.constant 0 : i32
      %dma_start3A_1266 = tpu.memref_slice %arg5[%dma_start3A_1264, %dma_start3A_1265] : memref<1373x256xf32, #tpu.memory_space<hbm>> -> memref<1373x256xf32, #tpu.memory_space<hbm>>
      tpu.enqueue_indirect_dma source(%dma_start3A_1266 : memref<1373x256xf32, #tpu.memory_space<hbm>>) target(%dma_start3A_1262 : memref<16x256xf32, #tpu.memory_space<vmem>>) offsets(%dma_start3A_1263 : memref<16xi32, #tpu.memory_space<vmem>>) semaphore(%arg20 : memref<!tpu.dma_semaphore, #tpu.memory_space<semaphore_mem>>)
      %dma_start3A_1267 = arith.constant 0 : i32
      %dma_start3A_1268 = arith.constant 512 : i32
      %dma_start3A_1269 = tpu.memref_slice %arg14[%dma_start3A_1267, %dma_start3A_1268] : memref<16x1024xf32, #tpu.memory_space<vmem>> -> memref<16x256xf32, #tpu.memory_space<vmem>>
      %dma_start3A_1270 = tpu.memref_slice %arg11[%mul3A_1252] : memref<512xi32, #tpu.memory_space<vmem>> -> memref<16xi32, #tpu.memory_space<vmem>>
      %dma_start3A_1271 = arith.constant 0 : i32
      %dma_start3A_1272 = arith.constant 0 : i32
      %dma_start3A_1273 = tpu.memref_slice %arg2[%dma_start3A_1271, %dma_start3A_1272] : memref<1546x256xf32, #tpu.memory_space<hbm>> -> memref<1546x256xf32, #tpu.memory_space<hbm>>
      tpu.enqueue_indirect_dma source(%dma_start3A_1273 : memref<1546x256xf32, #tpu.memory_space<hbm>>) target(%dma_start3A_1269 : memref<16x256xf32, #tpu.memory_space<vmem>>) offsets(%dma_start3A_1270 : memref<16xi32, #tpu.memory_space<vmem>>) semaphore(%arg20 : memref<!tpu.dma_semaphore, #tpu.memory_space<semaphore_mem>>)
      %dma_start3A_1274 = arith.constant 0 : i32
      %dma_start3A_1275 = arith.constant 768 : i32
      %dma_start3A_1276 = tpu.memref_slice %arg14[%dma_start3A_1274, %dma_start3A_1275] : memref<16x1024xf32, #tpu.memory_space<vmem>> -> memref<16x256xf32, #tpu.memory_space<vmem>>
      %dma_start3A_1277 = tpu.memref_slice %arg11[%mul3A_1252] : memref<512xi32, #tpu.memory_space<vmem>> -> memref<16xi32, #tpu.memory_space<vmem>>
      %dma_start3A_1278 = arith.constant 0 : i32
      %dma_start3A_1279 = arith.constant 0 : i32
      %dma_start3A_1280 = tpu.memref_slice %arg3[%dma_start3A_1278, %dma_start3A_1279] : memref<1546x256xf32, #tpu.memory_space<hbm>> -> memref<1546x256xf32, #tpu.memory_space<hbm>>
      tpu.enqueue_indirect_dma source(%dma_start3A_1280 : memref<1546x256xf32, #tpu.memory_space<hbm>>) target(%dma_start3A_1276 : memref<16x256xf32, #tpu.memory_space<vmem>>) offsets(%dma_start3A_1277 : memref<16xi32, #tpu.memory_space<vmem>>) semaphore(%arg20 : memref<!tpu.dma_semaphore, #tpu.memory_space<semaphore_mem>>)
      %dma_start3A_1281 = arith.constant 0 : i32
      %dma_start3A_1282 = arith.constant 0 : i32
      %dma_start3A_1283 = tpu.memref_slice %arg15[%dma_start3A_1281, %dma_start3A_1282] : memref<16x1024xf32, #tpu.memory_space<vmem>> -> memref<16x256xf32, #tpu.memory_space<vmem>>
      %dma_start3A_1284 = tpu.memref_slice %arg12[%mul3A_1252] : memref<512xi32, #tpu.memory_space<vmem>> -> memref<16xi32, #tpu.memory_space<vmem>>
      %dma_start3A_1285 = arith.constant 0 : i32
      %dma_start3A_1286 = arith.constant 0 : i32
      %dma_start3A_1287 = tpu.memref_slice %arg6[%dma_start3A_1285, %dma_start3A_1286] : memref<173x256xf32, #tpu.memory_space<hbm>> -> memref<173x256xf32, #tpu.memory_space<hbm>>
      tpu.enqueue_indirect_dma source(%dma_start3A_1287 : memref<173x256xf32, #tpu.memory_space<hbm>>) target(%dma_start3A_1283 : memref<16x256xf32, #tpu.memory_space<vmem>>) offsets(%dma_start3A_1284 : memref<16xi32, #tpu.memory_space<vmem>>) semaphore(%arg20 : memref<!tpu.dma_semaphore, #tpu.memory_space<semaphore_mem>>)
      %dma_start3A_1288 = arith.constant 0 : i32
      %dma_start3A_1289 = arith.constant 256 : i32
      %dma_start3A_1290 = tpu.memref_slice %arg15[%dma_start3A_1288, %dma_start3A_1289] : memref<16x1024xf32, #tpu.memory_space<vmem>> -> memref<16x256xf32, #tpu.memory_space<vmem>>
      %dma_start3A_1291 = tpu.memref_slice %arg12[%mul3A_1252] : memref<512xi32, #tpu.memory_space<vmem>> -> memref<16xi32, #tpu.memory_space<vmem>>
      %dma_start3A_1292 = arith.constant 0 : i32
      %dma_start3A_1293 = arith.constant 0 : i32
      %dma_start3A_1294 = tpu.memref_slice %arg7[%dma_start3A_1292, %dma_start3A_1293] : memref<173x256xf32, #tpu.memory_space<hbm>> -> memref<173x256xf32, #tpu.memory_space<hbm>>
      tpu.enqueue_indirect_dma source(%dma_start3A_1294 : memref<173x256xf32, #tpu.memory_space<hbm>>) target(%dma_start3A_1290 : memref<16x256xf32, #tpu.memory_space<vmem>>) offsets(%dma_start3A_1291 : memref<16xi32, #tpu.memory_space<vmem>>) semaphore(%arg20 : memref<!tpu.dma_semaphore, #tpu.memory_space<semaphore_mem>>)
      %dma_start3A_1295 = arith.constant 0 : i32
      %dma_start3A_1296 = arith.constant 512 : i32
      %dma_start3A_1297 = tpu.memref_slice %arg15[%dma_start3A_1295, %dma_start3A_1296] : memref<16x1024xf32, #tpu.memory_space<vmem>> -> memref<16x256xf32, #tpu.memory_space<vmem>>
      %dma_start3A_1298 = tpu.memref_slice %arg13[%mul3A_1252] : memref<512xi32, #tpu.memory_space<vmem>> -> memref<16xi32, #tpu.memory_space<vmem>>
      %dma_start3A_1299 = arith.constant 0 : i32
      %dma_start3A_1300 = arith.constant 0 : i32
      %dma_start3A_1301 = tpu.memref_slice %arg2[%dma_start3A_1299, %dma_start3A_1300] : memref<1546x256xf32, #tpu.memory_space<hbm>> -> memref<1546x256xf32, #tpu.memory_space<hbm>>
      tpu.enqueue_indirect_dma source(%dma_start3A_1301 : memref<1546x256xf32, #tpu.memory_space<hbm>>) target(%dma_start3A_1297 : memref<16x256xf32, #tpu.memory_space<vmem>>) offsets(%dma_start3A_1298 : memref<16xi32, #tpu.memory_space<vmem>>) semaphore(%arg20 : memref<!tpu.dma_semaphore, #tpu.memory_space<semaphore_mem>>)
      %dma_start3A_1302 = arith.constant 0 : i32
      %dma_start3A_1303 = arith.constant 768 : i32
      %dma_start3A_1304 = tpu.memref_slice %arg15[%dma_start3A_1302, %dma_start3A_1303] : memref<16x1024xf32, #tpu.memory_space<vmem>> -> memref<16x256xf32, #tpu.memory_space<vmem>>
      %dma_start3A_1305 = tpu.memref_slice %arg13[%mul3A_1252] : memref<512xi32, #tpu.memory_space<vmem>> -> memref<16xi32, #tpu.memory_space<vmem>>
      %dma_start3A_1306 = arith.constant 0 : i32
      %dma_start3A_1307 = arith.constant 0 : i32
      %dma_start3A_1308 = tpu.memref_slice %arg3[%dma_start3A_1306, %dma_start3A_1307] : memref<1546x256xf32, #tpu.memory_space<hbm>> -> memref<1546x256xf32, #tpu.memory_space<hbm>>
      tpu.enqueue_indirect_dma source(%dma_start3A_1308 : memref<1546x256xf32, #tpu.memory_space<hbm>>) target(%dma_start3A_1304 : memref<16x256xf32, #tpu.memory_space<vmem>>) offsets(%dma_start3A_1305 : memref<16xi32, #tpu.memory_space<vmem>>) semaphore(%arg20 : memref<!tpu.dma_semaphore, #tpu.memory_space<semaphore_mem>>)
    }
    %scan3A_674 = arith.constant 9 : i32
    %dma_wait3A_675 = arith.constant 0 : i32
    %dma_wait3A_676 = arith.constant 0 : i32
    %dma_wait3A_677 = arith.constant 0 : i32
    %dma_wait3A_678 = arith.constant 0 : i32
    %dma_wait3A_679 = tpu.memref_slice %arg10[%dma_wait3A_677, %dma_wait3A_675, %dma_wait3A_676, %dma_wait3A_678] : memref<16384x1x2x1024xf32, #tpu.memory_space<hbm>> -> memref<16x1x1x1024xf32, #tpu.memory_space<hbm>>
    %dma_wait3A_680 = tpu.memref_squeeze %dma_wait3A_679 : memref<16x1x1x1024xf32, #tpu.memory_space<hbm>> -> memref<16x1024xf32, #tpu.memory_space<hbm>>
    %dma_wait3A_681 = arith.constant 0 : i32
    %dma_wait3A_682 = arith.constant 0 : i32
    %dma_wait3A_683 = tpu.memref_slice %arg10[%dma_wait3A_681, %dma_wait3A_675, %dma_wait3A_676, %dma_wait3A_682] : memref<16384x1x2x1024xf32, #tpu.memory_space<hbm>> -> memref<16x1x1x1024xf32, #tpu.memory_space<hbm>>
    %dma_wait3A_684 = tpu.memref_squeeze %dma_wait3A_683 : memref<16x1x1x1024xf32, #tpu.memory_space<hbm>> -> memref<16x1024xf32, #tpu.memory_space<hbm>>
    tpu.wait_dma2 semaphore(%arg22 : memref<!tpu.dma_semaphore, #tpu.memory_space<semaphore_mem>>) src(%dma_wait3A_684 : memref<16x1024xf32, #tpu.memory_space<hbm>>) dst(%arg18 : memref<16x1024xf32, #tpu.memory_space<vmem>>)
    %dma_wait3A_685 = arith.constant 0 : i32
    %dma_wait3A_686 = arith.constant 0 : i32
    %dma_wait3A_687 = arith.constant 0 : i32
    %dma_wait3A_688 = arith.constant 0 : i32
    %dma_wait3A_689 = tpu.memref_slice %arg10[%dma_wait3A_687, %dma_wait3A_685, %dma_wait3A_686, %dma_wait3A_688] : memref<16384x1x2x1024xf32, #tpu.memory_space<hbm>> -> memref<16x1x1x1024xf32, #tpu.memory_space<hbm>>
    %dma_wait3A_690 = tpu.memref_squeeze %dma_wait3A_689 : memref<16x1x1x1024xf32, #tpu.memory_space<hbm>> -> memref<16x1024xf32, #tpu.memory_space<hbm>>
    %dma_wait3A_691 = arith.constant 0 : i32
    %dma_wait3A_692 = arith.constant 0 : i32
    %dma_wait3A_693 = tpu.memref_slice %arg10[%dma_wait3A_691, %dma_wait3A_685, %dma_wait3A_686, %dma_wait3A_692] : memref<16384x1x2x1024xf32, #tpu.memory_space<hbm>> -> memref<16x1x1x1024xf32, #tpu.memory_space<hbm>>
    %dma_wait3A_694 = tpu.memref_squeeze %dma_wait3A_693 : memref<16x1x1x1024xf32, #tpu.memory_space<hbm>> -> memref<16x1024xf32, #tpu.memory_space<hbm>>
    tpu.wait_dma2 semaphore(%arg22 : memref<!tpu.dma_semaphore, #tpu.memory_space<semaphore_mem>>) src(%dma_wait3A_694 : memref<16x1024xf32, #tpu.memory_space<hbm>>) dst(%arg19 : memref<16x1024xf32, #tpu.memory_space<vmem>>)
    %add3A_695 = arith.constant 464 : i32
    %add3A_696 = arith.addi %mul3A_2, %add3A_695 : i32
    %dma_start3A_697 = arith.constant 0 : i32
    %dma_start3A_698 = arith.constant 0 : i32
    %dma_start3A_699 = arith.constant 0 : i32
    %dma_start3A_700 = tpu.memref_slice %arg10[%add3A_696, %dma_start3A_697, %dma_start3A_698, %dma_start3A_699] : memref<16384x1x2x1024xf32, #tpu.memory_space<hbm>> -> memref<16x1x1x1024xf32, #tpu.memory_space<hbm>>
    %dma_start3A_701 = tpu.memref_squeeze %dma_start3A_700 : memref<16x1x1x1024xf32, #tpu.memory_space<hbm>> -> memref<16x1024xf32, #tpu.memory_space<hbm>>
    %dma_start3A_702 = arith.constant 0 : i32
    %dma_start3A_703 = tpu.memref_slice %arg10[%add3A_696, %dma_start3A_697, %dma_start3A_698, %dma_start3A_702] : memref<16384x1x2x1024xf32, #tpu.memory_space<hbm>> -> memref<16x1x1x1024xf32, #tpu.memory_space<hbm>>
    %dma_start3A_704 = tpu.memref_squeeze %dma_start3A_703 : memref<16x1x1x1024xf32, #tpu.memory_space<hbm>> -> memref<16x1024xf32, #tpu.memory_space<hbm>>
    tpu.enqueue_dma source(%arg18 : memref<16x1024xf32, #tpu.memory_space<vmem>>) target(%dma_start3A_704 : memref<16x1024xf32, #tpu.memory_space<hbm>>) target_semaphore(%arg25 : memref<!tpu.dma_semaphore, #tpu.memory_space<semaphore_mem>>)
    %dma_start3A_705 = arith.constant 0 : i32
    %dma_start3A_706 = arith.constant 1 : i32
    %dma_start3A_707 = arith.constant 0 : i32
    %dma_start3A_708 = tpu.memref_slice %arg10[%add3A_696, %dma_start3A_705, %dma_start3A_706, %dma_start3A_707] : memref<16384x1x2x1024xf32, #tpu.memory_space<hbm>> -> memref<16x1x1x1024xf32, #tpu.memory_space<hbm>>
    %dma_start3A_709 = tpu.memref_squeeze %dma_start3A_708 : memref<16x1x1x1024xf32, #tpu.memory_space<hbm>> -> memref<16x1024xf32, #tpu.memory_space<hbm>>
    %dma_start3A_710 = arith.constant 0 : i32
    %dma_start3A_711 = tpu.memref_slice %arg10[%add3A_696, %dma_start3A_705, %dma_start3A_706, %dma_start3A_710] : memref<16384x1x2x1024xf32, #tpu.memory_space<hbm>> -> memref<16x1x1x1024xf32, #tpu.memory_space<hbm>>
    %dma_start3A_712 = tpu.memref_squeeze %dma_start3A_711 : memref<16x1x1x1024xf32, #tpu.memory_space<hbm>> -> memref<16x1024xf32, #tpu.memory_space<hbm>>
    tpu.enqueue_dma source(%arg19 : memref<16x1024xf32, #tpu.memory_space<vmem>>) target(%dma_start3A_712 : memref<16x1024xf32, #tpu.memory_space<hbm>>) target_semaphore(%arg25 : memref<!tpu.dma_semaphore, #tpu.memory_space<semaphore_mem>>)
    %dma_wait3A_713 = arith.constant 0 : i32
    %dma_wait3A_714 = arith.constant 0 : i32
    %dma_wait3A_715 = arith.constant 0 : i32
    %dma_wait3A_716 = arith.constant 0 : i32
    %dma_wait3A_717 = tpu.memref_slice %arg10[%dma_wait3A_715, %dma_wait3A_713, %dma_wait3A_714, %dma_wait3A_716] : memref<16384x1x2x1024xf32, #tpu.memory_space<hbm>> -> memref<16x1x1x1024xf32, #tpu.memory_space<hbm>>
    %dma_wait3A_718 = tpu.memref_squeeze %dma_wait3A_717 : memref<16x1x1x1024xf32, #tpu.memory_space<hbm>> -> memref<16x1024xf32, #tpu.memory_space<hbm>>
    %dma_wait3A_719 = arith.constant 0 : i32
    %dma_wait3A_720 = arith.constant 0 : i32
    %dma_wait3A_721 = tpu.memref_slice %arg10[%dma_wait3A_719, %dma_wait3A_713, %dma_wait3A_714, %dma_wait3A_720] : memref<16384x1x2x1024xf32, #tpu.memory_space<hbm>> -> memref<16x1x1x1024xf32, #tpu.memory_space<hbm>>
    %dma_wait3A_722 = tpu.memref_squeeze %dma_wait3A_721 : memref<16x1x1x1024xf32, #tpu.memory_space<hbm>> -> memref<16x1024xf32, #tpu.memory_space<hbm>>
    tpu.wait_dma2 semaphore(%arg24 : memref<!tpu.dma_semaphore, #tpu.memory_space<semaphore_mem>>) src(%dma_wait3A_722 : memref<16x1024xf32, #tpu.memory_space<hbm>>) dst(%arg16 : memref<16x1024xf32, #tpu.memory_space<vmem>>)
    %dma_wait3A_723 = arith.constant 0 : i32
    %dma_wait3A_724 = arith.constant 0 : i32
    %dma_wait3A_725 = arith.constant 0 : i32
    %dma_wait3A_726 = arith.constant 0 : i32
    %dma_wait3A_727 = tpu.memref_slice %arg10[%dma_wait3A_725, %dma_wait3A_723, %dma_wait3A_724, %dma_wait3A_726] : memref<16384x1x2x1024xf32, #tpu.memory_space<hbm>> -> memref<16x1x1x1024xf32, #tpu.memory_space<hbm>>
    %dma_wait3A_728 = tpu.memref_squeeze %dma_wait3A_727 : memref<16x1x1x1024xf32, #tpu.memory_space<hbm>> -> memref<16x1024xf32, #tpu.memory_space<hbm>>
    %dma_wait3A_729 = arith.constant 0 : i32
    %dma_wait3A_730 = arith.constant 0 : i32
    %dma_wait3A_731 = tpu.memref_slice %arg10[%dma_wait3A_729, %dma_wait3A_723, %dma_wait3A_724, %dma_wait3A_730] : memref<16384x1x2x1024xf32, #tpu.memory_space<hbm>> -> memref<16x1x1x1024xf32, #tpu.memory_space<hbm>>
    %dma_wait3A_732 = tpu.memref_squeeze %dma_wait3A_731 : memref<16x1x1x1024xf32, #tpu.memory_space<hbm>> -> memref<16x1024xf32, #tpu.memory_space<hbm>>
    tpu.wait_dma2 semaphore(%arg24 : memref<!tpu.dma_semaphore, #tpu.memory_space<semaphore_mem>>) src(%dma_wait3A_732 : memref<16x1024xf32, #tpu.memory_space<hbm>>) dst(%arg17 : memref<16x1024xf32, #tpu.memory_space<vmem>>)
    %dma_start3A_733 = arith.constant 0 : i32
    %dma_start3A_734 = arith.constant 0 : i32
    %dma_start3A_735 = tpu.memref_slice %arg16[%dma_start3A_733, %dma_start3A_734] : memref<16x1024xf32, #tpu.memory_space<vmem>> -> memref<16x256xf32, #tpu.memory_space<vmem>>
    %dma_start3A_736 = arith.constant 496 : i32
    %dma_start3A_737 = tpu.memref_slice %arg11[%dma_start3A_736] : memref<512xi32, #tpu.memory_space<vmem>> -> memref<16xi32, #tpu.memory_space<vmem>>
    %dma_start3A_738 = arith.constant 0 : i32
    %dma_start3A_739 = arith.constant 0 : i32
    %dma_start3A_740 = tpu.memref_slice %arg4[%dma_start3A_738, %dma_start3A_739] : memref<1373x256xf32, #tpu.memory_space<hbm>> -> memref<1373x256xf32, #tpu.memory_space<hbm>>
    tpu.enqueue_indirect_dma source(%dma_start3A_740 : memref<1373x256xf32, #tpu.memory_space<hbm>>) target(%dma_start3A_735 : memref<16x256xf32, #tpu.memory_space<vmem>>) offsets(%dma_start3A_737 : memref<16xi32, #tpu.memory_space<vmem>>) semaphore(%arg21 : memref<!tpu.dma_semaphore, #tpu.memory_space<semaphore_mem>>)
    %dma_start3A_741 = arith.constant 0 : i32
    %dma_start3A_742 = arith.constant 256 : i32
    %dma_start3A_743 = tpu.memref_slice %arg16[%dma_start3A_741, %dma_start3A_742] : memref<16x1024xf32, #tpu.memory_space<vmem>> -> memref<16x256xf32, #tpu.memory_space<vmem>>
    %dma_start3A_744 = arith.constant 496 : i32
    %dma_start3A_745 = tpu.memref_slice %arg11[%dma_start3A_744] : memref<512xi32, #tpu.memory_space<vmem>> -> memref<16xi32, #tpu.memory_space<vmem>>
    %dma_start3A_746 = arith.constant 0 : i32
    %dma_start3A_747 = arith.constant 0 : i32
    %dma_start3A_748 = tpu.memref_slice %arg5[%dma_start3A_746, %dma_start3A_747] : memref<1373x256xf32, #tpu.memory_space<hbm>> -> memref<1373x256xf32, #tpu.memory_space<hbm>>
    tpu.enqueue_indirect_dma source(%dma_start3A_748 : memref<1373x256xf32, #tpu.memory_space<hbm>>) target(%dma_start3A_743 : memref<16x256xf32, #tpu.memory_space<vmem>>) offsets(%dma_start3A_745 : memref<16xi32, #tpu.memory_space<vmem>>) semaphore(%arg21 : memref<!tpu.dma_semaphore, #tpu.memory_space<semaphore_mem>>)
    %dma_start3A_749 = arith.constant 0 : i32
    %dma_start3A_750 = arith.constant 512 : i32
    %dma_start3A_751 = tpu.memref_slice %arg16[%dma_start3A_749, %dma_start3A_750] : memref<16x1024xf32, #tpu.memory_space<vmem>> -> memref<16x256xf32, #tpu.memory_space<vmem>>
    %dma_start3A_752 = arith.constant 496 : i32
    %dma_start3A_753 = tpu.memref_slice %arg11[%dma_start3A_752] : memref<512xi32, #tpu.memory_space<vmem>> -> memref<16xi32, #tpu.memory_space<vmem>>
    %dma_start3A_754 = arith.constant 0 : i32
    %dma_start3A_755 = arith.constant 0 : i32
    %dma_start3A_756 = tpu.memref_slice %arg2[%dma_start3A_754, %dma_start3A_755] : memref<1546x256xf32, #tpu.memory_space<hbm>> -> memref<1546x256xf32, #tpu.memory_space<hbm>>
    tpu.enqueue_indirect_dma source(%dma_start3A_756 : memref<1546x256xf32, #tpu.memory_space<hbm>>) target(%dma_start3A_751 : memref<16x256xf32, #tpu.memory_space<vmem>>) offsets(%dma_start3A_753 : memref<16xi32, #tpu.memory_space<vmem>>) semaphore(%arg21 : memref<!tpu.dma_semaphore, #tpu.memory_space<semaphore_mem>>)
    %dma_start3A_757 = arith.constant 0 : i32
    %dma_start3A_758 = arith.constant 768 : i32
    %dma_start3A_759 = tpu.memref_slice %arg16[%dma_start3A_757, %dma_start3A_758] : memref<16x1024xf32, #tpu.memory_space<vmem>> -> memref<16x256xf32, #tpu.memory_space<vmem>>
    %dma_start3A_760 = arith.constant 496 : i32
    %dma_start3A_761 = tpu.memref_slice %arg11[%dma_start3A_760] : memref<512xi32, #tpu.memory_space<vmem>> -> memref<16xi32, #tpu.memory_space<vmem>>
    %dma_start3A_762 = arith.constant 0 : i32
    %dma_start3A_763 = arith.constant 0 : i32
    %dma_start3A_764 = tpu.memref_slice %arg3[%dma_start3A_762, %dma_start3A_763] : memref<1546x256xf32, #tpu.memory_space<hbm>> -> memref<1546x256xf32, #tpu.memory_space<hbm>>
    tpu.enqueue_indirect_dma source(%dma_start3A_764 : memref<1546x256xf32, #tpu.memory_space<hbm>>) target(%dma_start3A_759 : memref<16x256xf32, #tpu.memory_space<vmem>>) offsets(%dma_start3A_761 : memref<16xi32, #tpu.memory_space<vmem>>) semaphore(%arg21 : memref<!tpu.dma_semaphore, #tpu.memory_space<semaphore_mem>>)
    %dma_start3A_765 = arith.constant 0 : i32
    %dma_start3A_766 = arith.constant 0 : i32
    %dma_start3A_767 = tpu.memref_slice %arg17[%dma_start3A_765, %dma_start3A_766] : memref<16x1024xf32, #tpu.memory_space<vmem>> -> memref<16x256xf32, #tpu.memory_space<vmem>>
    %dma_start3A_768 = arith.constant 496 : i32
    %dma_start3A_769 = tpu.memref_slice %arg12[%dma_start3A_768] : memref<512xi32, #tpu.memory_space<vmem>> -> memref<16xi32, #tpu.memory_space<vmem>>
    %dma_start3A_770 = arith.constant 0 : i32
    %dma_start3A_771 = arith.constant 0 : i32
    %dma_start3A_772 = tpu.memref_slice %arg6[%dma_start3A_770, %dma_start3A_771] : memref<173x256xf32, #tpu.memory_space<hbm>> -> memref<173x256xf32, #tpu.memory_space<hbm>>
    tpu.enqueue_indirect_dma source(%dma_start3A_772 : memref<173x256xf32, #tpu.memory_space<hbm>>) target(%dma_start3A_767 : memref<16x256xf32, #tpu.memory_space<vmem>>) offsets(%dma_start3A_769 : memref<16xi32, #tpu.memory_space<vmem>>) semaphore(%arg21 : memref<!tpu.dma_semaphore, #tpu.memory_space<semaphore_mem>>)
    %dma_start3A_773 = arith.constant 0 : i32
    %dma_start3A_774 = arith.constant 256 : i32
    %dma_start3A_775 = tpu.memref_slice %arg17[%dma_start3A_773, %dma_start3A_774] : memref<16x1024xf32, #tpu.memory_space<vmem>> -> memref<16x256xf32, #tpu.memory_space<vmem>>
    %dma_start3A_776 = arith.constant 496 : i32
    %dma_start3A_777 = tpu.memref_slice %arg12[%dma_start3A_776] : memref<512xi32, #tpu.memory_space<vmem>> -> memref<16xi32, #tpu.memory_space<vmem>>
    %dma_start3A_778 = arith.constant 0 : i32
    %dma_start3A_779 = arith.constant 0 : i32
    %dma_start3A_780 = tpu.memref_slice %arg7[%dma_start3A_778, %dma_start3A_779] : memref<173x256xf32, #tpu.memory_space<hbm>> -> memref<173x256xf32, #tpu.memory_space<hbm>>
    tpu.enqueue_indirect_dma source(%dma_start3A_780 : memref<173x256xf32, #tpu.memory_space<hbm>>) target(%dma_start3A_775 : memref<16x256xf32, #tpu.memory_space<vmem>>) offsets(%dma_start3A_777 : memref<16xi32, #tpu.memory_space<vmem>>) semaphore(%arg21 : memref<!tpu.dma_semaphore, #tpu.memory_space<semaphore_mem>>)
    %dma_start3A_781 = arith.constant 0 : i32
    %dma_start3A_782 = arith.constant 512 : i32
    %dma_start3A_783 = tpu.memref_slice %arg17[%dma_start3A_781, %dma_start3A_782] : memref<16x1024xf32, #tpu.memory_space<vmem>> -> memref<16x256xf32, #tpu.memory_space<vmem>>
    %dma_start3A_784 = arith.constant 496 : i32
    %dma_start3A_785 = tpu.memref_slice %arg13[%dma_start3A_784] : memref<512xi32, #tpu.memory_space<vmem>> -> memref<16xi32, #tpu.memory_space<vmem>>
    %dma_start3A_786 = arith.constant 0 : i32
    %dma_start3A_787 = arith.constant 0 : i32
    %dma_start3A_788 = tpu.memref_slice %arg2[%dma_start3A_786, %dma_start3A_787] : memref<1546x256xf32, #tpu.memory_space<hbm>> -> memref<1546x256xf32, #tpu.memory_space<hbm>>
    tpu.enqueue_indirect_dma source(%dma_start3A_788 : memref<1546x256xf32, #tpu.memory_space<hbm>>) target(%dma_start3A_783 : memref<16x256xf32, #tpu.memory_space<vmem>>) offsets(%dma_start3A_785 : memref<16xi32, #tpu.memory_space<vmem>>) semaphore(%arg21 : memref<!tpu.dma_semaphore, #tpu.memory_space<semaphore_mem>>)
    %dma_start3A_789 = arith.constant 0 : i32
    %dma_start3A_790 = arith.constant 768 : i32
    %dma_start3A_791 = tpu.memref_slice %arg17[%dma_start3A_789, %dma_start3A_790] : memref<16x1024xf32, #tpu.memory_space<vmem>> -> memref<16x256xf32, #tpu.memory_space<vmem>>
    %dma_start3A_792 = arith.constant 496 : i32
    %dma_start3A_793 = tpu.memref_slice %arg13[%dma_start3A_792] : memref<512xi32, #tpu.memory_space<vmem>> -> memref<16xi32, #tpu.memory_space<vmem>>
    %dma_start3A_794 = arith.constant 0 : i32
    %dma_start3A_795 = arith.constant 0 : i32
    %dma_start3A_796 = tpu.memref_slice %arg3[%dma_start3A_794, %dma_start3A_795] : memref<1546x256xf32, #tpu.memory_space<hbm>> -> memref<1546x256xf32, #tpu.memory_space<hbm>>
    tpu.enqueue_indirect_dma source(%dma_start3A_796 : memref<1546x256xf32, #tpu.memory_space<hbm>>) target(%dma_start3A_791 : memref<16x256xf32, #tpu.memory_space<vmem>>) offsets(%dma_start3A_793 : memref<16xi32, #tpu.memory_space<vmem>>) semaphore(%arg21 : memref<!tpu.dma_semaphore, #tpu.memory_space<semaphore_mem>>)
    %dma_wait3A_797 = arith.constant 0 : i32
    %dma_wait3A_798 = arith.constant 0 : i32
    %dma_wait3A_799 = arith.constant 0 : i32
    %dma_wait3A_800 = arith.constant 0 : i32
    %dma_wait3A_801 = tpu.memref_slice %arg10[%dma_wait3A_799, %dma_wait3A_797, %dma_wait3A_798, %dma_wait3A_800] : memref<16384x1x2x1024xf32, #tpu.memory_space<hbm>> -> memref<16x1x1x1024xf32, #tpu.memory_space<hbm>>
    %dma_wait3A_802 = tpu.memref_squeeze %dma_wait3A_801 : memref<16x1x1x1024xf32, #tpu.memory_space<hbm>> -> memref<16x1024xf32, #tpu.memory_space<hbm>>
    %dma_wait3A_803 = arith.constant 0 : i32
    %dma_wait3A_804 = arith.constant 0 : i32
    %dma_wait3A_805 = tpu.memref_slice %arg10[%dma_wait3A_803, %dma_wait3A_797, %dma_wait3A_798, %dma_wait3A_804] : memref<16384x1x2x1024xf32, #tpu.memory_space<hbm>> -> memref<16x1x1x1024xf32, #tpu.memory_space<hbm>>
    %dma_wait3A_806 = tpu.memref_squeeze %dma_wait3A_805 : memref<16x1x1x1024xf32, #tpu.memory_space<hbm>> -> memref<16x1024xf32, #tpu.memory_space<hbm>>
    tpu.wait_dma2 semaphore(%arg20 : memref<!tpu.dma_semaphore, #tpu.memory_space<semaphore_mem>>) src(%dma_wait3A_806 : memref<16x1024xf32, #tpu.memory_space<hbm>>) dst(%arg14 : memref<16x1024xf32, #tpu.memory_space<vmem>>)
    %dma_wait3A_807 = arith.constant 0 : i32
    %dma_wait3A_808 = arith.constant 0 : i32
    %dma_wait3A_809 = arith.constant 0 : i32
    %dma_wait3A_810 = arith.constant 0 : i32
    %dma_wait3A_811 = tpu.memref_slice %arg10[%dma_wait3A_809, %dma_wait3A_807, %dma_wait3A_808, %dma_wait3A_810] : memref<16384x1x2x1024xf32, #tpu.memory_space<hbm>> -> memref<16x1x1x1024xf32, #tpu.memory_space<hbm>>
    %dma_wait3A_812 = tpu.memref_squeeze %dma_wait3A_811 : memref<16x1x1x1024xf32, #tpu.memory_space<hbm>> -> memref<16x1024xf32, #tpu.memory_space<hbm>>
    %dma_wait3A_813 = arith.constant 0 : i32
    %dma_wait3A_814 = arith.constant 0 : i32
    %dma_wait3A_815 = tpu.memref_slice %arg10[%dma_wait3A_813, %dma_wait3A_807, %dma_wait3A_808, %dma_wait3A_814] : memref<16384x1x2x1024xf32, #tpu.memory_space<hbm>> -> memref<16x1x1x1024xf32, #tpu.memory_space<hbm>>
    %dma_wait3A_816 = tpu.memref_squeeze %dma_wait3A_815 : memref<16x1x1x1024xf32, #tpu.memory_space<hbm>> -> memref<16x1024xf32, #tpu.memory_space<hbm>>
    tpu.wait_dma2 semaphore(%arg20 : memref<!tpu.dma_semaphore, #tpu.memory_space<semaphore_mem>>) src(%dma_wait3A_816 : memref<16x1024xf32, #tpu.memory_space<hbm>>) dst(%arg15 : memref<16x1024xf32, #tpu.memory_space<vmem>>)
    %add3A_817 = arith.constant 480 : i32
    %add3A_818 = arith.addi %mul3A_2, %add3A_817 : i32
    %dma_start3A_819 = arith.constant 0 : i32
    %dma_start3A_820 = arith.constant 0 : i32
    %dma_start3A_821 = arith.constant 0 : i32
    %dma_start3A_822 = tpu.memref_slice %arg10[%add3A_818, %dma_start3A_819, %dma_start3A_820, %dma_start3A_821] : memref<16384x1x2x1024xf32, #tpu.memory_space<hbm>> -> memref<16x1x1x1024xf32, #tpu.memory_space<hbm>>
    %dma_start3A_823 = tpu.memref_squeeze %dma_start3A_822 : memref<16x1x1x1024xf32, #tpu.memory_space<hbm>> -> memref<16x1024xf32, #tpu.memory_space<hbm>>
    %dma_start3A_824 = arith.constant 0 : i32
    %dma_start3A_825 = tpu.memref_slice %arg10[%add3A_818, %dma_start3A_819, %dma_start3A_820, %dma_start3A_824] : memref<16384x1x2x1024xf32, #tpu.memory_space<hbm>> -> memref<16x1x1x1024xf32, #tpu.memory_space<hbm>>
    %dma_start3A_826 = tpu.memref_squeeze %dma_start3A_825 : memref<16x1x1x1024xf32, #tpu.memory_space<hbm>> -> memref<16x1024xf32, #tpu.memory_space<hbm>>
    tpu.enqueue_dma source(%arg14 : memref<16x1024xf32, #tpu.memory_space<vmem>>) target(%dma_start3A_826 : memref<16x1024xf32, #tpu.memory_space<hbm>>) target_semaphore(%arg23 : memref<!tpu.dma_semaphore, #tpu.memory_space<semaphore_mem>>)
    %dma_start3A_827 = arith.constant 0 : i32
    %dma_start3A_828 = arith.constant 1 : i32
    %dma_start3A_829 = arith.constant 0 : i32
    %dma_start3A_830 = tpu.memref_slice %arg10[%add3A_818, %dma_start3A_827, %dma_start3A_828, %dma_start3A_829] : memref<16384x1x2x1024xf32, #tpu.memory_space<hbm>> -> memref<16x1x1x1024xf32, #tpu.memory_space<hbm>>
    %dma_start3A_831 = tpu.memref_squeeze %dma_start3A_830 : memref<16x1x1x1024xf32, #tpu.memory_space<hbm>> -> memref<16x1024xf32, #tpu.memory_space<hbm>>
    %dma_start3A_832 = arith.constant 0 : i32
    %dma_start3A_833 = tpu.memref_slice %arg10[%add3A_818, %dma_start3A_827, %dma_start3A_828, %dma_start3A_832] : memref<16384x1x2x1024xf32, #tpu.memory_space<hbm>> -> memref<16x1x1x1024xf32, #tpu.memory_space<hbm>>
    %dma_start3A_834 = tpu.memref_squeeze %dma_start3A_833 : memref<16x1x1x1024xf32, #tpu.memory_space<hbm>> -> memref<16x1024xf32, #tpu.memory_space<hbm>>
    tpu.enqueue_dma source(%arg15 : memref<16x1024xf32, #tpu.memory_space<vmem>>) target(%dma_start3A_834 : memref<16x1024xf32, #tpu.memory_space<hbm>>) target_semaphore(%arg23 : memref<!tpu.dma_semaphore, #tpu.memory_space<semaphore_mem>>)
    %dma_wait3A_835 = arith.constant 0 : i32
    %dma_wait3A_836 = arith.constant 0 : i32
    %dma_wait3A_837 = arith.constant 0 : i32
    %dma_wait3A_838 = arith.constant 0 : i32
    %dma_wait3A_839 = tpu.memref_slice %arg10[%dma_wait3A_837, %dma_wait3A_835, %dma_wait3A_836, %dma_wait3A_838] : memref<16384x1x2x1024xf32, #tpu.memory_space<hbm>> -> memref<16x1x1x1024xf32, #tpu.memory_space<hbm>>
    %dma_wait3A_840 = tpu.memref_squeeze %dma_wait3A_839 : memref<16x1x1x1024xf32, #tpu.memory_space<hbm>> -> memref<16x1024xf32, #tpu.memory_space<hbm>>
    %dma_wait3A_841 = arith.constant 0 : i32
    %dma_wait3A_842 = arith.constant 0 : i32
    %dma_wait3A_843 = tpu.memref_slice %arg10[%dma_wait3A_841, %dma_wait3A_835, %dma_wait3A_836, %dma_wait3A_842] : memref<16384x1x2x1024xf32, #tpu.memory_space<hbm>> -> memref<16x1x1x1024xf32, #tpu.memory_space<hbm>>
    %dma_wait3A_844 = tpu.memref_squeeze %dma_wait3A_843 : memref<16x1x1x1024xf32, #tpu.memory_space<hbm>> -> memref<16x1024xf32, #tpu.memory_space<hbm>>
    tpu.wait_dma2 semaphore(%arg21 : memref<!tpu.dma_semaphore, #tpu.memory_space<semaphore_mem>>) src(%dma_wait3A_844 : memref<16x1024xf32, #tpu.memory_space<hbm>>) dst(%arg16 : memref<16x1024xf32, #tpu.memory_space<vmem>>)
    %dma_wait3A_845 = arith.constant 0 : i32
    %dma_wait3A_846 = arith.constant 0 : i32
    %dma_wait3A_847 = arith.constant 0 : i32
    %dma_wait3A_848 = arith.constant 0 : i32
    %dma_wait3A_849 = tpu.memref_slice %arg10[%dma_wait3A_847, %dma_wait3A_845, %dma_wait3A_846, %dma_wait3A_848] : memref<16384x1x2x1024xf32, #tpu.memory_space<hbm>> -> memref<16x1x1x1024xf32, #tpu.memory_space<hbm>>
    %dma_wait3A_850 = tpu.memref_squeeze %dma_wait3A_849 : memref<16x1x1x1024xf32, #tpu.memory_space<hbm>> -> memref<16x1024xf32, #tpu.memory_space<hbm>>
    %dma_wait3A_851 = arith.constant 0 : i32
    %dma_wait3A_852 = arith.constant 0 : i32
    %dma_wait3A_853 = tpu.memref_slice %arg10[%dma_wait3A_851, %dma_wait3A_845, %dma_wait3A_846, %dma_wait3A_852] : memref<16384x1x2x1024xf32, #tpu.memory_space<hbm>> -> memref<16x1x1x1024xf32, #tpu.memory_space<hbm>>
    %dma_wait3A_854 = tpu.memref_squeeze %dma_wait3A_853 : memref<16x1x1x1024xf32, #tpu.memory_space<hbm>> -> memref<16x1024xf32, #tpu.memory_space<hbm>>
    tpu.wait_dma2 semaphore(%arg21 : memref<!tpu.dma_semaphore, #tpu.memory_space<semaphore_mem>>) src(%dma_wait3A_854 : memref<16x1024xf32, #tpu.memory_space<hbm>>) dst(%arg17 : memref<16x1024xf32, #tpu.memory_space<vmem>>)
    %add3A_855 = arith.constant 496 : i32
    %add3A_856 = arith.addi %mul3A_2, %add3A_855 : i32
    %dma_start3A_857 = arith.constant 0 : i32
    %dma_start3A_858 = arith.constant 0 : i32
    %dma_start3A_859 = arith.constant 0 : i32
    %dma_start3A_860 = tpu.memref_slice %arg10[%add3A_856, %dma_start3A_857, %dma_start3A_858, %dma_start3A_859] : memref<16384x1x2x1024xf32, #tpu.memory_space<hbm>> -> memref<16x1x1x1024xf32, #tpu.memory_space<hbm>>
    %dma_start3A_861 = tpu.memref_squeeze %dma_start3A_860 : memref<16x1x1x1024xf32, #tpu.memory_space<hbm>> -> memref<16x1024xf32, #tpu.memory_space<hbm>>
    %dma_start3A_862 = arith.constant 0 : i32
    %dma_start3A_863 = tpu.memref_slice %arg10[%add3A_856, %dma_start3A_857, %dma_start3A_858, %dma_start3A_862] : memref<16384x1x2x1024xf32, #tpu.memory_space<hbm>> -> memref<16x1x1x1024xf32, #tpu.memory_space<hbm>>
    %dma_start3A_864 = tpu.memref_squeeze %dma_start3A_863 : memref<16x1x1x1024xf32, #tpu.memory_space<hbm>> -> memref<16x1024xf32, #tpu.memory_space<hbm>>
    tpu.enqueue_dma source(%arg16 : memref<16x1024xf32, #tpu.memory_space<vmem>>) target(%dma_start3A_864 : memref<16x1024xf32, #tpu.memory_space<hbm>>) target_semaphore(%arg24 : memref<!tpu.dma_semaphore, #tpu.memory_space<semaphore_mem>>)
    %dma_start3A_865 = arith.constant 0 : i32
    %dma_start3A_866 = arith.constant 1 : i32
    %dma_start3A_867 = arith.constant 0 : i32
    %dma_start3A_868 = tpu.memref_slice %arg10[%add3A_856, %dma_start3A_865, %dma_start3A_866, %dma_start3A_867] : memref<16384x1x2x1024xf32, #tpu.memory_space<hbm>> -> memref<16x1x1x1024xf32, #tpu.memory_space<hbm>>
    %dma_start3A_869 = tpu.memref_squeeze %dma_start3A_868 : memref<16x1x1x1024xf32, #tpu.memory_space<hbm>> -> memref<16x1024xf32, #tpu.memory_space<hbm>>
    %dma_start3A_870 = arith.constant 0 : i32
    %dma_start3A_871 = tpu.memref_slice %arg10[%add3A_856, %dma_start3A_865, %dma_start3A_866, %dma_start3A_870] : memref<16384x1x2x1024xf32, #tpu.memory_space<hbm>> -> memref<16x1x1x1024xf32, #tpu.memory_space<hbm>>
    %dma_start3A_872 = tpu.memref_squeeze %dma_start3A_871 : memref<16x1x1x1024xf32, #tpu.memory_space<hbm>> -> memref<16x1024xf32, #tpu.memory_space<hbm>>
    tpu.enqueue_dma source(%arg17 : memref<16x1024xf32, #tpu.memory_space<vmem>>) target(%dma_start3A_872 : memref<16x1024xf32, #tpu.memory_space<hbm>>) target_semaphore(%arg24 : memref<!tpu.dma_semaphore, #tpu.memory_space<semaphore_mem>>)
    %dma_wait3A_873 = arith.constant 0 : i32
    %dma_wait3A_874 = arith.constant 0 : i32
    %dma_wait3A_875 = arith.constant 0 : i32
    %dma_wait3A_876 = arith.constant 0 : i32
    %dma_wait3A_877 = tpu.memref_slice %arg10[%dma_wait3A_875, %dma_wait3A_873, %dma_wait3A_874, %dma_wait3A_876] : memref<16384x1x2x1024xf32, #tpu.memory_space<hbm>> -> memref<16x1x1x1024xf32, #tpu.memory_space<hbm>>
    %dma_wait3A_878 = tpu.memref_squeeze %dma_wait3A_877 : memref<16x1x1x1024xf32, #tpu.memory_space<hbm>> -> memref<16x1024xf32, #tpu.memory_space<hbm>>
    %dma_wait3A_879 = arith.constant 0 : i32
    %dma_wait3A_880 = arith.constant 0 : i32
    %dma_wait3A_881 = tpu.memref_slice %arg10[%dma_wait3A_879, %dma_wait3A_873, %dma_wait3A_874, %dma_wait3A_880] : memref<16384x1x2x1024xf32, #tpu.memory_space<hbm>> -> memref<16x1x1x1024xf32, #tpu.memory_space<hbm>>
    %dma_wait3A_882 = tpu.memref_squeeze %dma_wait3A_881 : memref<16x1x1x1024xf32, #tpu.memory_space<hbm>> -> memref<16x1024xf32, #tpu.memory_space<hbm>>
    tpu.wait_dma2 semaphore(%arg23 : memref<!tpu.dma_semaphore, #tpu.memory_space<semaphore_mem>>) src(%dma_wait3A_882 : memref<16x1024xf32, #tpu.memory_space<hbm>>) dst(%arg14 : memref<16x1024xf32, #tpu.memory_space<vmem>>)
    %dma_wait3A_883 = arith.constant 0 : i32
    %dma_wait3A_884 = arith.constant 0 : i32
    %dma_wait3A_885 = arith.constant 0 : i32
    %dma_wait3A_886 = arith.constant 0 : i32
    %dma_wait3A_887 = tpu.memref_slice %arg10[%dma_wait3A_885, %dma_wait3A_883, %dma_wait3A_884, %dma_wait3A_886] : memref<16384x1x2x1024xf32, #tpu.memory_space<hbm>> -> memref<16x1x1x1024xf32, #tpu.memory_space<hbm>>
    %dma_wait3A_888 = tpu.memref_squeeze %dma_wait3A_887 : memref<16x1x1x1024xf32, #tpu.memory_space<hbm>> -> memref<16x1024xf32, #tpu.memory_space<hbm>>
    %dma_wait3A_889 = arith.constant 0 : i32
    %dma_wait3A_890 = arith.constant 0 : i32
    %dma_wait3A_891 = tpu.memref_slice %arg10[%dma_wait3A_889, %dma_wait3A_883, %dma_wait3A_884, %dma_wait3A_890] : memref<16384x1x2x1024xf32, #tpu.memory_space<hbm>> -> memref<16x1x1x1024xf32, #tpu.memory_space<hbm>>
    %dma_wait3A_892 = tpu.memref_squeeze %dma_wait3A_891 : memref<16x1x1x1024xf32, #tpu.memory_space<hbm>> -> memref<16x1024xf32, #tpu.memory_space<hbm>>
    tpu.wait_dma2 semaphore(%arg23 : memref<!tpu.dma_semaphore, #tpu.memory_space<semaphore_mem>>) src(%dma_wait3A_892 : memref<16x1024xf32, #tpu.memory_space<hbm>>) dst(%arg15 : memref<16x1024xf32, #tpu.memory_space<vmem>>)
    %dma_wait3A_893 = arith.constant 0 : i32
    %dma_wait3A_894 = arith.constant 0 : i32
    %dma_wait3A_895 = arith.constant 0 : i32
    %dma_wait3A_896 = arith.constant 0 : i32
    %dma_wait3A_897 = tpu.memref_slice %arg10[%dma_wait3A_895, %dma_wait3A_893, %dma_wait3A_894, %dma_wait3A_896] : memref<16384x1x2x1024xf32, #tpu.memory_space<hbm>> -> memref<16x1x1x1024xf32, #tpu.memory_space<hbm>>
    %dma_wait3A_898 = tpu.memref_squeeze %dma_wait3A_897 : memref<16x1x1x1024xf32, #tpu.memory_space<hbm>> -> memref<16x1024xf32, #tpu.memory_space<hbm>>
    %dma_wait3A_899 = arith.constant 0 : i32
    %dma_wait3A_900 = arith.constant 0 : i32
    %dma_wait3A_901 = tpu.memref_slice %arg10[%dma_wait3A_899, %dma_wait3A_893, %dma_wait3A_894, %dma_wait3A_900] : memref<16384x1x2x1024xf32, #tpu.memory_space<hbm>> -> memref<16x1x1x1024xf32, #tpu.memory_space<hbm>>
    %dma_wait3A_902 = tpu.memref_squeeze %dma_wait3A_901 : memref<16x1x1x1024xf32, #tpu.memory_space<hbm>> -> memref<16x1024xf32, #tpu.memory_space<hbm>>
    tpu.wait_dma2 semaphore(%arg24 : memref<!tpu.dma_semaphore, #tpu.memory_space<semaphore_mem>>) src(%dma_wait3A_902 : memref<16x1024xf32, #tpu.memory_space<hbm>>) dst(%arg16 : memref<16x1024xf32, #tpu.memory_space<vmem>>)
    %dma_wait3A_903 = arith.constant 0 : i32
    %dma_wait3A_904 = arith.constant 0 : i32
    %dma_wait3A_905 = arith.constant 0 : i32
    %dma_wait3A_906 = arith.constant 0 : i32
    %dma_wait3A_907 = tpu.memref_slice %arg10[%dma_wait3A_905, %dma_wait3A_903, %dma_wait3A_904, %dma_wait3A_906] : memref<16384x1x2x1024xf32, #tpu.memory_space<hbm>> -> memref<16x1x1x1024xf32, #tpu.memory_space<hbm>>
    %dma_wait3A_908 = tpu.memref_squeeze %dma_wait3A_907 : memref<16x1x1x1024xf32, #tpu.memory_space<hbm>> -> memref<16x1024xf32, #tpu.memory_space<hbm>>
    %dma_wait3A_909 = arith.constant 0 : i32
    %dma_wait3A_910 = arith.constant 0 : i32
    %dma_wait3A_911 = tpu.memref_slice %arg10[%dma_wait3A_909, %dma_wait3A_903, %dma_wait3A_904, %dma_wait3A_910] : memref<16384x1x2x1024xf32, #tpu.memory_space<hbm>> -> memref<16x1x1x1024xf32, #tpu.memory_space<hbm>>
    %dma_wait3A_912 = tpu.memref_squeeze %dma_wait3A_911 : memref<16x1x1x1024xf32, #tpu.memory_space<hbm>> -> memref<16x1024xf32, #tpu.memory_space<hbm>>
    tpu.wait_dma2 semaphore(%arg24 : memref<!tpu.dma_semaphore, #tpu.memory_space<semaphore_mem>>) src(%dma_wait3A_912 : memref<16x1024xf32, #tpu.memory_space<hbm>>) dst(%arg17 : memref<16x1024xf32, #tpu.memory_space<vmem>>)
    %dma_wait3A_913 = arith.constant 0 : i32
    %dma_wait3A_914 = arith.constant 0 : i32
    %dma_wait3A_915 = arith.constant 0 : i32
    %dma_wait3A_916 = arith.constant 0 : i32
    %dma_wait3A_917 = tpu.memref_slice %arg10[%dma_wait3A_915, %dma_wait3A_913, %dma_wait3A_914, %dma_wait3A_916] : memref<16384x1x2x1024xf32, #tpu.memory_space<hbm>> -> memref<16x1x1x1024xf32, #tpu.memory_space<hbm>>
    %dma_wait3A_918 = tpu.memref_squeeze %dma_wait3A_917 : memref<16x1x1x1024xf32, #tpu.memory_space<hbm>> -> memref<16x1024xf32, #tpu.memory_space<hbm>>
    %dma_wait3A_919 = arith.constant 0 : i32
    %dma_wait3A_920 = arith.constant 0 : i32
    %dma_wait3A_921 = tpu.memref_slice %arg10[%dma_wait3A_919, %dma_wait3A_913, %dma_wait3A_914, %dma_wait3A_920] : memref<16384x1x2x1024xf32, #tpu.memory_space<hbm>> -> memref<16x1x1x1024xf32, #tpu.memory_space<hbm>>
    %dma_wait3A_922 = tpu.memref_squeeze %dma_wait3A_921 : memref<16x1x1x1024xf32, #tpu.memory_space<hbm>> -> memref<16x1024xf32, #tpu.memory_space<hbm>>
    tpu.wait_dma2 semaphore(%arg25 : memref<!tpu.dma_semaphore, #tpu.memory_space<semaphore_mem>>) src(%dma_wait3A_922 : memref<16x1024xf32, #tpu.memory_space<hbm>>) dst(%arg18 : memref<16x1024xf32, #tpu.memory_space<vmem>>)
    %dma_wait3A_923 = arith.constant 0 : i32
    %dma_wait3A_924 = arith.constant 0 : i32
    %dma_wait3A_925 = arith.constant 0 : i32
    %dma_wait3A_926 = arith.constant 0 : i32
    %dma_wait3A_927 = tpu.memref_slice %arg10[%dma_wait3A_925, %dma_wait3A_923, %dma_wait3A_924, %dma_wait3A_926] : memref<16384x1x2x1024xf32, #tpu.memory_space<hbm>> -> memref<16x1x1x1024xf32, #tpu.memory_space<hbm>>
    %dma_wait3A_928 = tpu.memref_squeeze %dma_wait3A_927 : memref<16x1x1x1024xf32, #tpu.memory_space<hbm>> -> memref<16x1024xf32, #tpu.memory_space<hbm>>
    %dma_wait3A_929 = arith.constant 0 : i32
    %dma_wait3A_930 = arith.constant 0 : i32
    %dma_wait3A_931 = tpu.memref_slice %arg10[%dma_wait3A_929, %dma_wait3A_923, %dma_wait3A_924, %dma_wait3A_930] : memref<16384x1x2x1024xf32, #tpu.memory_space<hbm>> -> memref<16x1x1x1024xf32, #tpu.memory_space<hbm>>
    %dma_wait3A_932 = tpu.memref_squeeze %dma_wait3A_931 : memref<16x1x1x1024xf32, #tpu.memory_space<hbm>> -> memref<16x1024xf32, #tpu.memory_space<hbm>>
    tpu.wait_dma2 semaphore(%arg25 : memref<!tpu.dma_semaphore, #tpu.memory_space<semaphore_mem>>) src(%dma_wait3A_932 : memref<16x1024xf32, #tpu.memory_space<hbm>>) dst(%arg19 : memref<16x1024xf32, #tpu.memory_space<vmem>>)
    return
  }
}

</mosaic_0001>

<sc_bundles>
// kernel: _run.3.cloned.1.call-start
scs
__scs_entry_jumppad:
0x0: {  	(pc) =	sbr.rel $0x88, $3  }
0x1: {  	(tag) =	ssettag $0x0;
	lr =	simm.s32 $0x1  }
0x2: {  	[smem:$0x3F99] =	sst lr;
	_ =	strace $0xD0000000  }
0x3: {  	_ = 	snop  }
0x4: {  	_ = 	snop  }
0x5: {  	_ = 	snop  }
0x6: {  	_ = 	snop  }
0x7: {  	_ = 	snop  }
__scs_overlays_trampoline_lowered:
0x8: {  	[smem:$0x3FA8] =	sst s0  }
0x9: {  	[smem:$0x3FA9] =	sst s1  }
0xa: {  	[smem:$0x3FAA] =	sst s2  }
0xb: {  	[smem:$0x3FAB] =	sst s3  }
0xc: {  	[smem:$0x3FAC] =	sst s4  }
0xd: {  	[smem:$0x3FAD] =	sst s5  }
0xe: {  	[smem:$0x3FAE] =	sst s6  }
0xf: {  	[smem:$0x3FAF] =	sst s7  }
0x10: {  	[smem:$0x3FB0] =	sst s8  }
0x11: {  	[smem:$0x3FB1] =	sst s9;
	s0 =	simm.s32 @!p0 $0x0  }
0x12: {  	s1 =	sld [smem:$0x3F97];
	s0 =	simm.s32 @p0 $0x1  }
0x13: {  	[smem:$0x3FB2] =	sst s0;
	s0 =	simm.s32 @!p1 $0x0  }
0x14: {  	s2 =	sld [smem:$0x3F96];
	s0 =	simm.s32 @p1 $0x1  }
0x15: {  	[smem:$0x3FB3] =	sst s0;
	s0 =	simm.s32 @!p2 $0x0  }
0x16: {  	s3 =	sld [smem:$0x3FDB];
	s0 =	simm.s32 @p2 $0x1  }
0x17: {  	s4 =	simm.s32 $0x1BF5;
	[smem:$0x3FB5] =	sst s0  }
0x18: {  	s0 =	sld [smem:$0x3F98];
	_ =	swait.ge [sflag:s4], $0x0  }
0x19: {  	s7 =	sld [smem:$0x3F99]  }
0x1a: {  	s8 =	sadd.s32 $0xFFFFE003, lr  }
0x1b: {  	s9 =	sadd.s32 $0xFFFFFEF7, lr;
	s5 =	simm.s32 $0xFFFFFFFF;
	p2 =	slt.u32 s8, $0xFFFFF086  }
0x1c: {  	p1 =	slt.u32 s9, $0xF7A;
	s5 =	simm.s32 @!p2 $0x0  }
0x1d: {  	s5 =	simm.s32 @p1 $0x1;
	p0 =	seq.s32 s7, s2  }
0x1e: {  	s7 =	smul.u32 @!p0 $0xF7A, s2;
	p2 =	seq.s32 @!p0 s5, $0x0  }
0x1f: {  	s9 =	smul.u32 $0xF7A, s1;
	s8 =	simm.s32 @!p0 $0x1BF5;
	p2 =	por !p2, p0  }
0x20: {  	[sflag:s8] =	ssyncset.s32 @!p0 $0xFFFFF086;
	s6 =	sadd.s32 @!p0 s3, s7;
	s7 =	simm.s32 @!p0 $0x108  }
0x21: {  	s3 =	sadd.s32 s3, s9;
	s6 =	sadd.s32 @!p0 $0x88, s6;
	s7 =	simm.s32 @p2 $0x1082  }
0x22: {  	[simem:s7], [sflag:s8] =	dma.local @!p0 [hbm:s6], $0xF7A  }
0x23: {  	s9 =	sor.u32 $0xD0000000, s2;
	s6 =	simm.s32 $0x108;
	_ =	swait.ge @!p0 [sflag:s8], $0x0  }
0x24: {  	s3 =	sadd.s32 $0x88, s3;
	s6 =	simm.s32 @!p1 $0x1082;
	[sflag:s4] =	ssyncset.s32 $0xFFFFF086  }
0x25: {  	[simem:s6], [sflag:s4] =	dma.local [hbm:s3], $0xF7A  }
0x26: {  	[smem:$0x3F99] =	sst s1;
	(tag) =	ssettag s2;
	_ =	strace s9  }
0x27: {  	s1 =	sld [smem:$0x3FA9]  }
0x28: {  	s2 =	sld [smem:$0x3FAA]  }
0x29: {  	s4 =	sld [smem:$0x3FAC]  }
0x2a: {  	p0 =	seq.s32 s5, $0x0;
	s5 =	sld [smem:$0x3FAD]  }
0x2b: {  	s6 =	sld [smem:$0x3FAE]  }
0x2c: {  	s7 =	sld [smem:$0x3FAF]  }
0x2d: {  	s3 =	simm.s32 $0x108;
	s8 =	sld [smem:$0x3FB0]  }
0x2e: {  	s3 =	simm.s32 @!p0 $0x1082;
	s9 =	sld [smem:$0x3FB1]  }
0x2f: {  	lr =	sadd.s32 s0, s3;
	s0 =	sld [smem:$0x3FA8]  }
0x30: {  	s3 =	sld [smem:$0x3FAB]  }
0x31: {  	[smem:$0x3FB4] =	sst s10  }
0x32: {  	s10 =	sld [smem:$0x3FB2];
	_ =	sdelay $0x3  }
0x33: {  	p0 =	seq.s32 s10, $0x1;
	s10 =	sld [smem:$0x3FB4];
	_ =	sdelay $0x3  }
0x34: {  	[smem:$0x3FB4] =	sst s10  }
0x35: {  	s10 =	sld [smem:$0x3FB3];
	_ =	sdelay $0x3  }
0x36: {  	p1 =	seq.s32 s10, $0x1;
	s10 =	sld [smem:$0x3FB4];
	_ =	sdelay $0x3  }
0x37: {  	[smem:$0x3FB4] =	sst s10  }
0x38: {  	s10 =	sld [smem:$0x3FB5]  }
0x39: {  	_ = 	snop;
	(pc) =	sbr.ind lr, $3  }
0x3a: {  	_ = 	snop  }
0x3b: {  	_ = 	snop  }
0x3c: {  	p2 =	seq.s32 s10, $0x1;
	s10 =	sld [smem:$0x3FB4]  }
0x3d: {  	_ =	shalt  }
0x3e: {  	_ =	shalt  }
0x3f: {  	_ =	shalt  }
0x40: {  	_ =	shalt  }
0x41: {  	_ =	shalt  }
0x42: {  	_ =	shalt  }
0x43: {  	_ =	shalt  }
0x44: {  	_ =	shalt  }
0x45: {  	_ =	shalt  }
0x46: {  	_ =	shalt  }
0x47: {  	_ =	shalt  }
0x48: {  	_ =	shalt  }
0x49: {  	_ =	shalt  }
0x4a: {  	_ =	shalt  }
0x4b: {  	_ =	shalt  }
0x4c: {  	_ =	shalt  }
0x4d: {  	_ =	shalt  }
0x4e: {  	_ =	shalt  }
0x4f: {  	_ =	shalt  }
0x50: {  	_ =	shalt  }
0x51: {  	_ =	shalt  }
0x52: {  	_ =	shalt  }
0x53: {  	_ =	shalt  }
0x54: {  	_ =	shalt  }
0x55: {  	_ =	shalt  }
0x56: {  	_ =	shalt  }
0x57: {  	_ =	shalt  }
0x58: {  	_ =	shalt  }
0x59: {  	_ =	shalt  }
0x5a: {  	_ =	shalt  }
0x5b: {  	_ =	shalt  }
0x5c: {  	_ =	shalt  }
0x5d: {  	_ =	shalt  }
0x5e: {  	_ =	shalt  }
0x5f: {  	_ =	shalt  }
0x60: {  	_ =	shalt  }
0x61: {  	_ =	shalt  }
0x62: {  	_ =	shalt  }
0x63: {  	_ =	shalt  }
0x64: {  	_ =	shalt  }
0x65: {  	_ =	shalt  }
0x66: {  	_ =	shalt  }
0x67: {  	_ =	shalt  }
0x68: {  	_ =	shalt  }
0x69: {  	_ =	shalt  }
0x6a: {  	_ =	shalt  }
0x6b: {  	_ =	shalt  }
0x6c: {  	_ =	shalt  }
0x6d: {  	_ =	shalt  }
0x6e: {  	_ =	shalt  }
0x6f: {  	_ =	shalt  }
0x70: {  	_ =	shalt  }
0x71: {  	_ =	shalt  }
0x72: {  	_ =	shalt  }
0x73: {  	_ =	shalt  }
0x74: {  	_ =	shalt  }
0x75: {  	_ =	shalt  }
0x76: {  	_ =	shalt  }
0x77: {  	_ =	shalt  }
0x78: {  	_ =	shalt  }
0x79: {  	_ =	shalt  }
0x7a: {  	_ =	shalt  }
0x7b: {  	_ =	shalt  }
0x7c: {  	_ =	shalt  }
0x7d: {  	_ =	shalt  }
0x7e: {  	_ =	shalt  }
0x7f: {  	_ =	shalt  }
0x80: {  	_ =	shalt  }
0x81: {  	_ =	shalt  }
0x82: {  	_ =	shalt  }
0x83: {  	_ =	shalt  }
0x84: {  	_ =	shalt  }
0x85: {  	_ =	shalt  }
0x86: {  	_ =	shalt  }
0x87: {  	_ =	shalt  }
.Lfunc_end0:
.L_simem_size_0:
called_computation_lowered:
.L_overlay_start_0:
0x88: {  	s2 =	sld [smem:$0x3FD9]  }
0x89: {  	s3 =	sld [smem:$0x3FFE];
	_ =	sdelay $0x1  }
0x8a: {  	s1 =	srdreg.scid  }
0x8b: {  	s0 =	sand.u32 $0x1, s1  }
0x8c: {  	s18 =	sshll.u32 s0, $0xA;
	s2 =	sadd.s32 s3, s2  }
0x8d: {  	s2 =	sadd.s32 s2, s18  }
0x8e: {  	[smem:$0x3FC0] =	sst s2  }
0x8f: {  	_ = 	snop  }
0x90: {  	s2 =	sld [smem:$0x3FC9]  }
0x91: {  	s19 =	sld [smem:$0x3FC8]  }
0x92: {  	s4 =	sld [smem:$0x3FC7]  }
0x93: {  	s5 =	sld [smem:$0x3FC6]  }
0x94: {  	s6 =	sld [smem:$0x3FC5]  }
0x95: {  	s7 =	sld [smem:$0x3FC4]  }
0x96: {  	s8 =	sld [smem:$0x3FC3]  }
0x97: {  	s9 =	sld [smem:$0x3FC2]  }
0x98: {  	s10 =	sld [smem:$0x3FD0];
	(tm) =	ssettm $0x1  }
0x99: {  	s11 =	sld [smem:$0x3FFB];
	_ =	sdelay $0x3  }
0x9a: {  	_ =	strace s11  }
0x9b: {  	s11 =	sld [smem:$0x3FFC];
	_ =	sdelay $0x3  }
0x9c: {  	_ =	strace s11  }
0x9d: {  	s11 =	sld [smem:$0x3FFD];
	_ =	sdelay $0x3  }
0x9e: {  	_ =	strace s11  }
0x9f: {  	_ =	strace $0x8FFFFFFF  }
0xa0: {  	s20 =	sld [smem:$0x3FDB];
	_ =	sdelay $0x1  }
0xa1: {  	s12 =	simm.s32 $_scs_section_size  }
0xa2: {  	s13 =	simm.s32 $_size__tile_overlayer_lowered;
	s14 =	simm.s32 $_tile_overlayer_lowered  }
0xa3: {  	s23 =	simm.s32 $0x1BFF;
	s22 =	sshll.u32 s14, $0x1;
	s11 =	sadd.s32 s12, s20  }
0xa4: {  	s15 =	simm.s32 $0x0;
	s21 =	sshll.u32 s13, $0x1;
	s13 =	sadd.s32 s22, s11  }
0xa5: {  	[timem:s15], [sflag:s23] =	dma.local [hbm:s13], s21  }
0xa6: {  	_ =	swait.ge [sflag:s23], s21  }
0xa7: {  	s12 =	ssub.s32 $0x0, s21;
	[sflag:s23] =	ssyncset.done $0x0  }
0xa8: {  	[sflag:s23] =	ssyncadd.s32 s12;
	_ =	sdelay $0x1  }
0xa9: {  	s24 =	simm.s32 $0x1B8B  }
0xaa: {  	_ =	swait.ge [sflag:s24], $0x1  }
0xab: {  	[sflag:s24] =	ssyncset.done $0x0  }
0xac: {  	s25 =	simm.s32 $0x1B8E;
	[sflag:s24] =	ssyncadd.s32 $0xFFFFFFFF  }
0xad: {  	s26 =	simm.s32 $execute0_lowered;
	[smem:$0x3FD2] =	sst s25  }
0xae: {  	s12 =	sshll.u32 s26, $0x1;
	_ =	strace $0x80000046;
	[dreg:$0x1] =	wrdreg $0xFFFFFFFF  }
0xaf: {  	s28 =	simm.s32 $_size_execute0_lowered;
	s11 =	sadd.s32 s11, s12;
	[dreg:$0x0] =	wrdreg $0x0  }
0xb0: {  	s12 =	sshll.u32 s28, $0x1;
	[dreg:$0x2] =	wrdreg s11  }
0xb1: {  	[dreg:$0x3] =	wrdreg s12  }
0xb2: {  	[dreg:$0x4] =	wrdreg $0xC0  }
0xb3: {  	_ =	task [dreg:s15], $0x5FFFF  }
0xb4: {  	[dreg:$0x1] =	wrdreg $0xFFFFFFFF  }
0xb5: {  	[dreg:$0x0] =	wrdreg $0x60  }
0xb6: {  	[dreg:$0x2] =	wrdreg s2  }
0xb7: {  	[dreg:$0x3] =	wrdreg s19  }
0xb8: {  	[dreg:$0x4] =	wrdreg s4  }
0xb9: {  	[dreg:$0x5] =	wrdreg s5  }
0xba: {  	[dreg:$0x6] =	wrdreg s6  }
0xbb: {  	[dreg:$0x7] =	wrdreg s7  }
0xbc: {  	[dreg:$0x8] =	wrdreg s8  }
0xbd: {  	[dreg:$0x9] =	wrdreg s9  }
0xbe: {  	[dreg:$0xa] =	wrdreg s10  }
0xbf: {  	[dreg:$0xb] =	wrdreg $0x9  }
0xc0: {  	_ =	task.clear_ibuf [dreg:s15], $0xCFFFF;
	_ =	strace $0x90000046  }
0xc1: {  	s29 =	simm.s32 $0x9;
	_ =	strace $0x80000048  }
0xc2: {  	_ =	swait.ge [sflag:s29], $0x1  }
0xc3: {  	[sflag:s29] =	ssyncadd.s32 $0xFFFFFFFF  }
0xc4: {  	_ =	strace $0x90000048  }
0xc5: {  	_ =	sfence  }
0xc6: {  	s30 =	sld [smem:$0x0];
	_ =	sdelay $0x2  }
0xc7: {  	s31 =	sshll.u32 s1, $0xD;
	s1 =	sshrl.u32 s1, $0x2  }
0xc8: {  	s3 =	sand.u32 $0x4000, s31;
	s1 =	sadd.s32 s1, s30  }
0xc9: {  	s0 =	sor.u32 s3, s0;
	s1 =	sshll.u32 s1, $0x11  }
0xca: {  	s0 =	sor.u32 s1, s0  }
0xcb: {  	s0 =	sadd.s32 $0x8F2B, s0  }
0xcc: {  	[sflag:s0] =	ssyncadd.remote.s32 $0x1  }
0xcd: {  	_ =	sfence.sel $0xFFFF  }
0xce: {  	[dreg:$0x0] =	wrdreg $0xFFFFFFFF;
	(pc) =	sbr.abs _section_cstart, $3  }
0xcf: {  	[dreg:$0x1] =	wrdreg $0xFFFFFFFF  }
0xd0: {  	_ =	task.clear_ibuf [dreg:s15], $0x2FFFF;
	_ =	strace $0x9FFFFFFF  }
0xd1: {  	(tm) =	ssettm $0x7FFFFFFF  }
tec
execute0_lowered:
.L_overlay_start_1:
0x0: {  	(tag) =	ssettag $0x1  }
0x1: {  	s10 =	srdreg.scid;
	s15 =	stileid.u32  }
0x2: {  	s3 =	rddreg [dreg:$0x6];
	s10 =	sand.u32 $0x1, s10;
	s11 =	sshll.u32 s15, $0x1  }
0x3: {  	s7 =	rddreg [dreg:$0x7];
	s8 =	simm.s32 $0x0;
	s11 =	sor.u32 s10, s11  }
0x4: {  	[smem:$0x7FF] =	sst s8;
	s14 =	sshll.u32 s11, $0x6  }
0x5: {  	s9 =	rddreg [dreg:$0x8];
	_ =	strace $0x80000047;
	s3 =	sadd.s32 s3, s14  }
0x6: {  	s11 =	sshll.u32 s11, $0x11;
	s18 =	sadd.s32 s7, s14;
	[dreg:$0xb] =	wrdreg s3  }
0x7: {  	s11 =	sadd.s32 s9, s11;
	[dreg:$0xd] =	wrdreg s18  }
0x8: {  	s19 =	sadd.s32 $0x10, s11;
	[dreg:$0xc] =	wrdreg s11  }
0x9: {  	s20 =	sadd.s32 $0x1000, s11;
	[dreg:$0xe] =	wrdreg s19  }
0xa: {  	s21 =	sadd.s32 $0x1010, s11;
	[dreg:$0xf] =	wrdreg s20  }
0xb: {  	s22 =	sadd.s32 $0x1D000, s11;
	[dreg:$0x10] =	wrdreg s21  }
0xc: {  	s26 =	sshll.u32 s15, $0x12;
	s23 =	sadd.s32 $0x1D010, s11;
	[dreg:$0x11] =	wrdreg s22  }
0xd: {  	s12 =	ssub.s32 $0x2, s10;
	s24 =	sadd.s32 $0x1E000, s11;
	[dreg:$0x12] =	wrdreg s23  }
0xe: {  	s29 =	sshll.u32 s10, $0x11;
	s25 =	sadd.s32 $0x1E010, s11;
	[dreg:$0x13] =	wrdreg s24  }
0xf: {  	s13 =	sshrl.u32 s12, $0x1;
	s28 =	sadd.s32 $0x1F000, s11;
	[dreg:$0x14] =	wrdreg s25  }
0x10: {  	s12 =	ssub.s32 s12, s13;
	s30 =	sadd.s32 $0x1F010, s11;
	[dreg:$0x15] =	wrdreg s28  }
0x11: {  	v2 =	vlaneseq.u32;
	s3 =	sadd.s32 s26, s9;
	s31 =	smax.u32 s12, $0x1;
	[dreg:$0x16] =	wrdreg s30  }
0x12: {  	vm0 =	vmmov $0xffff;
	s0 =	simm.s32 $0x0;
	v1 =	vshrl.u32 v2, $0x3;
	[dreg:$0x17] =	wrdreg s31;
	s3 =	sadd.s32 s29, s3  }
0x13: {  	v0 =	vand.u32 $0x7, v2;
	v2 =	vor.u32 $0x8, v2;
	v1 =	vmul.u32 $0x8, v1;
	s9 =	simm.s32 $0x800;
	s23 =	simm.s32 $0x80;
	[dreg:$0xa] =	wrdreg s3  }
.LBB2_1:
0x14: {  	[dreg:$0x18] =	wrdreg s0  }
0x15: {  	s11 =	rddreg [dreg:$0xb];
	s13 =	simm.s32 $0x7  }
0x16: {  	[tilespmem:s8], [sflag:$0x7] =	stream.linear.gather [hbm4b:s11+s8], $0x200, $0x38;
	[tilespmem:$0x18600] =	vst v63  }
0x17: {  	_ =	swait.ge [sflag:s13], $0x200  }
0x18: {  	[sflag:s13] =	ssyncset.done $0x0  }
0x19: {  	s17 =	simm.s32 $0x200;
	s10 =	rddreg [dreg:$0xd];
	[sflag:s13] =	ssyncadd.s32 $0xFFFFFE00  }
0x1a: {  	[tilespmem:s17], [sflag:$0x7] =	stream.linear.gather [hbm4b:s10+s8], $0x200, $0x38;
	[tilespmem:$0x18600] =	vst v63  }
0x1b: {  	_ =	swait.ge [sflag:s13], $0x200  }
0x1c: {  	[sflag:s13] =	ssyncset.done $0x0  }
0x1d: {  	[sflag:s13] =	ssyncadd.s32 $0xFFFFFE00  }
0x1e: {  	v3 =	vld [tilespmem:$0x200]  }
0x1f: {  	v4 =	vld [tilespmem:$0x210]  }
0x20: {  	v5 =	vld [tilespmem:$0x220]  }
0x21: {  	v6 =	vld [tilespmem:$0x230]  }
0x22: {  	v7 =	vld [tilespmem:$0x240]  }
0x23: {  	v8 =	vld [tilespmem:$0x250]  }
0x24: {  	v9 =	vld [tilespmem:$0x260];
	v3 =	vadd.s32 $0x55D, v3  }
0x25: {  	v56 =	vld [tilespmem:$0x270];
	[tilespmem:$0x400] =	vst v3;
	v3 =	vadd.s32 $0x55D, v4  }
0x26: {  	v57 =	vld [tilespmem:$0x280];
	[tilespmem:$0x410] =	vst v3;
	v3 =	vadd.s32 $0x55D, v5  }
0x27: {  	v58 =	vld [tilespmem:$0x290];
	[tilespmem:$0x420] =	vst v3;
	v3 =	vadd.s32 $0x55D, v6  }
0x28: {  	v59 =	vld [tilespmem:$0x2A0];
	[tilespmem:$0x430] =	vst v3;
	v3 =	vadd.s32 $0x55D, v7  }
0x29: {  	v60 =	vld [tilespmem:$0x2B0];
	[tilespmem:$0x440] =	vst v3;
	v3 =	vadd.s32 $0x55D, v8  }
0x2a: {  	v61 =	vld [tilespmem:$0x2C0];
	[tilespmem:$0x450] =	vst v3;
	v3 =	vadd.s32 $0x55D, v9  }
0x2b: {  	v62 =	vld [tilespmem:$0x2D0];
	[tilespmem:$0x460] =	vst v3;
	v3 =	vadd.s32 $0x55D, v56  }
0x2c: {  	v63 =	vld [tilespmem:$0x2E0];
	[tilespmem:$0x470] =	vst v3;
	v3 =	vadd.s32 $0x55D, v57  }
0x2d: {  	v12 =	vld [tilespmem:$0x2F0];
	[tilespmem:$0x480] =	vst v3;
	v3 =	vadd.s32 $0x55D, v58  }
0x2e: {  	v13 =	vld [tilespmem:$0x300];
	[tilespmem:$0x490] =	vst v3;
	v3 =	vadd.s32 $0x55D, v59  }
0x2f: {  	v14 =	vld [tilespmem:$0x310];
	[tilespmem:$0x4A0] =	vst v3;
	v3 =	vadd.s32 $0x55D, v60  }
0x30: {  	v15 =	vld [tilespmem:$0x320];
	[tilespmem:$0x4B0] =	vst v3;
	v3 =	vadd.s32 $0x55D, v61  }
0x31: {  	v16 =	vld [tilespmem:$0x330];
	[tilespmem:$0x4C0] =	vst v3;
	v3 =	vadd.s32 $0x55D, v62  }
0x32: {  	v17 =	vld [tilespmem:$0x340];
	[tilespmem:$0x4D0] =	vst v3;
	v3 =	vadd.s32 $0x55D, v63  }
0x33: {  	v18 =	vld [tilespmem:$0x350];
	[tilespmem:$0x4E0] =	vst v3;
	v3 =	vadd.s32 $0x55D, v12  }
0x34: {  	v19 =	vld [tilespmem:$0x360];
	[tilespmem:$0x4F0] =	vst v3;
	v3 =	vadd.s32 $0x55D, v13  }
0x35: {  	v20 =	vld [tilespmem:$0x370];
	[tilespmem:$0x500] =	vst v3;
	v3 =	vadd.s32 $0x55D, v14  }
0x36: {  	v21 =	vld [tilespmem:$0x0];
	[tilespmem:$0x510] =	vst v3;
	v3 =	vadd.s32 $0x55D, v15  }
0x37: {  	v22 =	vld [tilespmem:$0x380];
	[tilespmem:$0x520] =	vst v3;
	v3 =	vadd.s32 $0x55D, v16  }
0x38: {  	v23 =	vld [tilespmem:$0x390];
	[tilespmem:$0x530] =	vst v3;
	v3 =	vadd.s32 $0x55D, v17  }
0x39: {  	v24 =	vld [tilespmem:$0x3A0];
	[tilespmem:$0x540] =	vst v3;
	v3 =	vadd.s32 $0x55D, v18  }
0x3a: {  	v25 =	vld [tilespmem:$0x3B0];
	[tilespmem:$0x550] =	vst v3;
	v3 =	vadd.s32 $0x55D, v19  }
0x3b: {  	v26 =	vld [tilespmem:$0x3C0];
	v10 =	vshll.u32 v21, $0x1;
	[tilespmem:$0x560] =	vst v3;
	v3 =	vadd.s32 $0x55D, v20  }
0x3c: {  	v27 =	vld [tilespmem:$0x3D0];
	v10 =	vand.u32 $0xFFFFFFF0, v10;
	v9 =	vand.u32 $0x7, v21;
	[tilespmem:$0x570] =	vst v3;
	v3 =	vadd.s32 $0x55D, v22  }
0x3d: {  	v28 =	vld [tilespmem:$0x3E0];
	v9 =	vor.u32 v9, v10;
	[tilespmem:$0x580] =	vst v3;
	v3 =	vadd.s32 $0x55D, v23  }
0x3e: {  	v29 =	vld [tilespmem:$0x3F0];
	v10 =	vperm.xlane v9, v0;
	[tilespmem:$0x590] =	vst v3;
	v3 =	vadd.s32 $0x55D, v24  }
0x3f: {  	[tilespmem:$0x5A0] =	vst v3;
	v3 =	vadd.s32 $0x55D, v25  }
0x40: {  	v31 =	vperm.xlane v9, v2;
	v30 =	vadd.s32 v1, v10;
	[tilespmem:$0x5B0] =	vst v3;
	v3 =	vadd.s32 $0x55D, v26  }
0x41: {  	[tilespmem:$0x5C0] =	vst v3;
	v3 =	vadd.s32 $0x55D, v27  }
0x42: {  	v32 =	vadd.s32 v1, v31;
	[tilespmem:$0x5D0] =	vst v3;
	v3 =	vadd.s32 $0x55D, v28  }
0x43: {  	[tilespmem:$0x5E0] =	vst v3;
	v3 =	vadd.s32 $0x55D, v29  }
0x44: {  	s11 =	simm.s32 $0x600;
	s2 =	rddreg [dreg:$0x2];
	[tilespmem:$0x5F0] =	vst v3  }
0x45: {  	[tilespmem:s11], [sflag:$0x1] =	stream.indirect_vreg.gather [hbm4b:s2+s8], $0x80, v30, vm0, $0xb8;
	[tilespmem:$0x18600] =	vst v63  }
0x46: {  	s12 =	simm.s32 $0x2600  }
0x47: {  	[tilespmem:s12], [sflag:$0x1] =	stream.indirect_vreg.gather [hbm4b:s2+s8], $0x80, v32, vm0, $0xb8;
	[tilespmem:$0x18600] =	vst v63  }
0x48: {  	v3 =	vld [tilespmem:$0x0];
	_ =	sdelay $0x4  }
0x49: {  	v33 =	vshll.u32 v3, $0x1  }
0x4a: {  	v3 =	vand.u32 $0x7, v3;
	v4 =	vand.u32 $0xFFFFFFF0, v33  }
0x4b: {  	v3 =	vor.u32 v3, v4  }
0x4c: {  	v4 =	vperm.xlane v3, v0;
	_ =	sdelay $0x1  }
0x4d: {  	v3 =	vperm.xlane v3, v2;
	v4 =	vadd.s32 v1, v4;
	_ =	sdelay $0x1  }
0x4e: {  	v3 =	vadd.s32 v1, v3;
	_ =	sdelay $0x1  }
0x4f: {  	s13 =	simm.s32 $0xE00;
	s4 =	rddreg [dreg:$0x3]  }
0x50: {  	[tilespmem:s13], [sflag:$0x1] =	stream.indirect_vreg.gather [hbm4b:s4+s8], $0x80, v4, vm0, $0xb8;
	[tilespmem:$0x18600] =	vst v63  }
0x51: {  	s14 =	simm.s32 $0x2E00  }
0x52: {  	[tilespmem:s14], [sflag:$0x1] =	stream.indirect_vreg.gather [hbm4b:s4+s8], $0x80, v3, vm0, $0xb8;
	[tilespmem:$0x18600] =	vst v63  }
0x53: {  	v3 =	vld [tilespmem:$0x0];
	_ =	sdelay $0x4  }
0x54: {  	v34 =	vshll.u32 v3, $0x1  }
0x55: {  	v3 =	vand.u32 $0x7, v3;
	v4 =	vand.u32 $0xFFFFFFF0, v34  }
0x56: {  	v3 =	vor.u32 v3, v4  }
0x57: {  	v4 =	vperm.xlane v3, v0;
	_ =	sdelay $0x1  }
0x58: {  	v3 =	vperm.xlane v3, v2;
	v4 =	vadd.s32 v1, v4;
	_ =	sdelay $0x1  }
0x59: {  	v3 =	vadd.s32 v1, v3;
	_ =	sdelay $0x1  }
0x5a: {  	s15 =	simm.s32 $0x1600;
	s12 =	rddreg [dreg:$0x0]  }
0x5b: {  	[tilespmem:s15], [sflag:$0x1] =	stream.indirect_vreg.gather [hbm4b:s12+s8], $0x80, v4, vm0, $0xb8;
	[tilespmem:$0x18600] =	vst v63  }
0x5c: {  	s16 =	simm.s32 $0x3600  }
0x5d: {  	[tilespmem:s16], [sflag:$0x1] =	stream.indirect_vreg.gather [hbm4b:s12+s8], $0x80, v3, vm0, $0xb8;
	[tilespmem:$0x18600] =	vst v63  }
0x5e: {  	v3 =	vld [tilespmem:$0x0];
	_ =	sdelay $0x4  }
0x5f: {  	v35 =	vshll.u32 v3, $0x1  }
0x60: {  	v3 =	vand.u32 $0x7, v3;
	v4 =	vand.u32 $0xFFFFFFF0, v35  }
0x61: {  	v3 =	vor.u32 v3, v4  }
0x62: {  	v4 =	vperm.xlane v3, v0;
	_ =	sdelay $0x1  }
0x63: {  	v3 =	vperm.xlane v3, v2;
	v4 =	vadd.s32 v1, v4;
	_ =	sdelay $0x1  }
0x64: {  	v3 =	vadd.s32 v1, v3;
	_ =	sdelay $0x1  }
0x65: {  	s17 =	simm.s32 $0x1E00;
	s1 =	rddreg [dreg:$0x1]  }
0x66: {  	[tilespmem:s17], [sflag:$0x1] =	stream.indirect_vreg.gather [hbm4b:s1+s8], $0x80, v4, vm0, $0xb8;
	[tilespmem:$0x18600] =	vst v63  }
0x67: {  	s18 =	simm.s32 $0x3E00  }
0x68: {  	[tilespmem:s18], [sflag:$0x1] =	stream.indirect_vreg.gather [hbm4b:s1+s8], $0x80, v3, vm0, $0xb8;
	[tilespmem:$0x18600] =	vst v63  }
0x69: {  	v3 =	vld [tilespmem:$0x200];
	_ =	sdelay $0x4  }
0x6a: {  	v36 =	vshll.u32 v3, $0x1  }
0x6b: {  	v3 =	vand.u32 $0x7, v3;
	v4 =	vand.u32 $0xFFFFFFF0, v36  }
0x6c: {  	v3 =	vor.u32 v3, v4  }
0x6d: {  	v4 =	vperm.xlane v3, v0;
	_ =	sdelay $0x1  }
0x6e: {  	v3 =	vperm.xlane v3, v2;
	v4 =	vadd.s32 v1, v4;
	_ =	sdelay $0x1  }
0x6f: {  	v3 =	vadd.s32 v1, v3;
	_ =	sdelay $0x1  }
0x70: {  	s19 =	simm.s32 $0x4600;
	s5 =	rddreg [dreg:$0x4]  }
0x71: {  	[tilespmem:s19], [sflag:$0x1] =	stream.indirect_vreg.gather [hbm4b:s5+s8], $0x80, v4, vm0, $0xb8;
	[tilespmem:$0x18600] =	vst v63  }
0x72: {  	s20 =	simm.s32 $0x6600  }
0x73: {  	[tilespmem:s20], [sflag:$0x1] =	stream.indirect_vreg.gather [hbm4b:s5+s8], $0x80, v3, vm0, $0xb8;
	[tilespmem:$0x18600] =	vst v63  }
0x74: {  	v3 =	vld [tilespmem:$0x200];
	_ =	sdelay $0x4  }
0x75: {  	v37 =	vshll.u32 v3, $0x1  }
0x76: {  	v3 =	vand.u32 $0x7, v3;
	v4 =	vand.u32 $0xFFFFFFF0, v37  }
0x77: {  	v3 =	vor.u32 v3, v4  }
0x78: {  	v4 =	vperm.xlane v3, v0;
	_ =	sdelay $0x1  }
0x79: {  	v3 =	vperm.xlane v3, v2;
	v4 =	vadd.s32 v1, v4;
	_ =	sdelay $0x1  }
0x7a: {  	v3 =	vadd.s32 v1, v3;
	_ =	sdelay $0x1  }
0x7b: {  	s22 =	simm.s32 $0x4E00;
	s6 =	rddreg [dreg:$0x5]  }
0x7c: {  	[tilespmem:s22], [sflag:$0x1] =	stream.indirect_vreg.gather [hbm4b:s6+s8], $0x80, v4, vm0, $0xb8;
	[tilespmem:$0x18600] =	vst v63  }
0x7d: {  	s24 =	simm.s32 $0x6E00  }
0x7e: {  	[tilespmem:s24], [sflag:$0x1] =	stream.indirect_vreg.gather [hbm4b:s6+s8], $0x80, v3, vm0, $0xb8;
	[tilespmem:$0x18600] =	vst v63  }
0x7f: {  	v3 =	vld [tilespmem:$0x400];
	_ =	sdelay $0x4  }
0x80: {  	v38 =	vshll.u32 v3, $0x1  }
0x81: {  	v3 =	vand.u32 $0x7, v3;
	v4 =	vand.u32 $0xFFFFFFF0, v38  }
0x82: {  	v3 =	vor.u32 v3, v4  }
0x83: {  	v4 =	vperm.xlane v3, v0;
	_ =	sdelay $0x1  }
0x84: {  	v3 =	vperm.xlane v3, v2;
	v4 =	vadd.s32 v1, v4;
	_ =	sdelay $0x1  }
0x85: {  	v3 =	vadd.s32 v1, v3;
	_ =	sdelay $0x1  }
0x86: {  	s28 =	simm.s32 $0x5600  }
0x87: {  	[tilespmem:s28], [sflag:$0x1] =	stream.indirect_vreg.gather [hbm4b:s12+s8], $0x80, v4, vm0, $0xb8;
	[tilespmem:$0x18600] =	vst v63  }
0x88: {  	s29 =	simm.s32 $0x7600  }
0x89: {  	[tilespmem:s29], [sflag:$0x1] =	stream.indirect_vreg.gather [hbm4b:s12+s8], $0x80, v3, vm0, $0xb8;
	[tilespmem:$0x18600] =	vst v63  }
0x8a: {  	v3 =	vld [tilespmem:$0x400];
	_ =	sdelay $0x4  }
0x8b: {  	v39 =	vshll.u32 v3, $0x1  }
0x8c: {  	v3 =	vand.u32 $0x7, v3;
	v4 =	vand.u32 $0xFFFFFFF0, v39  }
0x8d: {  	v3 =	vor.u32 v3, v4  }
0x8e: {  	v4 =	vperm.xlane v3, v0;
	_ =	sdelay $0x1  }
0x8f: {  	v3 =	vperm.xlane v3, v2;
	v4 =	vadd.s32 v1, v4;
	_ =	sdelay $0x1  }
0x90: {  	v3 =	vadd.s32 v1, v3;
	_ =	sdelay $0x1  }
0x91: {  	s31 =	simm.s32 $0x5E00  }
0x92: {  	[tilespmem:s31], [sflag:$0x1] =	stream.indirect_vreg.gather [hbm4b:s1+s8], $0x80, v4, vm0, $0xb8;
	[tilespmem:$0x18600] =	vst v63  }
0x93: {  	s3 =	simm.s32 $0x7E00  }
0x94: {  	[tilespmem:s3], [sflag:$0x1] =	stream.indirect_vreg.gather [hbm4b:s1+s8], $0x80, v3, vm0, $0xb8;
	[tilespmem:$0x18600] =	vst v63  }
0x95: {  	v3 =	vld [tilespmem:$0x10];
	_ =	sdelay $0x4  }
0x96: {  	v40 =	vshll.u32 v3, $0x1  }
0x97: {  	v3 =	vand.u32 $0x7, v3;
	v4 =	vand.u32 $0xFFFFFFF0, v40  }
0x98: {  	v3 =	vor.u32 v3, v4  }
0x99: {  	v4 =	vperm.xlane v3, v0;
	_ =	sdelay $0x1  }
0x9a: {  	v3 =	vperm.xlane v3, v2;
	v4 =	vadd.s32 v1, v4;
	_ =	sdelay $0x1  }
0x9b: {  	v3 =	vadd.s32 v1, v3;
	_ =	sdelay $0x1  }
0x9c: {  	s28 =	simm.s32 $0x8600  }
0x9d: {  	[tilespmem:s28], [sflag:$0x2] =	stream.indirect_vreg.gather [hbm4b:s2+s8], $0x80, v4, vm0, $0xb8;
	[tilespmem:$0x18600] =	vst v63  }
0x9e: {  	s7 =	simm.s32 $0xA600  }
0x9f: {  	[tilespmem:s7], [sflag:$0x2] =	stream.indirect_vreg.gather [hbm4b:s2+s8], $0x80, v3, vm0, $0xb8;
	[tilespmem:$0x18600] =	vst v63  }
0xa0: {  	v3 =	vld [tilespmem:$0x10];
	_ =	sdelay $0x4  }
0xa1: {  	v41 =	vshll.u32 v3, $0x1  }
0xa2: {  	v3 =	vand.u32 $0x7, v3;
	v4 =	vand.u32 $0xFFFFFFF0, v41  }
0xa3: {  	v3 =	vor.u32 v3, v4  }
0xa4: {  	v4 =	vperm.xlane v3, v0;
	_ =	sdelay $0x1  }
0xa5: {  	v3 =	vperm.xlane v3, v2;
	v4 =	vadd.s32 v1, v4;
	_ =	sdelay $0x1  }
0xa6: {  	v3 =	vadd.s32 v1, v3;
	_ =	sdelay $0x1  }
0xa7: {  	s20 =	simm.s32 $0x8E00  }
0xa8: {  	[tilespmem:s20], [sflag:$0x2] =	stream.indirect_vreg.gather [hbm4b:s4+s8], $0x80, v4, vm0, $0xb8;
	[tilespmem:$0x18600] =	vst v63  }
0xa9: {  	s11 =	simm.s32 $0xAE00  }
0xaa: {  	[tilespmem:s11], [sflag:$0x2] =	stream.indirect_vreg.gather [hbm4b:s4+s8], $0x80, v3, vm0, $0xb8;
	[tilespmem:$0x18600] =	vst v63  }
0xab: {  	v3 =	vld [tilespmem:$0x10];
	_ =	sdelay $0x4  }
0xac: {  	v42 =	vshll.u32 v3, $0x1  }
0xad: {  	v3 =	vand.u32 $0x7, v3;
	v4 =	vand.u32 $0xFFFFFFF0, v42  }
0xae: {  	v3 =	vor.u32 v3, v4  }
0xaf: {  	v4 =	vperm.xlane v3, v0;
	_ =	sdelay $0x1  }
0xb0: {  	v3 =	vperm.xlane v3, v2;
	v4 =	vadd.s32 v1, v4;
	_ =	sdelay $0x1  }
0xb1: {  	v3 =	vadd.s32 v1, v3;
	_ =	sdelay $0x1  }
0xb2: {  	s15 =	simm.s32 $0x9600  }
0xb3: {  	[tilespmem:s15], [sflag:$0x2] =	stream.indirect_vreg.gather [hbm4b:s12+s8], $0x80, v4, vm0, $0xb8;
	[tilespmem:$0x18600] =	vst v63  }
0xb4: {  	s29 =	simm.s32 $0xB600  }
0xb5: {  	[tilespmem:s29], [sflag:$0x2] =	stream.indirect_vreg.gather [hbm4b:s12+s8], $0x80, v3, vm0, $0xb8;
	[tilespmem:$0x18600] =	vst v63  }
0xb6: {  	v3 =	vld [tilespmem:$0x10];
	_ =	sdelay $0x4  }
0xb7: {  	v43 =	vshll.u32 v3, $0x1  }
0xb8: {  	v3 =	vand.u32 $0x7, v3;
	v4 =	vand.u32 $0xFFFFFFF0, v43  }
0xb9: {  	v3 =	vor.u32 v3, v4  }
0xba: {  	v4 =	vperm.xlane v3, v0;
	_ =	sdelay $0x1  }
0xbb: {  	v3 =	vperm.xlane v3, v2;
	v4 =	vadd.s32 v1, v4;
	_ =	sdelay $0x1  }
0xbc: {  	v3 =	vadd.s32 v1, v3;
	_ =	sdelay $0x1  }
0xbd: {  	s7 =	simm.s32 $0x9E00  }
0xbe: {  	[tilespmem:s7], [sflag:$0x2] =	stream.indirect_vreg.gather [hbm4b:s1+s8], $0x80, v4, vm0, $0xb8;
	[tilespmem:$0x18600] =	vst v63  }
0xbf: {  	s22 =	simm.s32 $0xBE00  }
0xc0: {  	[tilespmem:s22], [sflag:$0x2] =	stream.indirect_vreg.gather [hbm4b:s1+s8], $0x80, v3, vm0, $0xb8;
	[tilespmem:$0x18600] =	vst v63  }
0xc1: {  	v3 =	vld [tilespmem:$0x210];
	_ =	sdelay $0x4  }
0xc2: {  	v44 =	vshll.u32 v3, $0x1  }
0xc3: {  	v3 =	vand.u32 $0x7, v3;
	v4 =	vand.u32 $0xFFFFFFF0, v44  }
0xc4: {  	v3 =	vor.u32 v3, v4  }
0xc5: {  	v4 =	vperm.xlane v3, v0;
	_ =	sdelay $0x1  }
0xc6: {  	v3 =	vperm.xlane v3, v2;
	v4 =	vadd.s32 v1, v4;
	_ =	sdelay $0x1  }
0xc7: {  	v3 =	vadd.s32 v1, v3;
	_ =	sdelay $0x1  }
0xc8: {  	s17 =	simm.s32 $0xC600  }
0xc9: {  	[tilespmem:s17], [sflag:$0x2] =	stream.indirect_vreg.gather [hbm4b:s5+s8], $0x80, v4, vm0, $0xb8;
	[tilespmem:$0x18600] =	vst v63  }
0xca: {  	s31 =	simm.s32 $0xE600  }
0xcb: {  	[tilespmem:s31], [sflag:$0x2] =	stream.indirect_vreg.gather [hbm4b:s5+s8], $0x80, v3, vm0, $0xb8;
	[tilespmem:$0x18600] =	vst v63  }
0xcc: {  	v3 =	vld [tilespmem:$0x210];
	_ =	sdelay $0x4  }
0xcd: {  	v45 =	vshll.u32 v3, $0x1  }
0xce: {  	v3 =	vand.u32 $0x7, v3;
	v4 =	vand.u32 $0xFFFFFFF0, v45  }
0xcf: {  	v3 =	vor.u32 v3, v4  }
0xd0: {  	v4 =	vperm.xlane v3, v0;
	_ =	sdelay $0x1  }
0xd1: {  	v3 =	vperm.xlane v3, v2;
	v4 =	vadd.s32 v1, v4;
	_ =	sdelay $0x1  }
0xd2: {  	v3 =	vadd.s32 v1, v3;
	_ =	sdelay $0x1  }
0xd3: {  	s14 =	simm.s32 $0xCE00  }
0xd4: {  	[tilespmem:s14], [sflag:$0x2] =	stream.indirect_vreg.gather [hbm4b:s6+s8], $0x80, v4, vm0, $0xb8;
	[tilespmem:$0x18600] =	vst v63  }
0xd5: {  	s24 =	simm.s32 $0xEE00  }
0xd6: {  	[tilespmem:s24], [sflag:$0x2] =	stream.indirect_vreg.gather [hbm4b:s6+s8], $0x80, v3, vm0, $0xb8;
	[tilespmem:$0x18600] =	vst v63  }
0xd7: {  	v3 =	vld [tilespmem:$0x410];
	_ =	sdelay $0x4  }
0xd8: {  	v46 =	vshll.u32 v3, $0x1  }
0xd9: {  	v3 =	vand.u32 $0x7, v3;
	v4 =	vand.u32 $0xFFFFFFF0, v46  }
0xda: {  	v3 =	vor.u32 v3, v4  }
0xdb: {  	v4 =	vperm.xlane v3, v0;
	_ =	sdelay $0x1  }
0xdc: {  	v3 =	vperm.xlane v3, v2;
	v4 =	vadd.s32 v1, v4;
	_ =	sdelay $0x1  }
0xdd: {  	v3 =	vadd.s32 v1, v3;
	_ =	sdelay $0x1  }
0xde: {  	s3 =	simm.s32 $0xD600  }
0xdf: {  	[tilespmem:s3], [sflag:$0x2] =	stream.indirect_vreg.gather [hbm4b:s12+s8], $0x80, v4, vm0, $0xb8;
	[tilespmem:$0x18600] =	vst v63  }
0xe0: {  	s19 =	simm.s32 $0xF600  }
0xe1: {  	[tilespmem:s19], [sflag:$0x2] =	stream.indirect_vreg.gather [hbm4b:s12+s8], $0x80, v3, vm0, $0xb8;
	[tilespmem:$0x18600] =	vst v63  }
0xe2: {  	v3 =	vld [tilespmem:$0x410];
	_ =	sdelay $0x4  }
0xe3: {  	v47 =	vshll.u32 v3, $0x1  }
0xe4: {  	v3 =	vand.u32 $0x7, v3;
	v4 =	vand.u32 $0xFFFFFFF0, v47  }
0xe5: {  	v3 =	vor.u32 v3, v4  }
0xe6: {  	v4 =	vperm.xlane v3, v0;
	_ =	sdelay $0x1  }
0xe7: {  	v3 =	vperm.xlane v3, v2;
	v4 =	vadd.s32 v1, v4;
	_ =	sdelay $0x1  }
0xe8: {  	v3 =	vadd.s32 v1, v3;
	_ =	sdelay $0x1  }
0xe9: {  	s0 =	simm.s32 $0xDE00  }
0xea: {  	[tilespmem:s0], [sflag:$0x2] =	stream.indirect_vreg.gather [hbm4b:s1+s8], $0x80, v4, vm0, $0xb8;
	[tilespmem:$0x18600] =	vst v63  }
0xeb: {  	s13 =	simm.s32 $0x1;
	s16 =	simm.s32 $0xFE00  }
0xec: {  	[tilespmem:s16], [sflag:$0x2] =	stream.indirect_vreg.gather [hbm4b:s1+s8], $0x80, v3, vm0, $0xb8;
	[tilespmem:$0x18600] =	vst v63  }
0xed: {  	_ =	swait.ge [sflag:s13], $0x4000  }
0xee: {  	[sflag:s13] =	ssyncset.done $0x0  }
0xef: {  	[sflag:s13] =	ssyncadd.s32 $0xFFFFC000  }
0xf0: {  	_ =	swait.ge [sflag:s13], $0x4000  }
0xf1: {  	[sflag:s13] =	ssyncset.done $0x0  }
0xf2: {  	s25 =	simm.s32 $0x600;
	[sflag:s13] =	ssyncadd.s32 $0xFFFFC000;
	s13 =	rddreg [dreg:$0xc]  }
0xf3: {  	[hbm4b:s13+s23] =	stream.strided.scatter [tilespmem:s25], [sflag:$0x4], $0x400, s9, s23, $0x38;
	[tilespmem:$0x18600] =	vst v63  }
0xf4: {  	s11 =	sadd.s32 $0x20, s13;
	s25 =	simm.s32 $0xA00  }
0xf5: {  	[hbm4b:s11+s23] =	stream.strided.scatter [tilespmem:s25], [sflag:$0x4], $0x400, s9, s23, $0x38;
	[tilespmem:$0x18600] =	vst v63  }
0xf6: {  	s11 =	sadd.s32 $0x40, s13;
	s25 =	simm.s32 $0xE00  }
0xf7: {  	[hbm4b:s11+s23] =	stream.strided.scatter [tilespmem:s25], [sflag:$0x4], $0x400, s9, s23, $0x38;
	[tilespmem:$0x18600] =	vst v63  }
0xf8: {  	s11 =	sadd.s32 $0x60, s13;
	s25 =	simm.s32 $0x1200  }
0xf9: {  	[hbm4b:s11+s23] =	stream.strided.scatter [tilespmem:s25], [sflag:$0x4], $0x400, s9, s23, $0x38;
	[tilespmem:$0x18600] =	vst v63  }
0xfa: {  	s11 =	sadd.s32 $0x80, s13;
	s25 =	simm.s32 $0x1600  }
0xfb: {  	[hbm4b:s11+s23] =	stream.strided.scatter [tilespmem:s25], [sflag:$0x4], $0x400, s9, s23, $0x38;
	[tilespmem:$0x18600] =	vst v63  }
0xfc: {  	s11 =	sadd.s32 $0xA0, s13;
	s25 =	simm.s32 $0x1A00  }
0xfd: {  	[hbm4b:s11+s23] =	stream.strided.scatter [tilespmem:s25], [sflag:$0x4], $0x400, s9, s23, $0x38;
	[tilespmem:$0x18600] =	vst v63  }
0xfe: {  	s21 =	simm.s32 $0x1E00;
	s25 =	sadd.s32 $0xC0, s13  }
0xff: {  	[hbm4b:s25+s23] =	stream.strided.scatter [tilespmem:s21], [sflag:$0x4], $0x400, s9, s23, $0x38;
	[tilespmem:$0x18600] =	vst v63  }
0x100: {  	s25 =	sadd.s32 $0xE0, s13;
	s21 =	simm.s32 $0x2200  }
0x101: {  	[hbm4b:s25+s23] =	stream.strided.scatter [tilespmem:s21], [sflag:$0x4], $0x400, s9, s23, $0x38;
	[tilespmem:$0x18600] =	vst v63  }
0x102: {  	s21 =	sadd.s32 $0x800, s13;
	s25 =	simm.s32 $0x2600  }
0x103: {  	[hbm4b:s21+s23] =	stream.strided.scatter [tilespmem:s25], [sflag:$0x4], $0x400, s9, s23, $0x38;
	[tilespmem:$0x18600] =	vst v63  }
0x104: {  	s25 =	sadd.s32 $0x820, s13;
	s21 =	simm.s32 $0x2A00  }
0x105: {  	[hbm4b:s25+s23] =	stream.strided.scatter [tilespmem:s21], [sflag:$0x4], $0x400, s9, s23, $0x38;
	[tilespmem:$0x18600] =	vst v63  }
0x106: {  	s21 =	sadd.s32 $0x840, s13;
	s25 =	simm.s32 $0x2E00  }
0x107: {  	[hbm4b:s21+s23] =	stream.strided.scatter [tilespmem:s25], [sflag:$0x4], $0x400, s9, s23, $0x38;
	[tilespmem:$0x18600] =	vst v63  }
0x108: {  	s25 =	sadd.s32 $0x860, s13;
	s21 =	simm.s32 $0x3200  }
0x109: {  	[hbm4b:s25+s23] =	stream.strided.scatter [tilespmem:s21], [sflag:$0x4], $0x400, s9, s23, $0x38;
	[tilespmem:$0x18600] =	vst v63  }
0x10a: {  	s21 =	sadd.s32 $0x880, s13;
	s25 =	simm.s32 $0x3600  }
0x10b: {  	[hbm4b:s21+s23] =	stream.strided.scatter [tilespmem:s25], [sflag:$0x4], $0x400, s9, s23, $0x38;
	[tilespmem:$0x18600] =	vst v63  }
0x10c: {  	s25 =	sadd.s32 $0x8A0, s13;
	s21 =	simm.s32 $0x3A00  }
0x10d: {  	[hbm4b:s25+s23] =	stream.strided.scatter [tilespmem:s21], [sflag:$0x4], $0x400, s9, s23, $0x38;
	[tilespmem:$0x18600] =	vst v63  }
0x10e: {  	s21 =	sadd.s32 $0x8C0, s13;
	s25 =	simm.s32 $0x3E00  }
0x10f: {  	[hbm4b:s21+s23] =	stream.strided.scatter [tilespmem:s25], [sflag:$0x4], $0x400, s9, s23, $0x38;
	[tilespmem:$0x18600] =	vst v63  }
0x110: {  	s21 =	sadd.s32 $0x8E0, s13;
	s25 =	simm.s32 $0x4200  }
0x111: {  	[hbm4b:s21+s23] =	stream.strided.scatter [tilespmem:s25], [sflag:$0x4], $0x400, s9, s23, $0x38;
	[tilespmem:$0x18600] =	vst v63  }
0x112: {  	s13 =	rddreg [dreg:$0xe];
	s21 =	simm.s32 $0x4600  }
0x113: {  	[hbm4b:s13+s23] =	stream.strided.scatter [tilespmem:s21], [sflag:$0x4], $0x400, s9, s23, $0x38;
	[tilespmem:$0x18600] =	vst v63  }
0x114: {  	s25 =	sadd.s32 $0x20, s13;
	s21 =	simm.s32 $0x4A00  }
0x115: {  	[hbm4b:s25+s23] =	stream.strided.scatter [tilespmem:s21], [sflag:$0x4], $0x400, s9, s23, $0x38;
	[tilespmem:$0x18600] =	vst v63  }
0x116: {  	s26 =	simm.s32 $0x4E00;
	s25 =	sadd.s32 $0x40, s13  }
0x117: {  	[hbm4b:s25+s23] =	stream.strided.scatter [tilespmem:s26], [sflag:$0x4], $0x400, s9, s23, $0x38;
	[tilespmem:$0x18600] =	vst v63  }
0x118: {  	s21 =	simm.s32 $0x5200;
	s26 =	sadd.s32 $0x60, s13  }
0x119: {  	[hbm4b:s26+s23] =	stream.strided.scatter [tilespmem:s21], [sflag:$0x4], $0x400, s9, s23, $0x38;
	[tilespmem:$0x18600] =	vst v63  }
0x11a: {  	s18 =	simm.s32 $0x5600;
	s26 =	sadd.s32 $0x80, s13  }
0x11b: {  	[hbm4b:s26+s23] =	stream.strided.scatter [tilespmem:s18], [sflag:$0x4], $0x400, s9, s23, $0x38;
	[tilespmem:$0x18600] =	vst v63  }
0x11c: {  	s21 =	simm.s32 $0x5A00;
	s18 =	sadd.s32 $0xA0, s13  }
0x11d: {  	[hbm4b:s18+s23] =	stream.strided.scatter [tilespmem:s21], [sflag:$0x4], $0x400, s9, s23, $0x38;
	[tilespmem:$0x18600] =	vst v63  }
0x11e: {  	s10 =	simm.s32 $0x5E00;
	s26 =	sadd.s32 $0xC0, s13  }
0x11f: {  	[hbm4b:s26+s23] =	stream.strided.scatter [tilespmem:s10], [sflag:$0x4], $0x400, s9, s23, $0x38;
	[tilespmem:$0x18600] =	vst v63  }
0x120: {  	s18 =	sadd.s32 $0xE0, s13;
	s21 =	simm.s32 $0x6200  }
0x121: {  	[hbm4b:s18+s23] =	stream.strided.scatter [tilespmem:s21], [sflag:$0x4], $0x400, s9, s23, $0x38;
	[tilespmem:$0x18600] =	vst v63  }
0x122: {  	s25 =	sadd.s32 $0x800, s13;
	s26 =	simm.s32 $0x6600  }
0x123: {  	[hbm4b:s25+s23] =	stream.strided.scatter [tilespmem:s26], [sflag:$0x4], $0x400, s9, s23, $0x38;
	[tilespmem:$0x18600] =	vst v63  }
0x124: {  	s18 =	sadd.s32 $0x820, s13;
	s21 =	simm.s32 $0x6A00  }
0x125: {  	[hbm4b:s18+s23] =	stream.strided.scatter [tilespmem:s21], [sflag:$0x4], $0x400, s9, s23, $0x38;
	[tilespmem:$0x18600] =	vst v63  }
0x126: {  	s25 =	sadd.s32 $0x840, s13;
	s26 =	simm.s32 $0x6E00  }
0x127: {  	[hbm4b:s25+s23] =	stream.strided.scatter [tilespmem:s26], [sflag:$0x4], $0x400, s9, s23, $0x38;
	[tilespmem:$0x18600] =	vst v63  }
0x128: {  	s10 =	sadd.s32 $0x860, s13;
	s18 =	simm.s32 $0x7200  }
0x129: {  	[hbm4b:s10+s23] =	stream.strided.scatter [tilespmem:s18], [sflag:$0x4], $0x400, s9, s23, $0x38;
	[tilespmem:$0x18600] =	vst v63  }
0x12a: {  	s21 =	sadd.s32 $0x880, s13;
	s25 =	simm.s32 $0x7600  }
0x12b: {  	[hbm4b:s21+s23] =	stream.strided.scatter [tilespmem:s25], [sflag:$0x4], $0x400, s9, s23, $0x38;
	[tilespmem:$0x18600] =	vst v63  }
0x12c: {  	s18 =	sadd.s32 $0x8A0, s13;
	s21 =	simm.s32 $0x7A00  }
0x12d: {  	[hbm4b:s18+s23] =	stream.strided.scatter [tilespmem:s21], [sflag:$0x4], $0x400, s9, s23, $0x38;
	[tilespmem:$0x18600] =	vst v63  }
0x12e: {  	s30 =	simm.s32 $0x7E00;
	s25 =	sadd.s32 $0x8C0, s13  }
0x12f: {  	[hbm4b:s25+s23] =	stream.strided.scatter [tilespmem:s30], [sflag:$0x4], $0x400, s9, s23, $0x38;
	[tilespmem:$0x18600] =	vst v63  }
0x130: {  	s18 =	sadd.s32 $0x8E0, s13;
	s21 =	simm.s32 $0x8200  }
0x131: {  	[hbm4b:s18+s23] =	stream.strided.scatter [tilespmem:s21], [sflag:$0x4], $0x400, s9, s23, $0x38;
	[tilespmem:$0x18600] =	vst v63  }
0x132: {  	v3 =	vld [tilespmem:$0x20];
	_ =	sdelay $0x4  }
0x133: {  	v48 =	vshll.u32 v3, $0x1  }
0x134: {  	v3 =	vand.u32 $0x7, v3;
	v4 =	vand.u32 $0xFFFFFFF0, v48  }
0x135: {  	v3 =	vor.u32 v3, v4  }
0x136: {  	v4 =	vperm.xlane v3, v0;
	_ =	sdelay $0x1  }
0x137: {  	v3 =	vperm.xlane v3, v2;
	v4 =	vadd.s32 v1, v4;
	_ =	sdelay $0x1  }
0x138: {  	v3 =	vadd.s32 v1, v3;
	_ =	sdelay $0x1  }
0x139: {  	s13 =	simm.s32 $0x10600  }
0x13a: {  	[tilespmem:s13], [sflag:$0x3] =	stream.indirect_vreg.gather [hbm4b:s2+s8], $0x80, v4, vm0, $0xb8;
	[tilespmem:$0x18600] =	vst v63  }
0x13b: {  	s18 =	simm.s32 $0x12600  }
0x13c: {  	[tilespmem:s18], [sflag:$0x3] =	stream.indirect_vreg.gather [hbm4b:s2+s8], $0x80, v3, vm0, $0xb8;
	[tilespmem:$0x18600] =	vst v63  }
0x13d: {  	v3 =	vld [tilespmem:$0x20];
	_ =	sdelay $0x4  }
0x13e: {  	v49 =	vshll.u32 v3, $0x1  }
0x13f: {  	v3 =	vand.u32 $0x7, v3;
	v4 =	vand.u32 $0xFFFFFFF0, v49  }
0x140: {  	v3 =	vor.u32 v3, v4  }
0x141: {  	v4 =	vperm.xlane v3, v0;
	_ =	sdelay $0x1  }
0x142: {  	v3 =	vperm.xlane v3, v2;
	v4 =	vadd.s32 v1, v4;
	_ =	sdelay $0x1  }
0x143: {  	v3 =	vadd.s32 v1, v3;
	_ =	sdelay $0x1  }
0x144: {  	s21 =	simm.s32 $0x10E00  }
0x145: {  	[tilespmem:s21], [sflag:$0x3] =	stream.indirect_vreg.gather [hbm4b:s4+s8], $0x80, v4, vm0, $0xb8;
	[tilespmem:$0x18600] =	vst v63  }
0x146: {  	s13 =	simm.s32 $0x12E00  }
0x147: {  	[tilespmem:s13], [sflag:$0x3] =	stream.indirect_vreg.gather [hbm4b:s4+s8], $0x80, v3, vm0, $0xb8;
	[tilespmem:$0x18600] =	vst v63  }
0x148: {  	v3 =	vld [tilespmem:$0x20];
	_ =	sdelay $0x4  }
0x149: {  	v50 =	vshll.u32 v3, $0x1  }
0x14a: {  	v3 =	vand.u32 $0x7, v3;
	v4 =	vand.u32 $0xFFFFFFF0, v50  }
0x14b: {  	v3 =	vor.u32 v3, v4  }
0x14c: {  	v4 =	vperm.xlane v3, v0;
	_ =	sdelay $0x1  }
0x14d: {  	v3 =	vperm.xlane v3, v2;
	v4 =	vadd.s32 v1, v4;
	_ =	sdelay $0x1  }
0x14e: {  	v3 =	vadd.s32 v1, v3;
	_ =	sdelay $0x1  }
0x14f: {  	s18 =	simm.s32 $0x11600  }
0x150: {  	[tilespmem:s18], [sflag:$0x3] =	stream.indirect_vreg.gather [hbm4b:s12+s8], $0x80, v4, vm0, $0xb8;
	[tilespmem:$0x18600] =	vst v63  }
0x151: {  	s21 =	simm.s32 $0x13600  }
0x152: {  	[tilespmem:s21], [sflag:$0x3] =	stream.indirect_vreg.gather [hbm4b:s12+s8], $0x80, v3, vm0, $0xb8;
	[tilespmem:$0x18600] =	vst v63  }
0x153: {  	v3 =	vld [tilespmem:$0x20];
	_ =	sdelay $0x4  }
0x154: {  	v51 =	vshll.u32 v3, $0x1  }
0x155: {  	v3 =	vand.u32 $0x7, v3;
	v4 =	vand.u32 $0xFFFFFFF0, v51  }
0x156: {  	v3 =	vor.u32 v3, v4  }
0x157: {  	v4 =	vperm.xlane v3, v0;
	_ =	sdelay $0x1  }
0x158: {  	v3 =	vperm.xlane v3, v2;
	v4 =	vadd.s32 v1, v4;
	_ =	sdelay $0x1  }
0x159: {  	v3 =	vadd.s32 v1, v3;
	_ =	sdelay $0x1  }
0x15a: {  	s13 =	simm.s32 $0x11E00  }
0x15b: {  	[tilespmem:s13], [sflag:$0x3] =	stream.indirect_vreg.gather [hbm4b:s1+s8], $0x80, v4, vm0, $0xb8;
	[tilespmem:$0x18600] =	vst v63  }
0x15c: {  	s18 =	simm.s32 $0x13E00  }
0x15d: {  	[tilespmem:s18], [sflag:$0x3] =	stream.indirect_vreg.gather [hbm4b:s1+s8], $0x80, v3, vm0, $0xb8;
	[tilespmem:$0x18600] =	vst v63  }
0x15e: {  	v3 =	vld [tilespmem:$0x220];
	_ =	sdelay $0x4  }
0x15f: {  	v52 =	vshll.u32 v3, $0x1  }
0x160: {  	v3 =	vand.u32 $0x7, v3;
	v4 =	vand.u32 $0xFFFFFFF0, v52  }
0x161: {  	v3 =	vor.u32 v3, v4  }
0x162: {  	v4 =	vperm.xlane v3, v0;
	_ =	sdelay $0x1  }
0x163: {  	v3 =	vperm.xlane v3, v2;
	v4 =	vadd.s32 v1, v4;
	_ =	sdelay $0x1  }
0x164: {  	v3 =	vadd.s32 v1, v3;
	_ =	sdelay $0x1  }
0x165: {  	s21 =	simm.s32 $0x14600  }
0x166: {  	[tilespmem:s21], [sflag:$0x3] =	stream.indirect_vreg.gather [hbm4b:s5+s8], $0x80, v4, vm0, $0xb8;
	[tilespmem:$0x18600] =	vst v63  }
0x167: {  	s13 =	simm.s32 $0x16600  }
0x168: {  	[tilespmem:s13], [sflag:$0x3] =	stream.indirect_vreg.gather [hbm4b:s5+s8], $0x80, v3, vm0, $0xb8;
	[tilespmem:$0x18600] =	vst v63  }
0x169: {  	v3 =	vld [tilespmem:$0x220];
	_ =	sdelay $0x4  }
0x16a: {  	v53 =	vshll.u32 v3, $0x1  }
0x16b: {  	v3 =	vand.u32 $0x7, v3;
	v4 =	vand.u32 $0xFFFFFFF0, v53  }
0x16c: {  	v3 =	vor.u32 v3, v4  }
0x16d: {  	v4 =	vperm.xlane v3, v0;
	_ =	sdelay $0x1  }
0x16e: {  	v3 =	vperm.xlane v3, v2;
	v4 =	vadd.s32 v1, v4;
	_ =	sdelay $0x1  }
0x16f: {  	v3 =	vadd.s32 v1, v3;
	_ =	sdelay $0x1  }
0x170: {  	s18 =	simm.s32 $0x14E00  }
0x171: {  	[tilespmem:s18], [sflag:$0x3] =	stream.indirect_vreg.gather [hbm4b:s6+s8], $0x80, v4, vm0, $0xb8;
	[tilespmem:$0x18600] =	vst v63  }
0x172: {  	s21 =	simm.s32 $0x16E00  }
0x173: {  	[tilespmem:s21], [sflag:$0x3] =	stream.indirect_vreg.gather [hbm4b:s6+s8], $0x80, v3, vm0, $0xb8;
	[tilespmem:$0x18600] =	vst v63  }
0x174: {  	v3 =	vld [tilespmem:$0x420];
	_ =	sdelay $0x4  }
0x175: {  	v54 =	vshll.u32 v3, $0x1  }
0x176: {  	v3 =	vand.u32 $0x7, v3;
	v4 =	vand.u32 $0xFFFFFFF0, v54  }
0x177: {  	v3 =	vor.u32 v3, v4  }
0x178: {  	v4 =	vperm.xlane v3, v0;
	_ =	sdelay $0x1  }
0x179: {  	v3 =	vperm.xlane v3, v2;
	v4 =	vadd.s32 v1, v4;
	_ =	sdelay $0x1  }
0x17a: {  	v3 =	vadd.s32 v1, v3;
	_ =	sdelay $0x1  }
0x17b: {  	s13 =	simm.s32 $0x15600  }
0x17c: {  	[tilespmem:s13], [sflag:$0x3] =	stream.indirect_vreg.gather [hbm4b:s12+s8], $0x80, v4, vm0, $0xb8;
	[tilespmem:$0x18600] =	vst v63  }
0x17d: {  	s18 =	simm.s32 $0x17600  }
0x17e: {  	[tilespmem:s18], [sflag:$0x3] =	stream.indirect_vreg.gather [hbm4b:s12+s8], $0x80, v3, vm0, $0xb8;
	[tilespmem:$0x18600] =	vst v63  }
0x17f: {  	v3 =	vld [tilespmem:$0x420];
	_ =	sdelay $0x4  }
0x180: {  	v55 =	vshll.u32 v3, $0x1  }
0x181: {  	v3 =	vand.u32 $0x7, v3;
	v4 =	vand.u32 $0xFFFFFFF0, v55  }
0x182: {  	v3 =	vor.u32 v3, v4  }
0x183: {  	v4 =	vperm.xlane v3, v0;
	_ =	sdelay $0x1  }
0x184: {  	v3 =	vperm.xlane v3, v2;
	v4 =	vadd.s32 v1, v4;
	_ =	sdelay $0x1  }
0x185: {  	v3 =	vadd.s32 v1, v3;
	_ =	sdelay $0x1  }
0x186: {  	s21 =	simm.s32 $0x15E00  }
0x187: {  	[tilespmem:s21], [sflag:$0x3] =	stream.indirect_vreg.gather [hbm4b:s1+s8], $0x80, v4, vm0, $0xb8;
	[tilespmem:$0x18600] =	vst v63  }
0x188: {  	s13 =	simm.s32 $0x17E00;
	s18 =	simm.s32 $0x2  }
0x189: {  	[tilespmem:s13], [sflag:$0x3] =	stream.indirect_vreg.gather [hbm4b:s1+s8], $0x80, v3, vm0, $0xb8;
	[tilespmem:$0x18600] =	vst v63  }
0x18a: {  	_ =	swait.ge [sflag:s18], $0x4000  }
0x18b: {  	[sflag:s18] =	ssyncset.done $0x0  }
0x18c: {  	[sflag:s18] =	ssyncadd.s32 $0xFFFFC000  }
0x18d: {  	_ =	swait.ge [sflag:s18], $0x4000  }
0x18e: {  	[sflag:s18] =	ssyncset.done $0x0  }
0x18f: {  	s13 =	rddreg [dreg:$0xf];
	[sflag:s18] =	ssyncadd.s32 $0xFFFFC000  }
0x190: {  	[hbm4b:s13+s23] =	stream.strided.scatter [tilespmem:s28], [sflag:$0x5], $0x400, s9, s23, $0x38;
	[tilespmem:$0x18600] =	vst v63  }
0x191: {  	s21 =	sadd.s32 $0x20, s13;
	s28 =	simm.s32 $0x8A00  }
0x192: {  	[hbm4b:s21+s23] =	stream.strided.scatter [tilespmem:s28], [sflag:$0x5], $0x400, s9, s23, $0x38;
	[tilespmem:$0x18600] =	vst v63  }
0x193: {  	s18 =	sadd.s32 $0x40, s13  }
0x194: {  	[hbm4b:s18+s23] =	stream.strided.scatter [tilespmem:s20], [sflag:$0x5], $0x400, s9, s23, $0x38;
	[tilespmem:$0x18600] =	vst v63  }
0x195: {  	s21 =	simm.s32 $0x9200;
	s20 =	sadd.s32 $0x60, s13  }
0x196: {  	[hbm4b:s20+s23] =	stream.strided.scatter [tilespmem:s21], [sflag:$0x5], $0x400, s9, s23, $0x38;
	[tilespmem:$0x18600] =	vst v63  }
0x197: {  	s28 =	sadd.s32 $0x80, s13  }
0x198: {  	[hbm4b:s28+s23] =	stream.strided.scatter [tilespmem:s15], [sflag:$0x5], $0x400, s9, s23, $0x38;
	[tilespmem:$0x18600] =	vst v63  }
0x199: {  	s18 =	simm.s32 $0x9A00;
	s15 =	sadd.s32 $0xA0, s13  }
0x19a: {  	[hbm4b:s15+s23] =	stream.strided.scatter [tilespmem:s18], [sflag:$0x5], $0x400, s9, s23, $0x38;
	[tilespmem:$0x18600] =	vst v63  }
0x19b: {  	s20 =	sadd.s32 $0xC0, s13  }
0x19c: {  	[hbm4b:s20+s23] =	stream.strided.scatter [tilespmem:s7], [sflag:$0x5], $0x400, s9, s23, $0x38;
	[tilespmem:$0x18600] =	vst v63  }
0x19d: {  	s21 =	sadd.s32 $0xE0, s13;
	s28 =	simm.s32 $0xA200  }
0x19e: {  	[hbm4b:s21+s23] =	stream.strided.scatter [tilespmem:s28], [sflag:$0x5], $0x400, s9, s23, $0x38;
	[tilespmem:$0x18600] =	vst v63  }
0x19f: {  	s15 =	simm.s32 $0xA600;
	s7 =	sadd.s32 $0x800, s13  }
0x1a0: {  	[hbm4b:s7+s23] =	stream.strided.scatter [tilespmem:s15], [sflag:$0x5], $0x400, s9, s23, $0x38;
	[tilespmem:$0x18600] =	vst v63  }
0x1a1: {  	s18 =	sadd.s32 $0x820, s13;
	s20 =	simm.s32 $0xAA00  }
0x1a2: {  	[hbm4b:s18+s23] =	stream.strided.scatter [tilespmem:s20], [sflag:$0x5], $0x400, s9, s23, $0x38;
	[tilespmem:$0x18600] =	vst v63  }
0x1a3: {  	s21 =	sadd.s32 $0x840, s13;
	s28 =	simm.s32 $0xAE00  }
0x1a4: {  	[hbm4b:s21+s23] =	stream.strided.scatter [tilespmem:s28], [sflag:$0x5], $0x400, s9, s23, $0x38;
	[tilespmem:$0x18600] =	vst v63  }
0x1a5: {  	s15 =	sadd.s32 $0x860, s13;
	s18 =	simm.s32 $0xB200  }
0x1a6: {  	[hbm4b:s15+s23] =	stream.strided.scatter [tilespmem:s18], [sflag:$0x5], $0x400, s9, s23, $0x38;
	[tilespmem:$0x18600] =	vst v63  }
0x1a7: {  	s20 =	sadd.s32 $0x880, s13  }
0x1a8: {  	[hbm4b:s20+s23] =	stream.strided.scatter [tilespmem:s29], [sflag:$0x5], $0x400, s9, s23, $0x38;
	[tilespmem:$0x18600] =	vst v63  }
0x1a9: {  	s21 =	sadd.s32 $0x8A0, s13;
	s28 =	simm.s32 $0xBA00  }
0x1aa: {  	[hbm4b:s21+s23] =	stream.strided.scatter [tilespmem:s28], [sflag:$0x5], $0x400, s9, s23, $0x38;
	[tilespmem:$0x18600] =	vst v63  }
0x1ab: {  	s29 =	sadd.s32 $0x8C0, s13  }
0x1ac: {  	[hbm4b:s29+s23] =	stream.strided.scatter [tilespmem:s22], [sflag:$0x5], $0x400, s9, s23, $0x38;
	[tilespmem:$0x18600] =	vst v63  }
0x1ad: {  	s7 =	sadd.s32 $0x8E0, s13;
	s13 =	simm.s32 $0xC200  }
0x1ae: {  	[hbm4b:s7+s23] =	stream.strided.scatter [tilespmem:s13], [sflag:$0x5], $0x400, s9, s23, $0x38;
	[tilespmem:$0x18600] =	vst v63  }
0x1af: {  	s13 =	rddreg [dreg:$0x10]  }
0x1b0: {  	[hbm4b:s13+s23] =	stream.strided.scatter [tilespmem:s17], [sflag:$0x5], $0x400, s9, s23, $0x38;
	[tilespmem:$0x18600] =	vst v63  }
0x1b1: {  	s15 =	sadd.s32 $0x20, s13;
	s17 =	simm.s32 $0xCA00  }
0x1b2: {  	[hbm4b:s15+s23] =	stream.strided.scatter [tilespmem:s17], [sflag:$0x5], $0x400, s9, s23, $0x38;
	[tilespmem:$0x18600] =	vst v63  }
0x1b3: {  	s18 =	sadd.s32 $0x40, s13  }
0x1b4: {  	[hbm4b:s18+s23] =	stream.strided.scatter [tilespmem:s14], [sflag:$0x5], $0x400, s9, s23, $0x38;
	[tilespmem:$0x18600] =	vst v63  }
0x1b5: {  	s21 =	simm.s32 $0xD200;
	s20 =	sadd.s32 $0x60, s13  }
0x1b6: {  	[hbm4b:s20+s23] =	stream.strided.scatter [tilespmem:s21], [sflag:$0x5], $0x400, s9, s23, $0x38;
	[tilespmem:$0x18600] =	vst v63  }
0x1b7: {  	s22 =	sadd.s32 $0x80, s13  }
0x1b8: {  	[hbm4b:s22+s23] =	stream.strided.scatter [tilespmem:s3], [sflag:$0x5], $0x400, s9, s23, $0x38;
	[tilespmem:$0x18600] =	vst v63  }
0x1b9: {  	s29 =	simm.s32 $0xDA00;
	s28 =	sadd.s32 $0xA0, s13  }
0x1ba: {  	[hbm4b:s28+s23] =	stream.strided.scatter [tilespmem:s29], [sflag:$0x5], $0x400, s9, s23, $0x38;
	[tilespmem:$0x18600] =	vst v63  }
0x1bb: {  	s7 =	sadd.s32 $0xC0, s13  }
0x1bc: {  	[hbm4b:s7+s23] =	stream.strided.scatter [tilespmem:s0], [sflag:$0x5], $0x400, s9, s23, $0x38;
	[tilespmem:$0x18600] =	vst v63  }
0x1bd: {  	s15 =	simm.s32 $0xE200;
	s14 =	sadd.s32 $0xE0, s13  }
0x1be: {  	[hbm4b:s14+s23] =	stream.strided.scatter [tilespmem:s15], [sflag:$0x5], $0x400, s9, s23, $0x38;
	[tilespmem:$0x18600] =	vst v63  }
0x1bf: {  	s17 =	sadd.s32 $0x800, s13  }
0x1c0: {  	[hbm4b:s17+s23] =	stream.strided.scatter [tilespmem:s31], [sflag:$0x5], $0x400, s9, s23, $0x38;
	[tilespmem:$0x18600] =	vst v63  }
0x1c1: {  	s18 =	sadd.s32 $0x820, s13;
	s20 =	simm.s32 $0xEA00  }
0x1c2: {  	[hbm4b:s18+s23] =	stream.strided.scatter [tilespmem:s20], [sflag:$0x5], $0x400, s9, s23, $0x38;
	[tilespmem:$0x18600] =	vst v63  }
0x1c3: {  	s21 =	sadd.s32 $0x840, s13  }
0x1c4: {  	[hbm4b:s21+s23] =	stream.strided.scatter [tilespmem:s24], [sflag:$0x5], $0x400, s9, s23, $0x38;
	[tilespmem:$0x18600] =	vst v63  }
0x1c5: {  	s22 =	sadd.s32 $0x860, s13;
	s24 =	simm.s32 $0xF200  }
0x1c6: {  	[hbm4b:s22+s23] =	stream.strided.scatter [tilespmem:s24], [sflag:$0x5], $0x400, s9, s23, $0x38;
	[tilespmem:$0x18600] =	vst v63  }
0x1c7: {  	s28 =	sadd.s32 $0x880, s13  }
0x1c8: {  	[hbm4b:s28+s23] =	stream.strided.scatter [tilespmem:s19], [sflag:$0x5], $0x400, s9, s23, $0x38;
	[tilespmem:$0x18600] =	vst v63  }
0x1c9: {  	s29 =	sadd.s32 $0x8A0, s13;
	s31 =	simm.s32 $0xFA00  }
0x1ca: {  	[hbm4b:s29+s23] =	stream.strided.scatter [tilespmem:s31], [sflag:$0x5], $0x400, s9, s23, $0x38;
	[tilespmem:$0x18600] =	vst v63  }
0x1cb: {  	s0 =	sadd.s32 $0x8C0, s13  }
0x1cc: {  	[hbm4b:s0+s23] =	stream.strided.scatter [tilespmem:s16], [sflag:$0x5], $0x400, s9, s23, $0x38;
	[tilespmem:$0x18600] =	vst v63  }
0x1cd: {  	s3 =	sadd.s32 $0x8E0, s13;
	s7 =	simm.s32 $0x10200;
	s13 =	simm.s32 $0x4  }
0x1ce: {  	[hbm4b:s3+s23] =	stream.strided.scatter [tilespmem:s7], [sflag:$0x5], $0x400, s9, s23, $0x38;
	[tilespmem:$0x18600] =	vst v63  }
0x1cf: {  	_ =	swait.ge [sflag:s13], $0x4000  }
0x1d0: {  	[sflag:s13] =	ssyncset.done $0x0  }
0x1d1: {  	[sflag:s13] =	ssyncadd.s32 $0xFFFFC000  }
0x1d2: {  	_ =	swait.ge [sflag:s13], $0x4000  }
0x1d3: {  	[sflag:s13] =	ssyncset.done $0x0  }
0x1d4: {  	[sflag:s13] =	ssyncadd.s32 $0xFFFFC000  }
0x1d5: {  	v3 =	vld [tilespmem:$0x30];
	_ =	sdelay $0x4  }
0x1d6: {  	v56 =	vshll.u32 v3, $0x1  }
0x1d7: {  	v3 =	vand.u32 $0x7, v3;
	v4 =	vand.u32 $0xFFFFFFF0, v56  }
0x1d8: {  	v3 =	vor.u32 v3, v4  }
0x1d9: {  	v4 =	vperm.xlane v3, v0;
	_ =	sdelay $0x1  }
0x1da: {  	v3 =	vperm.xlane v3, v2;
	v4 =	vadd.s32 v1, v4;
	_ =	sdelay $0x1  }
0x1db: {  	v3 =	vadd.s32 v1, v3;
	_ =	sdelay $0x1  }
0x1dc: {  	s14 =	simm.s32 $0x600  }
0x1dd: {  	[tilespmem:s14], [sflag:$0x1] =	stream.indirect_vreg.gather [hbm4b:s2+s8], $0x80, v4, vm0, $0xb8;
	[tilespmem:$0x18600] =	vst v63  }
0x1de: {  	s15 =	simm.s32 $0x2600  }
0x1df: {  	[tilespmem:s15], [sflag:$0x1] =	stream.indirect_vreg.gather [hbm4b:s2+s8], $0x80, v3, vm0, $0xb8;
	[tilespmem:$0x18600] =	vst v63  }
0x1e0: {  	v3 =	vld [tilespmem:$0x30];
	_ =	sdelay $0x4  }
0x1e1: {  	v57 =	vshll.u32 v3, $0x1  }
0x1e2: {  	v3 =	vand.u32 $0x7, v3;
	v4 =	vand.u32 $0xFFFFFFF0, v57  }
0x1e3: {  	v3 =	vor.u32 v3, v4  }
0x1e4: {  	v4 =	vperm.xlane v3, v0;
	_ =	sdelay $0x1  }
0x1e5: {  	v3 =	vperm.xlane v3, v2;
	v4 =	vadd.s32 v1, v4;
	_ =	sdelay $0x1  }
0x1e6: {  	v3 =	vadd.s32 v1, v3;
	_ =	sdelay $0x1  }
0x1e7: {  	s16 =	simm.s32 $0xE00  }
0x1e8: {  	[tilespmem:s16], [sflag:$0x1] =	stream.indirect_vreg.gather [hbm4b:s4+s8], $0x80, v4, vm0, $0xb8;
	[tilespmem:$0x18600] =	vst v63  }
0x1e9: {  	s17 =	simm.s32 $0x2E00  }
0x1ea: {  	[tilespmem:s17], [sflag:$0x1] =	stream.indirect_vreg.gather [hbm4b:s4+s8], $0x80, v3, vm0, $0xb8;
	[tilespmem:$0x18600] =	vst v63  }
0x1eb: {  	v3 =	vld [tilespmem:$0x30];
	_ =	sdelay $0x4  }
0x1ec: {  	v58 =	vshll.u32 v3, $0x1  }
0x1ed: {  	v3 =	vand.u32 $0x7, v3;
	v4 =	vand.u32 $0xFFFFFFF0, v58  }
0x1ee: {  	v3 =	vor.u32 v3, v4  }
0x1ef: {  	v4 =	vperm.xlane v3, v0;
	_ =	sdelay $0x1  }
0x1f0: {  	v3 =	vperm.xlane v3, v2;
	v4 =	vadd.s32 v1, v4;
	_ =	sdelay $0x1  }
0x1f1: {  	v3 =	vadd.s32 v1, v3;
	_ =	sdelay $0x1  }
0x1f2: {  	s18 =	simm.s32 $0x1600  }
0x1f3: {  	[tilespmem:s18], [sflag:$0x1] =	stream.indirect_vreg.gather [hbm4b:s12+s8], $0x80, v4, vm0, $0xb8;
	[tilespmem:$0x18600] =	vst v63  }
0x1f4: {  	s19 =	simm.s32 $0x3600  }
0x1f5: {  	[tilespmem:s19], [sflag:$0x1] =	stream.indirect_vreg.gather [hbm4b:s12+s8], $0x80, v3, vm0, $0xb8;
	[tilespmem:$0x18600] =	vst v63  }
0x1f6: {  	v3 =	vld [tilespmem:$0x30];
	_ =	sdelay $0x4  }
0x1f7: {  	v59 =	vshll.u32 v3, $0x1  }
0x1f8: {  	v3 =	vand.u32 $0x7, v3;
	v4 =	vand.u32 $0xFFFFFFF0, v59  }
0x1f9: {  	v3 =	vor.u32 v3, v4  }
0x1fa: {  	v4 =	vperm.xlane v3, v0;
	_ =	sdelay $0x1  }
0x1fb: {  	v3 =	vperm.xlane v3, v2;
	v4 =	vadd.s32 v1, v4;
	_ =	sdelay $0x1  }
0x1fc: {  	v3 =	vadd.s32 v1, v3;
	_ =	sdelay $0x1  }
0x1fd: {  	s20 =	simm.s32 $0x1E00  }
0x1fe: {  	[tilespmem:s20], [sflag:$0x1] =	stream.indirect_vreg.gather [hbm4b:s1+s8], $0x80, v4, vm0, $0xb8;
	[tilespmem:$0x18600] =	vst v63  }
0x1ff: {  	s21 =	simm.s32 $0x3E00  }
0x200: {  	[tilespmem:s21], [sflag:$0x1] =	stream.indirect_vreg.gather [hbm4b:s1+s8], $0x80, v3, vm0, $0xb8;
	[tilespmem:$0x18600] =	vst v63  }
0x201: {  	v3 =	vld [tilespmem:$0x230];
	_ =	sdelay $0x4  }
0x202: {  	v60 =	vshll.u32 v3, $0x1  }
0x203: {  	v3 =	vand.u32 $0x7, v3;
	v4 =	vand.u32 $0xFFFFFFF0, v60  }
0x204: {  	v3 =	vor.u32 v3, v4  }
0x205: {  	v4 =	vperm.xlane v3, v0;
	_ =	sdelay $0x1  }
0x206: {  	v3 =	vperm.xlane v3, v2;
	v4 =	vadd.s32 v1, v4;
	_ =	sdelay $0x1  }
0x207: {  	v3 =	vadd.s32 v1, v3;
	_ =	sdelay $0x1  }
0x208: {  	s22 =	simm.s32 $0x4600  }
0x209: {  	[tilespmem:s22], [sflag:$0x1] =	stream.indirect_vreg.gather [hbm4b:s5+s8], $0x80, v4, vm0, $0xb8;
	[tilespmem:$0x18600] =	vst v63  }
0x20a: {  	s24 =	simm.s32 $0x6600  }
0x20b: {  	[tilespmem:s24], [sflag:$0x1] =	stream.indirect_vreg.gather [hbm4b:s5+s8], $0x80, v3, vm0, $0xb8;
	[tilespmem:$0x18600] =	vst v63  }
0x20c: {  	v3 =	vld [tilespmem:$0x230];
	_ =	sdelay $0x4  }
0x20d: {  	v61 =	vshll.u32 v3, $0x1  }
0x20e: {  	v3 =	vand.u32 $0x7, v3;
	v4 =	vand.u32 $0xFFFFFFF0, v61  }
0x20f: {  	v3 =	vor.u32 v3, v4  }
0x210: {  	v4 =	vperm.xlane v3, v0;
	_ =	sdelay $0x1  }
0x211: {  	v3 =	vperm.xlane v3, v2;
	v4 =	vadd.s32 v1, v4;
	_ =	sdelay $0x1  }
0x212: {  	v3 =	vadd.s32 v1, v3;
	_ =	sdelay $0x1  }
0x213: {  	s28 =	simm.s32 $0x4E00  }
0x214: {  	[tilespmem:s28], [sflag:$0x1] =	stream.indirect_vreg.gather [hbm4b:s6+s8], $0x80, v4, vm0, $0xb8;
	[tilespmem:$0x18600] =	vst v63  }
0x215: {  	s26 =	simm.s32 $0x6E00  }
0x216: {  	[tilespmem:s26], [sflag:$0x1] =	stream.indirect_vreg.gather [hbm4b:s6+s8], $0x80, v3, vm0, $0xb8;
	[tilespmem:$0x18600] =	vst v63  }
0x217: {  	v3 =	vld [tilespmem:$0x430];
	_ =	sdelay $0x4  }
0x218: {  	v62 =	vshll.u32 v3, $0x1  }
0x219: {  	v3 =	vand.u32 $0x7, v3;
	v4 =	vand.u32 $0xFFFFFFF0, v62  }
0x21a: {  	v3 =	vor.u32 v3, v4  }
0x21b: {  	v4 =	vperm.xlane v3, v0;
	_ =	sdelay $0x1  }
0x21c: {  	v3 =	vperm.xlane v3, v2;
	v4 =	vadd.s32 v1, v4;
	_ =	sdelay $0x1  }
0x21d: {  	v3 =	vadd.s32 v1, v3;
	_ =	sdelay $0x1  }
0x21e: {  	s29 =	simm.s32 $0x5600  }
0x21f: {  	[tilespmem:s29], [sflag:$0x1] =	stream.indirect_vreg.gather [hbm4b:s12+s8], $0x80, v4, vm0, $0xb8;
	[tilespmem:$0x18600] =	vst v63  }
0x220: {  	s10 =	simm.s32 $0x7600  }
0x221: {  	[tilespmem:s10], [sflag:$0x1] =	stream.indirect_vreg.gather [hbm4b:s12+s8], $0x80, v3, vm0, $0xb8;
	[tilespmem:$0x18600] =	vst v63  }
0x222: {  	v3 =	vld [tilespmem:$0x430];
	_ =	sdelay $0x4  }
0x223: {  	v63 =	vshll.u32 v3, $0x1  }
0x224: {  	v3 =	vand.u32 $0x7, v3;
	v4 =	vand.u32 $0xFFFFFFF0, v63  }
0x225: {  	v3 =	vor.u32 v3, v4  }
0x226: {  	v4 =	vperm.xlane v3, v0;
	_ =	sdelay $0x1  }
0x227: {  	v3 =	vperm.xlane v3, v2;
	v4 =	vadd.s32 v1, v4;
	_ =	sdelay $0x1  }
0x228: {  	v3 =	vadd.s32 v1, v3  }
0x229: {  	s11 =	simm.s32 $0x60  }
0x22a: {  	s25 =	simm.s32 $0x7E00;
	s30 =	simm.s32 $0x3;
	s31 =	simm.s32 $0x5E00  }
0x22b: {  	[tilespmem:s31], [sflag:$0x1] =	stream.indirect_vreg.gather [hbm4b:s1+s8], $0x80, v4, vm0, $0xb8;
	[tilespmem:$0x18600] =	vst v63  }
0x22c: {  	s13 =	simm.s32 $0x460;
	s17 =	simm.s32 $0x260;
	s18 =	simm.s32 $0x0  }
0x22d: {  	[tilespmem:s25], [sflag:$0x1] =	stream.indirect_vreg.gather [hbm4b:s1+s8], $0x80, v3, vm0, $0xb8;
	[tilespmem:$0x18600] =	vst v63  }
.LBB2_2:
0x22e: {  	_ =	swait.ge [sflag:s30], $0x4000  }
0x22f: {  	[sflag:s30] =	ssyncset.done $0x0  }
0x230: {  	[sflag:s30] =	ssyncadd.s32 $0xFFFFC000  }
0x231: {  	_ =	swait.ge [sflag:s30], $0x4000  }
0x232: {  	s22 =	rddreg [dreg:$0xa]  }
0x233: {  	[sflag:s30] =	ssyncset.done $0x0;
	s22 =	sadd.s32 s18, s22  }
0x234: {  	s0 =	simm.s32 $0x10600;
	[sflag:s30] =	ssyncadd.s32 $0xFFFFC000;
	s19 =	sadd.s32 $0x2000, s22  }
0x235: {  	[hbm4b:s19+s23] =	stream.strided.scatter [tilespmem:s0], [sflag:$0x6], $0x400, s9, s23, $0x38;
	[tilespmem:$0x18600] =	vst v63  }
0x236: {  	s15 =	simm.s32 $0x10A00;
	s14 =	sadd.s32 $0x2020, s22  }
0x237: {  	[hbm4b:s14+s23] =	stream.strided.scatter [tilespmem:s15], [sflag:$0x6], $0x400, s9, s23, $0x38;
	[tilespmem:$0x18600] =	vst v63  }
0x238: {  	s20 =	simm.s32 $0x10E00;
	s16 =	sadd.s32 $0x2040, s22  }
0x239: {  	[hbm4b:s16+s23] =	stream.strided.scatter [tilespmem:s20], [sflag:$0x6], $0x400, s9, s23, $0x38;
	[tilespmem:$0x18600] =	vst v63  }
0x23a: {  	s24 =	simm.s32 $0x11200;
	s21 =	sadd.s32 $0x2060, s22  }
0x23b: {  	[hbm4b:s21+s23] =	stream.strided.scatter [tilespmem:s24], [sflag:$0x6], $0x400, s9, s23, $0x38;
	[tilespmem:$0x18600] =	vst v63  }
0x23c: {  	s26 =	simm.s32 $0x11600;
	s25 =	sadd.s32 $0x2080, s22  }
0x23d: {  	[hbm4b:s25+s23] =	stream.strided.scatter [tilespmem:s26], [sflag:$0x6], $0x400, s9, s23, $0x38;
	[tilespmem:$0x18600] =	vst v63  }
0x23e: {  	s1 =	simm.s32 $0x11A00;
	s0 =	sadd.s32 $0x20A0, s22  }
0x23f: {  	[hbm4b:s0+s23] =	stream.strided.scatter [tilespmem:s1], [sflag:$0x6], $0x400, s9, s23, $0x38;
	[tilespmem:$0x18600] =	vst v63  }
0x240: {  	s3 =	simm.s32 $0x11E00;
	s2 =	sadd.s32 $0x20C0, s22  }
0x241: {  	[hbm4b:s2+s23] =	stream.strided.scatter [tilespmem:s3], [sflag:$0x6], $0x400, s9, s23, $0x38;
	[tilespmem:$0x18600] =	vst v63  }
0x242: {  	s5 =	simm.s32 $0x12200;
	s4 =	sadd.s32 $0x20E0, s22  }
0x243: {  	[hbm4b:s4+s23] =	stream.strided.scatter [tilespmem:s5], [sflag:$0x6], $0x400, s9, s23, $0x38;
	[tilespmem:$0x18600] =	vst v63  }
0x244: {  	s12 =	simm.s32 $0x12600;
	s6 =	sadd.s32 $0x2800, s22  }
0x245: {  	[hbm4b:s6+s23] =	stream.strided.scatter [tilespmem:s12], [sflag:$0x6], $0x400, s9, s23, $0x38;
	[tilespmem:$0x18600] =	vst v63  }
0x246: {  	s10 =	simm.s32 $0x12A00;
	s7 =	sadd.s32 $0x2820, s22  }
0x247: {  	[hbm4b:s7+s23] =	stream.strided.scatter [tilespmem:s10], [sflag:$0x6], $0x400, s9, s23, $0x38;
	[tilespmem:$0x18600] =	vst v63  }
0x248: {  	s14 =	sadd.s32 $0x2840, s22;
	s20 =	simm.s32 $0x12E00  }
0x249: {  	[hbm4b:s14+s23] =	stream.strided.scatter [tilespmem:s20], [sflag:$0x6], $0x400, s9, s23, $0x38;
	[tilespmem:$0x18600] =	vst v63  }
0x24a: {  	s15 =	sadd.s32 $0x2860, s22;
	s16 =	simm.s32 $0x13200  }
0x24b: {  	[hbm4b:s15+s23] =	stream.strided.scatter [tilespmem:s16], [sflag:$0x6], $0x400, s9, s23, $0x38;
	[tilespmem:$0x18600] =	vst v63  }
0x24c: {  	s21 =	sadd.s32 $0x2880, s22;
	s24 =	simm.s32 $0x13600  }
0x24d: {  	[hbm4b:s21+s23] =	stream.strided.scatter [tilespmem:s24], [sflag:$0x6], $0x400, s9, s23, $0x38;
	[tilespmem:$0x18600] =	vst v63  }
0x24e: {  	s25 =	sadd.s32 $0x28A0, s22;
	s26 =	simm.s32 $0x13A00  }
0x24f: {  	[hbm4b:s25+s23] =	stream.strided.scatter [tilespmem:s26], [sflag:$0x6], $0x400, s9, s23, $0x38;
	[tilespmem:$0x18600] =	vst v63  }
0x250: {  	s0 =	sadd.s32 $0x28C0, s22;
	s1 =	simm.s32 $0x13E00  }
0x251: {  	[hbm4b:s0+s23] =	stream.strided.scatter [tilespmem:s1], [sflag:$0x6], $0x400, s9, s23, $0x38;
	[tilespmem:$0x18600] =	vst v63  }
0x252: {  	s2 =	sadd.s32 $0x28E0, s22;
	s3 =	simm.s32 $0x14200  }
0x253: {  	[hbm4b:s2+s23] =	stream.strided.scatter [tilespmem:s3], [sflag:$0x6], $0x400, s9, s23, $0x38;
	[tilespmem:$0x18600] =	vst v63  }
0x254: {  	s4 =	sadd.s32 $0x2010, s22;
	s5 =	simm.s32 $0x14600  }
0x255: {  	[hbm4b:s4+s23] =	stream.strided.scatter [tilespmem:s5], [sflag:$0x6], $0x400, s9, s23, $0x38;
	[tilespmem:$0x18600] =	vst v63  }
0x256: {  	s6 =	sadd.s32 $0x2030, s22;
	s7 =	simm.s32 $0x14A00  }
0x257: {  	[hbm4b:s6+s23] =	stream.strided.scatter [tilespmem:s7], [sflag:$0x6], $0x400, s9, s23, $0x38;
	[tilespmem:$0x18600] =	vst v63  }
0x258: {  	s10 =	sadd.s32 $0x2050, s22;
	s14 =	simm.s32 $0x14E00  }
0x259: {  	[hbm4b:s10+s23] =	stream.strided.scatter [tilespmem:s14], [sflag:$0x6], $0x400, s9, s23, $0x38;
	[tilespmem:$0x18600] =	vst v63  }
0x25a: {  	s15 =	sadd.s32 $0x2070, s22;
	s16 =	simm.s32 $0x15200  }
0x25b: {  	[hbm4b:s15+s23] =	stream.strided.scatter [tilespmem:s16], [sflag:$0x6], $0x400, s9, s23, $0x38;
	[tilespmem:$0x18600] =	vst v63  }
0x25c: {  	s21 =	sadd.s32 $0x2090, s22;
	s24 =	simm.s32 $0x15600  }
0x25d: {  	[hbm4b:s21+s23] =	stream.strided.scatter [tilespmem:s24], [sflag:$0x6], $0x400, s9, s23, $0x38;
	[tilespmem:$0x18600] =	vst v63  }
0x25e: {  	s25 =	sadd.s32 $0x20B0, s22;
	s26 =	simm.s32 $0x15A00  }
0x25f: {  	[hbm4b:s25+s23] =	stream.strided.scatter [tilespmem:s26], [sflag:$0x6], $0x400, s9, s23, $0x38;
	[tilespmem:$0x18600] =	vst v63  }
0x260: {  	s1 =	sadd.s32 $0x20D0, s22;
	s2 =	simm.s32 $0x15E00  }
0x261: {  	[hbm4b:s1+s23] =	stream.strided.scatter [tilespmem:s2], [sflag:$0x6], $0x400, s9, s23, $0x38;
	[tilespmem:$0x18600] =	vst v63  }
0x262: {  	s3 =	sadd.s32 $0x20F0, s22;
	s4 =	simm.s32 $0x16200  }
0x263: {  	[hbm4b:s3+s23] =	stream.strided.scatter [tilespmem:s4], [sflag:$0x6], $0x400, s9, s23, $0x38;
	[tilespmem:$0x18600] =	vst v63  }
0x264: {  	s29 =	simm.s32 $0x16600;
	s5 =	sadd.s32 $0x2810, s22  }
0x265: {  	[hbm4b:s5+s23] =	stream.strided.scatter [tilespmem:s29], [sflag:$0x6], $0x400, s9, s23, $0x38;
	[tilespmem:$0x18600] =	vst v63  }
0x266: {  	s6 =	sadd.s32 $0x2830, s22;
	s7 =	simm.s32 $0x16A00  }
0x267: {  	[hbm4b:s6+s23] =	stream.strided.scatter [tilespmem:s7], [sflag:$0x6], $0x400, s9, s23, $0x38;
	[tilespmem:$0x18600] =	vst v63  }
0x268: {  	s10 =	sadd.s32 $0x2850, s22;
	s14 =	simm.s32 $0x16E00  }
0x269: {  	[hbm4b:s10+s23] =	stream.strided.scatter [tilespmem:s14], [sflag:$0x6], $0x400, s9, s23, $0x38;
	[tilespmem:$0x18600] =	vst v63  }
0x26a: {  	s15 =	sadd.s32 $0x2870, s22;
	s16 =	simm.s32 $0x17200  }
0x26b: {  	[hbm4b:s15+s23] =	stream.strided.scatter [tilespmem:s16], [sflag:$0x6], $0x400, s9, s23, $0x38;
	[tilespmem:$0x18600] =	vst v63  }
0x26c: {  	s21 =	sadd.s32 $0x2890, s22;
	s24 =	simm.s32 $0x17600  }
0x26d: {  	[hbm4b:s21+s23] =	stream.strided.scatter [tilespmem:s24], [sflag:$0x6], $0x400, s9, s23, $0x38;
	[tilespmem:$0x18600] =	vst v63  }
0x26e: {  	s25 =	sadd.s32 $0x28B0, s22;
	s26 =	simm.s32 $0x17A00  }
0x26f: {  	[hbm4b:s25+s23] =	stream.strided.scatter [tilespmem:s26], [sflag:$0x6], $0x400, s9, s23, $0x38;
	[tilespmem:$0x18600] =	vst v63  }
0x270: {  	s1 =	sadd.s32 $0x28D0, s22;
	s2 =	simm.s32 $0x17E00  }
0x271: {  	[hbm4b:s1+s23] =	stream.strided.scatter [tilespmem:s2], [sflag:$0x6], $0x400, s9, s23, $0x38;
	[tilespmem:$0x18600] =	vst v63  }
0x272: {  	s3 =	sadd.s32 $0x28F0, s22;
	s4 =	simm.s32 $0x18200;
	s5 =	simm.s32 $0x5  }
0x273: {  	[hbm4b:s3+s23] =	stream.strided.scatter [tilespmem:s4], [sflag:$0x6], $0x400, s9, s23, $0x38;
	[tilespmem:$0x18600] =	vst v63  }
0x274: {  	_ =	swait.ge [sflag:s5], $0x4000  }
0x275: {  	[sflag:s5] =	ssyncset.done $0x0  }
0x276: {  	[sflag:s5] =	ssyncadd.s32 $0xFFFFC000  }
0x277: {  	_ =	swait.ge [sflag:s5], $0x4000  }
0x278: {  	[sflag:s5] =	ssyncset.done $0x0  }
0x279: {  	[sflag:s5] =	ssyncadd.s32 $0xFFFFC000  }
0x27a: {  	v3 =	vld [tilespmem:s11+$0xFFFFFFE0];
	_ =	sdelay $0x4  }
0x27b: {  	v4 =	vshll.u32 v3, $0x1  }
0x27c: {  	v3 =	vand.u32 $0x7, v3;
	v4 =	vand.u32 $0xFFFFFFF0, v4  }
0x27d: {  	v3 =	vor.u32 v3, v4  }
0x27e: {  	v4 =	vperm.xlane v3, v0;
	_ =	sdelay $0x1  }
0x27f: {  	v3 =	vperm.xlane v3, v2;
	v4 =	vadd.s32 v1, v4;
	_ =	sdelay $0x1  }
0x280: {  	v3 =	vadd.s32 v1, v3;
	_ =	sdelay $0x1  }
0x281: {  	s6 =	simm.s32 $0x8600;
	s4 =	rddreg [dreg:$0x2]  }
0x282: {  	[tilespmem:s6], [sflag:$0x2] =	stream.indirect_vreg.gather [hbm4b:s4+s8], $0x80, v4, vm0, $0xb8;
	[tilespmem:$0x18600] =	vst v63  }
0x283: {  	s7 =	simm.s32 $0xA600  }
0x284: {  	[tilespmem:s7], [sflag:$0x2] =	stream.indirect_vreg.gather [hbm4b:s4+s8], $0x80, v3, vm0, $0xb8;
	[tilespmem:$0x18600] =	vst v63  }
0x285: {  	v3 =	vld [tilespmem:s11+$0xFFFFFFE0];
	_ =	sdelay $0x4  }
0x286: {  	v41 =	vshll.u32 v3, $0x1  }
0x287: {  	v3 =	vand.u32 $0x7, v3;
	v4 =	vand.u32 $0xFFFFFFF0, v41  }
0x288: {  	v3 =	vor.u32 v3, v4  }
0x289: {  	v4 =	vperm.xlane v3, v0;
	_ =	sdelay $0x1  }
0x28a: {  	v3 =	vperm.xlane v3, v2;
	v4 =	vadd.s32 v1, v4;
	_ =	sdelay $0x1  }
0x28b: {  	v3 =	vadd.s32 v1, v3;
	_ =	sdelay $0x1  }
0x28c: {  	s10 =	simm.s32 $0x8E00;
	s5 =	rddreg [dreg:$0x3]  }
0x28d: {  	[tilespmem:s10], [sflag:$0x2] =	stream.indirect_vreg.gather [hbm4b:s5+s8], $0x80, v4, vm0, $0xb8;
	[tilespmem:$0x18600] =	vst v63  }
0x28e: {  	s14 =	simm.s32 $0xAE00  }
0x28f: {  	[tilespmem:s14], [sflag:$0x2] =	stream.indirect_vreg.gather [hbm4b:s5+s8], $0x80, v3, vm0, $0xb8;
	[tilespmem:$0x18600] =	vst v63  }
0x290: {  	v3 =	vld [tilespmem:s11+$0xFFFFFFE0];
	_ =	sdelay $0x4  }
0x291: {  	v42 =	vshll.u32 v3, $0x1  }
0x292: {  	v3 =	vand.u32 $0x7, v3;
	v4 =	vand.u32 $0xFFFFFFF0, v42  }
0x293: {  	v3 =	vor.u32 v3, v4  }
0x294: {  	v4 =	vperm.xlane v3, v0;
	_ =	sdelay $0x1  }
0x295: {  	v3 =	vperm.xlane v3, v2;
	v4 =	vadd.s32 v1, v4;
	_ =	sdelay $0x1  }
0x296: {  	v3 =	vadd.s32 v1, v3;
	_ =	sdelay $0x1  }
0x297: {  	s24 =	simm.s32 $0x9600;
	s1 =	rddreg [dreg:$0x0]  }
0x298: {  	[tilespmem:s24], [sflag:$0x2] =	stream.indirect_vreg.gather [hbm4b:s1+s8], $0x80, v4, vm0, $0xb8;
	[tilespmem:$0x18600] =	vst v63  }
0x299: {  	s15 =	simm.s32 $0xB600  }
0x29a: {  	[tilespmem:s15], [sflag:$0x2] =	stream.indirect_vreg.gather [hbm4b:s1+s8], $0x80, v3, vm0, $0xb8;
	[tilespmem:$0x18600] =	vst v63  }
0x29b: {  	v3 =	vld [tilespmem:s11+$0xFFFFFFE0];
	_ =	sdelay $0x4  }
0x29c: {  	v43 =	vshll.u32 v3, $0x1  }
0x29d: {  	v3 =	vand.u32 $0x7, v3;
	v4 =	vand.u32 $0xFFFFFFF0, v43  }
0x29e: {  	v3 =	vor.u32 v3, v4  }
0x29f: {  	v4 =	vperm.xlane v3, v0;
	_ =	sdelay $0x1  }
0x2a0: {  	v3 =	vperm.xlane v3, v2;
	v4 =	vadd.s32 v1, v4;
	_ =	sdelay $0x1  }
0x2a1: {  	v3 =	vadd.s32 v1, v3;
	_ =	sdelay $0x1  }
0x2a2: {  	s0 =	rddreg [dreg:$0x1];
	s14 =	simm.s32 $0x9E00  }
0x2a3: {  	[tilespmem:s14], [sflag:$0x2] =	stream.indirect_vreg.gather [hbm4b:s0+s8], $0x80, v4, vm0, $0xb8;
	[tilespmem:$0x18600] =	vst v63  }
0x2a4: {  	s2 =	simm.s32 $0xBE00  }
0x2a5: {  	[tilespmem:s2], [sflag:$0x2] =	stream.indirect_vreg.gather [hbm4b:s0+s8], $0x80, v3, vm0, $0xb8;
	[tilespmem:$0x18600] =	vst v63  }
0x2a6: {  	v3 =	vld [tilespmem:s17+$0xFFFFFFE0];
	_ =	sdelay $0x4  }
0x2a7: {  	v44 =	vshll.u32 v3, $0x1  }
0x2a8: {  	v3 =	vand.u32 $0x7, v3;
	v4 =	vand.u32 $0xFFFFFFF0, v44  }
0x2a9: {  	v3 =	vor.u32 v3, v4  }
0x2aa: {  	v4 =	vperm.xlane v3, v0;
	_ =	sdelay $0x1  }
0x2ab: {  	v3 =	vperm.xlane v3, v2;
	v4 =	vadd.s32 v1, v4;
	_ =	sdelay $0x1  }
0x2ac: {  	v3 =	vadd.s32 v1, v3;
	_ =	sdelay $0x1  }
0x2ad: {  	s26 =	simm.s32 $0xC600;
	s6 =	rddreg [dreg:$0x4]  }
0x2ae: {  	[tilespmem:s26], [sflag:$0x2] =	stream.indirect_vreg.gather [hbm4b:s6+s8], $0x80, v4, vm0, $0xb8;
	[tilespmem:$0x18600] =	vst v63  }
0x2af: {  	s16 =	simm.s32 $0xE600  }
0x2b0: {  	[tilespmem:s16], [sflag:$0x2] =	stream.indirect_vreg.gather [hbm4b:s6+s8], $0x80, v3, vm0, $0xb8;
	[tilespmem:$0x18600] =	vst v63  }
0x2b1: {  	v3 =	vld [tilespmem:s17+$0xFFFFFFE0];
	_ =	sdelay $0x4  }
0x2b2: {  	v45 =	vshll.u32 v3, $0x1  }
0x2b3: {  	v3 =	vand.u32 $0x7, v3;
	v4 =	vand.u32 $0xFFFFFFF0, v45  }
0x2b4: {  	v3 =	vor.u32 v3, v4  }
0x2b5: {  	v4 =	vperm.xlane v3, v0;
	_ =	sdelay $0x1  }
0x2b6: {  	v3 =	vperm.xlane v3, v2;
	v4 =	vadd.s32 v1, v4;
	_ =	sdelay $0x1  }
0x2b7: {  	v3 =	vadd.s32 v1, v3;
	_ =	sdelay $0x1  }
0x2b8: {  	s7 =	rddreg [dreg:$0x5];
	s15 =	simm.s32 $0xCE00  }
0x2b9: {  	[tilespmem:s15], [sflag:$0x2] =	stream.indirect_vreg.gather [hbm4b:s7+s8], $0x80, v4, vm0, $0xb8;
	[tilespmem:$0x18600] =	vst v63  }
0x2ba: {  	s19 =	simm.s32 $0xEE00  }
0x2bb: {  	[tilespmem:s19], [sflag:$0x2] =	stream.indirect_vreg.gather [hbm4b:s7+s8], $0x80, v3, vm0, $0xb8;
	[tilespmem:$0x18600] =	vst v63  }
0x2bc: {  	v3 =	vld [tilespmem:s13+$0xFFFFFFE0];
	_ =	sdelay $0x4  }
0x2bd: {  	v46 =	vshll.u32 v3, $0x1  }
0x2be: {  	v3 =	vand.u32 $0x7, v3;
	v4 =	vand.u32 $0xFFFFFFF0, v46  }
0x2bf: {  	v3 =	vor.u32 v3, v4  }
0x2c0: {  	v4 =	vperm.xlane v3, v0;
	_ =	sdelay $0x1  }
0x2c1: {  	v3 =	vperm.xlane v3, v2;
	v4 =	vadd.s32 v1, v4;
	_ =	sdelay $0x1  }
0x2c2: {  	v3 =	vadd.s32 v1, v3;
	_ =	sdelay $0x1  }
0x2c3: {  	s3 =	simm.s32 $0xD600  }
0x2c4: {  	[tilespmem:s3], [sflag:$0x2] =	stream.indirect_vreg.gather [hbm4b:s1+s8], $0x80, v4, vm0, $0xb8;
	[tilespmem:$0x18600] =	vst v63  }
0x2c5: {  	s28 =	simm.s32 $0xF600  }
0x2c6: {  	[tilespmem:s28], [sflag:$0x2] =	stream.indirect_vreg.gather [hbm4b:s1+s8], $0x80, v3, vm0, $0xb8;
	[tilespmem:$0x18600] =	vst v63  }
0x2c7: {  	v3 =	vld [tilespmem:s13+$0xFFFFFFE0];
	_ =	sdelay $0x4  }
0x2c8: {  	v47 =	vshll.u32 v3, $0x1  }
0x2c9: {  	v3 =	vand.u32 $0x7, v3;
	v4 =	vand.u32 $0xFFFFFFF0, v47  }
0x2ca: {  	v3 =	vor.u32 v3, v4  }
0x2cb: {  	v4 =	vperm.xlane v3, v0;
	_ =	sdelay $0x1  }
0x2cc: {  	v3 =	vperm.xlane v3, v2;
	v4 =	vadd.s32 v1, v4;
	_ =	sdelay $0x1  }
0x2cd: {  	v3 =	vadd.s32 v1, v3;
	_ =	sdelay $0x1  }
0x2ce: {  	s2 =	simm.s32 $0xDE00  }
0x2cf: {  	[tilespmem:s2], [sflag:$0x2] =	stream.indirect_vreg.gather [hbm4b:s0+s8], $0x80, v4, vm0, $0xb8;
	[tilespmem:$0x18600] =	vst v63  }
0x2d0: {  	s10 =	simm.s32 $0x1;
	s16 =	simm.s32 $0xFE00  }
0x2d1: {  	[tilespmem:s16], [sflag:$0x2] =	stream.indirect_vreg.gather [hbm4b:s0+s8], $0x80, v3, vm0, $0xb8;
	[tilespmem:$0x18600] =	vst v63  }
0x2d2: {  	_ =	swait.ge [sflag:s10], $0x4000  }
0x2d3: {  	[sflag:s10] =	ssyncset.done $0x0  }
0x2d4: {  	[sflag:s10] =	ssyncadd.s32 $0xFFFFC000  }
0x2d5: {  	_ =	swait.ge [sflag:s10], $0x4000  }
0x2d6: {  	[sflag:s10] =	ssyncset.done $0x0  }
0x2d7: {  	s21 =	sadd.s32 $0x3000, s22;
	s25 =	simm.s32 $0x600;
	[sflag:s10] =	ssyncadd.s32 $0xFFFFC000  }
0x2d8: {  	[hbm4b:s21+s23] =	stream.strided.scatter [tilespmem:s25], [sflag:$0x4], $0x400, s9, s23, $0x38;
	[tilespmem:$0x18600] =	vst v63  }
0x2d9: {  	s21 =	sadd.s32 $0x3020, s22;
	s25 =	simm.s32 $0xA00  }
0x2da: {  	[hbm4b:s21+s23] =	stream.strided.scatter [tilespmem:s25], [sflag:$0x4], $0x400, s9, s23, $0x38;
	[tilespmem:$0x18600] =	vst v63  }
0x2db: {  	s21 =	sadd.s32 $0x3040, s22;
	s25 =	simm.s32 $0xE00  }
0x2dc: {  	[hbm4b:s21+s23] =	stream.strided.scatter [tilespmem:s25], [sflag:$0x4], $0x400, s9, s23, $0x38;
	[tilespmem:$0x18600] =	vst v63  }
0x2dd: {  	s21 =	sadd.s32 $0x3060, s22;
	s25 =	simm.s32 $0x1200  }
0x2de: {  	[hbm4b:s21+s23] =	stream.strided.scatter [tilespmem:s25], [sflag:$0x4], $0x400, s9, s23, $0x38;
	[tilespmem:$0x18600] =	vst v63  }
0x2df: {  	s21 =	sadd.s32 $0x3080, s22;
	s25 =	simm.s32 $0x1600  }
0x2e0: {  	[hbm4b:s21+s23] =	stream.strided.scatter [tilespmem:s25], [sflag:$0x4], $0x400, s9, s23, $0x38;
	[tilespmem:$0x18600] =	vst v63  }
0x2e1: {  	s21 =	sadd.s32 $0x30A0, s22;
	s25 =	simm.s32 $0x1A00  }
0x2e2: {  	[hbm4b:s21+s23] =	stream.strided.scatter [tilespmem:s25], [sflag:$0x4], $0x400, s9, s23, $0x38;
	[tilespmem:$0x18600] =	vst v63  }
0x2e3: {  	s21 =	sadd.s32 $0x30C0, s22;
	s25 =	simm.s32 $0x1E00  }
0x2e4: {  	[hbm4b:s21+s23] =	stream.strided.scatter [tilespmem:s25], [sflag:$0x4], $0x400, s9, s23, $0x38;
	[tilespmem:$0x18600] =	vst v63  }
0x2e5: {  	s21 =	sadd.s32 $0x30E0, s22;
	s25 =	simm.s32 $0x2200  }
0x2e6: {  	[hbm4b:s21+s23] =	stream.strided.scatter [tilespmem:s25], [sflag:$0x4], $0x400, s9, s23, $0x38;
	[tilespmem:$0x18600] =	vst v63  }
0x2e7: {  	s10 =	simm.s32 $0x2600;
	s21 =	sadd.s32 $0x3800, s22  }
0x2e8: {  	[hbm4b:s21+s23] =	stream.strided.scatter [tilespmem:s10], [sflag:$0x4], $0x400, s9, s23, $0x38;
	[tilespmem:$0x18600] =	vst v63  }
0x2e9: {  	s25 =	sadd.s32 $0x3820, s22;
	s21 =	simm.s32 $0x2A00  }
0x2ea: {  	[hbm4b:s25+s23] =	stream.strided.scatter [tilespmem:s21], [sflag:$0x4], $0x400, s9, s23, $0x38;
	[tilespmem:$0x18600] =	vst v63  }
0x2eb: {  	s21 =	sadd.s32 $0x3840, s22;
	s25 =	simm.s32 $0x2E00  }
0x2ec: {  	[hbm4b:s21+s23] =	stream.strided.scatter [tilespmem:s25], [sflag:$0x4], $0x400, s9, s23, $0x38;
	[tilespmem:$0x18600] =	vst v63  }
0x2ed: {  	s19 =	sadd.s32 $0x3860, s22;
	s21 =	simm.s32 $0x3200  }
0x2ee: {  	[hbm4b:s19+s23] =	stream.strided.scatter [tilespmem:s21], [sflag:$0x4], $0x400, s9, s23, $0x38;
	[tilespmem:$0x18600] =	vst v63  }
0x2ef: {  	s19 =	sadd.s32 $0x3880, s22;
	s21 =	simm.s32 $0x3600  }
0x2f0: {  	[hbm4b:s19+s23] =	stream.strided.scatter [tilespmem:s21], [sflag:$0x4], $0x400, s9, s23, $0x38;
	[tilespmem:$0x18600] =	vst v63  }
0x2f1: {  	s19 =	sadd.s32 $0x38A0, s22;
	s21 =	simm.s32 $0x3A00  }
0x2f2: {  	[hbm4b:s19+s23] =	stream.strided.scatter [tilespmem:s21], [sflag:$0x4], $0x400, s9, s23, $0x38;
	[tilespmem:$0x18600] =	vst v63  }
0x2f3: {  	s19 =	sadd.s32 $0x38C0, s22;
	s21 =	simm.s32 $0x3E00  }
0x2f4: {  	[hbm4b:s19+s23] =	stream.strided.scatter [tilespmem:s21], [sflag:$0x4], $0x400, s9, s23, $0x38;
	[tilespmem:$0x18600] =	vst v63  }
0x2f5: {  	s19 =	sadd.s32 $0x38E0, s22;
	s21 =	simm.s32 $0x4200  }
0x2f6: {  	[hbm4b:s19+s23] =	stream.strided.scatter [tilespmem:s21], [sflag:$0x4], $0x400, s9, s23, $0x38;
	[tilespmem:$0x18600] =	vst v63  }
0x2f7: {  	s19 =	sadd.s32 $0x3010, s22;
	s21 =	simm.s32 $0x4600  }
0x2f8: {  	[hbm4b:s19+s23] =	stream.strided.scatter [tilespmem:s21], [sflag:$0x4], $0x400, s9, s23, $0x38;
	[tilespmem:$0x18600] =	vst v63  }
0x2f9: {  	s19 =	sadd.s32 $0x3030, s22;
	s21 =	simm.s32 $0x4A00  }
0x2fa: {  	[hbm4b:s19+s23] =	stream.strided.scatter [tilespmem:s21], [sflag:$0x4], $0x400, s9, s23, $0x38;
	[tilespmem:$0x18600] =	vst v63  }
0x2fb: {  	s19 =	sadd.s32 $0x3050, s22;
	s21 =	simm.s32 $0x4E00  }
0x2fc: {  	[hbm4b:s19+s23] =	stream.strided.scatter [tilespmem:s21], [sflag:$0x4], $0x400, s9, s23, $0x38;
	[tilespmem:$0x18600] =	vst v63  }
0x2fd: {  	s19 =	sadd.s32 $0x3070, s22;
	s21 =	simm.s32 $0x5200  }
0x2fe: {  	[hbm4b:s19+s23] =	stream.strided.scatter [tilespmem:s21], [sflag:$0x4], $0x400, s9, s23, $0x38;
	[tilespmem:$0x18600] =	vst v63  }
0x2ff: {  	s19 =	sadd.s32 $0x3090, s22;
	s21 =	simm.s32 $0x5600  }
0x300: {  	[hbm4b:s19+s23] =	stream.strided.scatter [tilespmem:s21], [sflag:$0x4], $0x400, s9, s23, $0x38;
	[tilespmem:$0x18600] =	vst v63  }
0x301: {  	s19 =	sadd.s32 $0x30B0, s22;
	s21 =	simm.s32 $0x5A00  }
0x302: {  	[hbm4b:s19+s23] =	stream.strided.scatter [tilespmem:s21], [sflag:$0x4], $0x400, s9, s23, $0x38;
	[tilespmem:$0x18600] =	vst v63  }
0x303: {  	s19 =	sadd.s32 $0x30D0, s22;
	s21 =	simm.s32 $0x5E00  }
0x304: {  	[hbm4b:s19+s23] =	stream.strided.scatter [tilespmem:s21], [sflag:$0x4], $0x400, s9, s23, $0x38;
	[tilespmem:$0x18600] =	vst v63  }
0x305: {  	s19 =	sadd.s32 $0x30F0, s22;
	s21 =	simm.s32 $0x6200  }
0x306: {  	[hbm4b:s19+s23] =	stream.strided.scatter [tilespmem:s21], [sflag:$0x4], $0x400, s9, s23, $0x38;
	[tilespmem:$0x18600] =	vst v63  }
0x307: {  	s19 =	sadd.s32 $0x3810, s22;
	s21 =	simm.s32 $0x6600  }
0x308: {  	[hbm4b:s19+s23] =	stream.strided.scatter [tilespmem:s21], [sflag:$0x4], $0x400, s9, s23, $0x38;
	[tilespmem:$0x18600] =	vst v63  }
0x309: {  	s31 =	simm.s32 $0x6A00;
	s19 =	sadd.s32 $0x3830, s22  }
0x30a: {  	[hbm4b:s19+s23] =	stream.strided.scatter [tilespmem:s31], [sflag:$0x4], $0x400, s9, s23, $0x38;
	[tilespmem:$0x18600] =	vst v63  }
0x30b: {  	s19 =	sadd.s32 $0x3850, s22;
	s31 =	simm.s32 $0x6E00  }
0x30c: {  	[hbm4b:s19+s23] =	stream.strided.scatter [tilespmem:s31], [sflag:$0x4], $0x400, s9, s23, $0x38;
	[tilespmem:$0x18600] =	vst v63  }
0x30d: {  	s19 =	sadd.s32 $0x3870, s22;
	s31 =	simm.s32 $0x7200  }
0x30e: {  	[hbm4b:s19+s23] =	stream.strided.scatter [tilespmem:s31], [sflag:$0x4], $0x400, s9, s23, $0x38;
	[tilespmem:$0x18600] =	vst v63  }
0x30f: {  	s19 =	sadd.s32 $0x3890, s22;
	s31 =	simm.s32 $0x7600  }
0x310: {  	[hbm4b:s19+s23] =	stream.strided.scatter [tilespmem:s31], [sflag:$0x4], $0x400, s9, s23, $0x38;
	[tilespmem:$0x18600] =	vst v63  }
0x311: {  	s19 =	sadd.s32 $0x38B0, s22;
	s31 =	simm.s32 $0x7A00  }
0x312: {  	[hbm4b:s19+s23] =	stream.strided.scatter [tilespmem:s31], [sflag:$0x4], $0x400, s9, s23, $0x38;
	[tilespmem:$0x18600] =	vst v63  }
0x313: {  	s19 =	sadd.s32 $0x38D0, s22;
	s31 =	simm.s32 $0x7E00  }
0x314: {  	[hbm4b:s19+s23] =	stream.strided.scatter [tilespmem:s31], [sflag:$0x4], $0x400, s9, s23, $0x38;
	[tilespmem:$0x18600] =	vst v63  }
0x315: {  	s19 =	sadd.s32 $0x38F0, s22;
	s31 =	simm.s32 $0x8200  }
0x316: {  	[hbm4b:s19+s23] =	stream.strided.scatter [tilespmem:s31], [sflag:$0x4], $0x400, s9, s23, $0x38;
	[tilespmem:$0x18600] =	vst v63  }
0x317: {  	s19 =	simm.s32 $0x6  }
0x318: {  	_ =	swait.ge [sflag:s19], $0x4000  }
0x319: {  	[sflag:s19] =	ssyncset.done $0x0  }
0x31a: {  	[sflag:s19] =	ssyncadd.s32 $0xFFFFC000  }
0x31b: {  	_ =	swait.ge [sflag:s19], $0x4000  }
0x31c: {  	[sflag:s19] =	ssyncset.done $0x0  }
0x31d: {  	[sflag:s19] =	ssyncadd.s32 $0xFFFFC000  }
0x31e: {  	v3 =	vld [tilespmem:s11+$0xFFFFFFF0];
	_ =	sdelay $0x4  }
0x31f: {  	v48 =	vshll.u32 v3, $0x1  }
0x320: {  	v3 =	vand.u32 $0x7, v3;
	v4 =	vand.u32 $0xFFFFFFF0, v48  }
0x321: {  	v3 =	vor.u32 v3, v4  }
0x322: {  	v4 =	vperm.xlane v3, v0;
	_ =	sdelay $0x1  }
0x323: {  	v3 =	vperm.xlane v3, v2;
	v4 =	vadd.s32 v1, v4;
	_ =	sdelay $0x1  }
0x324: {  	v3 =	vadd.s32 v1, v3;
	_ =	sdelay $0x1  }
0x325: {  	s19 =	simm.s32 $0x10600  }
0x326: {  	[tilespmem:s19], [sflag:$0x3] =	stream.indirect_vreg.gather [hbm4b:s4+s8], $0x80, v4, vm0, $0xb8;
	[tilespmem:$0x18600] =	vst v63  }
0x327: {  	_ = 	snop  }
0x328: {  	[tilespmem:s12], [sflag:$0x3] =	stream.indirect_vreg.gather [hbm4b:s4+s8], $0x80, v3, vm0, $0xb8;
	[tilespmem:$0x18600] =	vst v63  }
0x329: {  	v3 =	vld [tilespmem:s11+$0xFFFFFFF0];
	_ =	sdelay $0x4  }
0x32a: {  	v49 =	vshll.u32 v3, $0x1  }
0x32b: {  	v3 =	vand.u32 $0x7, v3;
	v4 =	vand.u32 $0xFFFFFFF0, v49  }
0x32c: {  	v3 =	vor.u32 v3, v4  }
0x32d: {  	v4 =	vperm.xlane v3, v0;
	_ =	sdelay $0x1  }
0x32e: {  	v3 =	vperm.xlane v3, v2;
	v4 =	vadd.s32 v1, v4;
	_ =	sdelay $0x1  }
0x32f: {  	v3 =	vadd.s32 v1, v3;
	_ =	sdelay $0x1  }
0x330: {  	s19 =	simm.s32 $0x10E00  }
0x331: {  	[tilespmem:s19], [sflag:$0x3] =	stream.indirect_vreg.gather [hbm4b:s5+s8], $0x80, v4, vm0, $0xb8;
	[tilespmem:$0x18600] =	vst v63  }
0x332: {  	_ = 	snop  }
0x333: {  	[tilespmem:s20], [sflag:$0x3] =	stream.indirect_vreg.gather [hbm4b:s5+s8], $0x80, v3, vm0, $0xb8;
	[tilespmem:$0x18600] =	vst v63  }
0x334: {  	v3 =	vld [tilespmem:s11+$0xFFFFFFF0];
	_ =	sdelay $0x4  }
0x335: {  	v50 =	vshll.u32 v3, $0x1  }
0x336: {  	v3 =	vand.u32 $0x7, v3;
	v4 =	vand.u32 $0xFFFFFFF0, v50  }
0x337: {  	v3 =	vor.u32 v3, v4  }
0x338: {  	v4 =	vperm.xlane v3, v0;
	_ =	sdelay $0x1  }
0x339: {  	v3 =	vperm.xlane v3, v2;
	v4 =	vadd.s32 v1, v4;
	_ =	sdelay $0x1  }
0x33a: {  	v3 =	vadd.s32 v1, v3;
	_ =	sdelay $0x1  }
0x33b: {  	s19 =	simm.s32 $0x11600  }
0x33c: {  	[tilespmem:s19], [sflag:$0x3] =	stream.indirect_vreg.gather [hbm4b:s1+s8], $0x80, v4, vm0, $0xb8;
	[tilespmem:$0x18600] =	vst v63  }
0x33d: {  	s20 =	simm.s32 $0x13600  }
0x33e: {  	[tilespmem:s20], [sflag:$0x3] =	stream.indirect_vreg.gather [hbm4b:s1+s8], $0x80, v3, vm0, $0xb8;
	[tilespmem:$0x18600] =	vst v63  }
0x33f: {  	v3 =	vld [tilespmem:s11+$0xFFFFFFF0];
	_ =	sdelay $0x4  }
0x340: {  	v51 =	vshll.u32 v3, $0x1  }
0x341: {  	v3 =	vand.u32 $0x7, v3;
	v4 =	vand.u32 $0xFFFFFFF0, v51  }
0x342: {  	v3 =	vor.u32 v3, v4  }
0x343: {  	v4 =	vperm.xlane v3, v0;
	_ =	sdelay $0x1  }
0x344: {  	v3 =	vperm.xlane v3, v2;
	v4 =	vadd.s32 v1, v4;
	_ =	sdelay $0x1  }
0x345: {  	v3 =	vadd.s32 v1, v3;
	_ =	sdelay $0x1  }
0x346: {  	s19 =	simm.s32 $0x11E00  }
0x347: {  	[tilespmem:s19], [sflag:$0x3] =	stream.indirect_vreg.gather [hbm4b:s0+s8], $0x80, v4, vm0, $0xb8;
	[tilespmem:$0x18600] =	vst v63  }
0x348: {  	s20 =	simm.s32 $0x13E00  }
0x349: {  	[tilespmem:s20], [sflag:$0x3] =	stream.indirect_vreg.gather [hbm4b:s0+s8], $0x80, v3, vm0, $0xb8;
	[tilespmem:$0x18600] =	vst v63  }
0x34a: {  	v3 =	vld [tilespmem:s17+$0xFFFFFFF0];
	_ =	sdelay $0x4  }
0x34b: {  	v52 =	vshll.u32 v3, $0x1  }
0x34c: {  	v3 =	vand.u32 $0x7, v3;
	v4 =	vand.u32 $0xFFFFFFF0, v52  }
0x34d: {  	v3 =	vor.u32 v3, v4  }
0x34e: {  	v4 =	vperm.xlane v3, v0;
	_ =	sdelay $0x1  }
0x34f: {  	v3 =	vperm.xlane v3, v2;
	v4 =	vadd.s32 v1, v4;
	_ =	sdelay $0x1  }
0x350: {  	v3 =	vadd.s32 v1, v3;
	_ =	sdelay $0x1  }
0x351: {  	s19 =	simm.s32 $0x14600  }
0x352: {  	[tilespmem:s19], [sflag:$0x3] =	stream.indirect_vreg.gather [hbm4b:s6+s8], $0x80, v4, vm0, $0xb8;
	[tilespmem:$0x18600] =	vst v63  }
0x353: {  	_ = 	snop  }
0x354: {  	[tilespmem:s29], [sflag:$0x3] =	stream.indirect_vreg.gather [hbm4b:s6+s8], $0x80, v3, vm0, $0xb8;
	[tilespmem:$0x18600] =	vst v63  }
0x355: {  	v3 =	vld [tilespmem:s17+$0xFFFFFFF0];
	_ =	sdelay $0x4  }
0x356: {  	v53 =	vshll.u32 v3, $0x1  }
0x357: {  	v3 =	vand.u32 $0x7, v3;
	v4 =	vand.u32 $0xFFFFFFF0, v53  }
0x358: {  	v3 =	vor.u32 v3, v4  }
0x359: {  	v4 =	vperm.xlane v3, v0;
	_ =	sdelay $0x1  }
0x35a: {  	v3 =	vperm.xlane v3, v2;
	v4 =	vadd.s32 v1, v4;
	_ =	sdelay $0x1  }
0x35b: {  	v3 =	vadd.s32 v1, v3;
	_ =	sdelay $0x1  }
0x35c: {  	s20 =	simm.s32 $0x14E00  }
0x35d: {  	[tilespmem:s20], [sflag:$0x3] =	stream.indirect_vreg.gather [hbm4b:s7+s8], $0x80, v4, vm0, $0xb8;
	[tilespmem:$0x18600] =	vst v63  }
0x35e: {  	s19 =	simm.s32 $0x16E00  }
0x35f: {  	[tilespmem:s19], [sflag:$0x3] =	stream.indirect_vreg.gather [hbm4b:s7+s8], $0x80, v3, vm0, $0xb8;
	[tilespmem:$0x18600] =	vst v63  }
0x360: {  	v3 =	vld [tilespmem:s13+$0xFFFFFFF0];
	_ =	sdelay $0x4  }
0x361: {  	v54 =	vshll.u32 v3, $0x1  }
0x362: {  	v3 =	vand.u32 $0x7, v3;
	v4 =	vand.u32 $0xFFFFFFF0, v54  }
0x363: {  	v3 =	vor.u32 v3, v4  }
0x364: {  	v4 =	vperm.xlane v3, v0;
	_ =	sdelay $0x1  }
0x365: {  	v3 =	vperm.xlane v3, v2;
	v4 =	vadd.s32 v1, v4;
	_ =	sdelay $0x1  }
0x366: {  	v3 =	vadd.s32 v1, v3;
	_ =	sdelay $0x1  }
0x367: {  	s20 =	simm.s32 $0x15600  }
0x368: {  	[tilespmem:s20], [sflag:$0x3] =	stream.indirect_vreg.gather [hbm4b:s1+s8], $0x80, v4, vm0, $0xb8;
	[tilespmem:$0x18600] =	vst v63  }
0x369: {  	s19 =	simm.s32 $0x17600  }
0x36a: {  	[tilespmem:s19], [sflag:$0x3] =	stream.indirect_vreg.gather [hbm4b:s1+s8], $0x80, v3, vm0, $0xb8;
	[tilespmem:$0x18600] =	vst v63  }
0x36b: {  	v3 =	vld [tilespmem:s13+$0xFFFFFFF0];
	_ =	sdelay $0x4  }
0x36c: {  	v55 =	vshll.u32 v3, $0x1  }
0x36d: {  	v3 =	vand.u32 $0x7, v3;
	v4 =	vand.u32 $0xFFFFFFF0, v55  }
0x36e: {  	v3 =	vor.u32 v3, v4  }
0x36f: {  	v4 =	vperm.xlane v3, v0;
	_ =	sdelay $0x1  }
0x370: {  	v3 =	vperm.xlane v3, v2;
	v4 =	vadd.s32 v1, v4;
	_ =	sdelay $0x1  }
0x371: {  	v3 =	vadd.s32 v1, v3;
	_ =	sdelay $0x1  }
0x372: {  	s20 =	simm.s32 $0x15E00  }
0x373: {  	[tilespmem:s20], [sflag:$0x3] =	stream.indirect_vreg.gather [hbm4b:s0+s8], $0x80, v4, vm0, $0xb8;
	[tilespmem:$0x18600] =	vst v63  }
0x374: {  	s19 =	simm.s32 $0x17E00;
	s20 =	simm.s32 $0x2  }
0x375: {  	[tilespmem:s19], [sflag:$0x3] =	stream.indirect_vreg.gather [hbm4b:s0+s8], $0x80, v3, vm0, $0xb8;
	[tilespmem:$0x18600] =	vst v63  }
0x376: {  	_ =	swait.ge [sflag:s20], $0x4000  }
0x377: {  	[sflag:s20] =	ssyncset.done $0x0  }
0x378: {  	[sflag:s20] =	ssyncadd.s32 $0xFFFFC000  }
0x379: {  	_ =	swait.ge [sflag:s20], $0x4000  }
0x37a: {  	[sflag:s20] =	ssyncset.done $0x0  }
0x37b: {  	s12 =	sadd.s32 $0x4000, s22;
	[sflag:s20] =	ssyncadd.s32 $0xFFFFC000;
	s20 =	simm.s32 $0x8600  }
0x37c: {  	[hbm4b:s12+s23] =	stream.strided.scatter [tilespmem:s20], [sflag:$0x5], $0x400, s9, s23, $0x38;
	[tilespmem:$0x18600] =	vst v63  }
0x37d: {  	s12 =	sadd.s32 $0x4020, s22;
	s20 =	simm.s32 $0x8A00  }
0x37e: {  	[hbm4b:s12+s23] =	stream.strided.scatter [tilespmem:s20], [sflag:$0x5], $0x400, s9, s23, $0x38;
	[tilespmem:$0x18600] =	vst v63  }
0x37f: {  	s12 =	sadd.s32 $0x4040, s22;
	s20 =	simm.s32 $0x8E00  }
0x380: {  	[hbm4b:s12+s23] =	stream.strided.scatter [tilespmem:s20], [sflag:$0x5], $0x400, s9, s23, $0x38;
	[tilespmem:$0x18600] =	vst v63  }
0x381: {  	s12 =	sadd.s32 $0x4060, s22;
	s20 =	simm.s32 $0x9200  }
0x382: {  	[hbm4b:s12+s23] =	stream.strided.scatter [tilespmem:s20], [sflag:$0x5], $0x400, s9, s23, $0x38;
	[tilespmem:$0x18600] =	vst v63  }
0x383: {  	s20 =	sadd.s32 $0x4080, s22  }
0x384: {  	[hbm4b:s20+s23] =	stream.strided.scatter [tilespmem:s24], [sflag:$0x5], $0x400, s9, s23, $0x38;
	[tilespmem:$0x18600] =	vst v63  }
0x385: {  	s12 =	sadd.s32 $0x40A0, s22;
	s20 =	simm.s32 $0x9A00  }
0x386: {  	[hbm4b:s12+s23] =	stream.strided.scatter [tilespmem:s20], [sflag:$0x5], $0x400, s9, s23, $0x38;
	[tilespmem:$0x18600] =	vst v63  }
0x387: {  	s24 =	sadd.s32 $0x40C0, s22  }
0x388: {  	[hbm4b:s24+s23] =	stream.strided.scatter [tilespmem:s14], [sflag:$0x5], $0x400, s9, s23, $0x38;
	[tilespmem:$0x18600] =	vst v63  }
0x389: {  	s12 =	sadd.s32 $0x40E0, s22;
	s14 =	simm.s32 $0xA200  }
0x38a: {  	[hbm4b:s12+s23] =	stream.strided.scatter [tilespmem:s14], [sflag:$0x5], $0x400, s9, s23, $0x38;
	[tilespmem:$0x18600] =	vst v63  }
0x38b: {  	s20 =	sadd.s32 $0x4800, s22;
	s24 =	simm.s32 $0xA600  }
0x38c: {  	[hbm4b:s20+s23] =	stream.strided.scatter [tilespmem:s24], [sflag:$0x5], $0x400, s9, s23, $0x38;
	[tilespmem:$0x18600] =	vst v63  }
0x38d: {  	s12 =	sadd.s32 $0x4820, s22;
	s14 =	simm.s32 $0xAA00  }
0x38e: {  	[hbm4b:s12+s23] =	stream.strided.scatter [tilespmem:s14], [sflag:$0x5], $0x400, s9, s23, $0x38;
	[tilespmem:$0x18600] =	vst v63  }
0x38f: {  	s20 =	sadd.s32 $0x4840, s22;
	s24 =	simm.s32 $0xAE00  }
0x390: {  	[hbm4b:s20+s23] =	stream.strided.scatter [tilespmem:s24], [sflag:$0x5], $0x400, s9, s23, $0x38;
	[tilespmem:$0x18600] =	vst v63  }
0x391: {  	s12 =	sadd.s32 $0x4860, s22;
	s14 =	simm.s32 $0xB200  }
0x392: {  	[hbm4b:s12+s23] =	stream.strided.scatter [tilespmem:s14], [sflag:$0x5], $0x400, s9, s23, $0x38;
	[tilespmem:$0x18600] =	vst v63  }
0x393: {  	s20 =	sadd.s32 $0x4880, s22;
	s24 =	simm.s32 $0xB600  }
0x394: {  	[hbm4b:s20+s23] =	stream.strided.scatter [tilespmem:s24], [sflag:$0x5], $0x400, s9, s23, $0x38;
	[tilespmem:$0x18600] =	vst v63  }
0x395: {  	s12 =	sadd.s32 $0x48A0, s22;
	s14 =	simm.s32 $0xBA00  }
0x396: {  	[hbm4b:s12+s23] =	stream.strided.scatter [tilespmem:s14], [sflag:$0x5], $0x400, s9, s23, $0x38;
	[tilespmem:$0x18600] =	vst v63  }
0x397: {  	s20 =	sadd.s32 $0x48C0, s22;
	s24 =	simm.s32 $0xBE00  }
0x398: {  	[hbm4b:s20+s23] =	stream.strided.scatter [tilespmem:s24], [sflag:$0x5], $0x400, s9, s23, $0x38;
	[tilespmem:$0x18600] =	vst v63  }
0x399: {  	s14 =	sadd.s32 $0x48E0, s22;
	s20 =	simm.s32 $0xC200  }
0x39a: {  	[hbm4b:s14+s23] =	stream.strided.scatter [tilespmem:s20], [sflag:$0x5], $0x400, s9, s23, $0x38;
	[tilespmem:$0x18600] =	vst v63  }
0x39b: {  	s24 =	sadd.s32 $0x4010, s22  }
0x39c: {  	[hbm4b:s24+s23] =	stream.strided.scatter [tilespmem:s26], [sflag:$0x5], $0x400, s9, s23, $0x38;
	[tilespmem:$0x18600] =	vst v63  }
0x39d: {  	s12 =	sadd.s32 $0x4030, s22;
	s14 =	simm.s32 $0xCA00  }
0x39e: {  	[hbm4b:s12+s23] =	stream.strided.scatter [tilespmem:s14], [sflag:$0x5], $0x400, s9, s23, $0x38;
	[tilespmem:$0x18600] =	vst v63  }
0x39f: {  	s20 =	sadd.s32 $0x4050, s22  }
0x3a0: {  	[hbm4b:s20+s23] =	stream.strided.scatter [tilespmem:s15], [sflag:$0x5], $0x400, s9, s23, $0x38;
	[tilespmem:$0x18600] =	vst v63  }
0x3a1: {  	s24 =	sadd.s32 $0x4070, s22;
	s26 =	simm.s32 $0xD200  }
0x3a2: {  	[hbm4b:s24+s23] =	stream.strided.scatter [tilespmem:s26], [sflag:$0x5], $0x400, s9, s23, $0x38;
	[tilespmem:$0x18600] =	vst v63  }
0x3a3: {  	s12 =	sadd.s32 $0x4090, s22  }
0x3a4: {  	[hbm4b:s12+s23] =	stream.strided.scatter [tilespmem:s3], [sflag:$0x5], $0x400, s9, s23, $0x38;
	[tilespmem:$0x18600] =	vst v63  }
0x3a5: {  	s14 =	sadd.s32 $0x40B0, s22;
	s15 =	simm.s32 $0xDA00  }
0x3a6: {  	[hbm4b:s14+s23] =	stream.strided.scatter [tilespmem:s15], [sflag:$0x5], $0x400, s9, s23, $0x38;
	[tilespmem:$0x18600] =	vst v63  }
0x3a7: {  	s20 =	sadd.s32 $0x40D0, s22  }
0x3a8: {  	[hbm4b:s20+s23] =	stream.strided.scatter [tilespmem:s2], [sflag:$0x5], $0x400, s9, s23, $0x38;
	[tilespmem:$0x18600] =	vst v63  }
0x3a9: {  	s24 =	sadd.s32 $0x40F0, s22;
	s26 =	simm.s32 $0xE200  }
0x3aa: {  	[hbm4b:s24+s23] =	stream.strided.scatter [tilespmem:s26], [sflag:$0x5], $0x400, s9, s23, $0x38;
	[tilespmem:$0x18600] =	vst v63  }
0x3ab: {  	s3 =	simm.s32 $0xE600;
	s2 =	sadd.s32 $0x4810, s22  }
0x3ac: {  	[hbm4b:s2+s23] =	stream.strided.scatter [tilespmem:s3], [sflag:$0x5], $0x400, s9, s23, $0x38;
	[tilespmem:$0x18600] =	vst v63  }
0x3ad: {  	s12 =	sadd.s32 $0x4830, s22;
	s14 =	simm.s32 $0xEA00  }
0x3ae: {  	[hbm4b:s12+s23] =	stream.strided.scatter [tilespmem:s14], [sflag:$0x5], $0x400, s9, s23, $0x38;
	[tilespmem:$0x18600] =	vst v63  }
0x3af: {  	s15 =	sadd.s32 $0x4850, s22;
	s20 =	simm.s32 $0xEE00  }
0x3b0: {  	[hbm4b:s15+s23] =	stream.strided.scatter [tilespmem:s20], [sflag:$0x5], $0x400, s9, s23, $0x38;
	[tilespmem:$0x18600] =	vst v63  }
0x3b1: {  	s24 =	sadd.s32 $0x4870, s22;
	s26 =	simm.s32 $0xF200  }
0x3b2: {  	[hbm4b:s24+s23] =	stream.strided.scatter [tilespmem:s26], [sflag:$0x5], $0x400, s9, s23, $0x38;
	[tilespmem:$0x18600] =	vst v63  }
0x3b3: {  	s2 =	sadd.s32 $0x4890, s22  }
0x3b4: {  	[hbm4b:s2+s23] =	stream.strided.scatter [tilespmem:s28], [sflag:$0x5], $0x400, s9, s23, $0x38;
	[tilespmem:$0x18600] =	vst v63  }
0x3b5: {  	s3 =	sadd.s32 $0x48B0, s22;
	s12 =	simm.s32 $0xFA00  }
0x3b6: {  	[hbm4b:s3+s23] =	stream.strided.scatter [tilespmem:s12], [sflag:$0x5], $0x400, s9, s23, $0x38;
	[tilespmem:$0x18600] =	vst v63  }
0x3b7: {  	s14 =	sadd.s32 $0x48D0, s22  }
0x3b8: {  	[hbm4b:s14+s23] =	stream.strided.scatter [tilespmem:s16], [sflag:$0x5], $0x400, s9, s23, $0x38;
	[tilespmem:$0x18600] =	vst v63  }
0x3b9: {  	s15 =	sadd.s32 $0x48F0, s22;
	s20 =	simm.s32 $0x4;
	s16 =	simm.s32 $0x10200  }
0x3ba: {  	[hbm4b:s15+s23] =	stream.strided.scatter [tilespmem:s16], [sflag:$0x5], $0x400, s9, s23, $0x38;
	[tilespmem:$0x18600] =	vst v63  }
0x3bb: {  	_ =	swait.ge [sflag:s20], $0x4000  }
0x3bc: {  	[sflag:s20] =	ssyncset.done $0x0  }
0x3bd: {  	[sflag:s20] =	ssyncadd.s32 $0xFFFFC000  }
0x3be: {  	_ =	swait.ge [sflag:s20], $0x4000  }
0x3bf: {  	[sflag:s20] =	ssyncset.done $0x0  }
0x3c0: {  	[sflag:s20] =	ssyncadd.s32 $0xFFFFC000  }
0x3c1: {  	v3 =	vld [tilespmem:s11+$0x0];
	_ =	sdelay $0x4  }
0x3c2: {  	v56 =	vshll.u32 v3, $0x1  }
0x3c3: {  	v3 =	vand.u32 $0x7, v3;
	v4 =	vand.u32 $0xFFFFFFF0, v56  }
0x3c4: {  	v3 =	vor.u32 v3, v4  }
0x3c5: {  	v4 =	vperm.xlane v3, v0;
	_ =	sdelay $0x1  }
0x3c6: {  	v3 =	vperm.xlane v3, v2;
	v4 =	vadd.s32 v1, v4;
	_ =	sdelay $0x1  }
0x3c7: {  	v3 =	vadd.s32 v1, v3;
	_ =	sdelay $0x1  }
0x3c8: {  	s22 =	simm.s32 $0x600  }
0x3c9: {  	[tilespmem:s22], [sflag:$0x1] =	stream.indirect_vreg.gather [hbm4b:s4+s8], $0x80, v4, vm0, $0xb8;
	[tilespmem:$0x18600] =	vst v63  }
0x3ca: {  	_ = 	snop  }
0x3cb: {  	[tilespmem:s10], [sflag:$0x1] =	stream.indirect_vreg.gather [hbm4b:s4+s8], $0x80, v3, vm0, $0xb8;
	[tilespmem:$0x18600] =	vst v63  }
0x3cc: {  	v3 =	vld [tilespmem:s11+$0x0];
	_ =	sdelay $0x4  }
0x3cd: {  	v57 =	vshll.u32 v3, $0x1  }
0x3ce: {  	v3 =	vand.u32 $0x7, v3;
	v4 =	vand.u32 $0xFFFFFFF0, v57  }
0x3cf: {  	v3 =	vor.u32 v3, v4  }
0x3d0: {  	v4 =	vperm.xlane v3, v0;
	_ =	sdelay $0x1  }
0x3d1: {  	v3 =	vperm.xlane v3, v2;
	v4 =	vadd.s32 v1, v4;
	_ =	sdelay $0x1  }
0x3d2: {  	v3 =	vadd.s32 v1, v3;
	_ =	sdelay $0x1  }
0x3d3: {  	s24 =	simm.s32 $0xE00  }
0x3d4: {  	[tilespmem:s24], [sflag:$0x1] =	stream.indirect_vreg.gather [hbm4b:s5+s8], $0x80, v4, vm0, $0xb8;
	[tilespmem:$0x18600] =	vst v63  }
0x3d5: {  	_ = 	snop  }
0x3d6: {  	[tilespmem:s25], [sflag:$0x1] =	stream.indirect_vreg.gather [hbm4b:s5+s8], $0x80, v3, vm0, $0xb8;
	[tilespmem:$0x18600] =	vst v63  }
0x3d7: {  	v3 =	vld [tilespmem:s11+$0x0];
	_ =	sdelay $0x4  }
0x3d8: {  	v58 =	vshll.u32 v3, $0x1  }
0x3d9: {  	v3 =	vand.u32 $0x7, v3;
	v4 =	vand.u32 $0xFFFFFFF0, v58  }
0x3da: {  	v3 =	vor.u32 v3, v4  }
0x3db: {  	v4 =	vperm.xlane v3, v0;
	_ =	sdelay $0x1  }
0x3dc: {  	v3 =	vperm.xlane v3, v2;
	v4 =	vadd.s32 v1, v4;
	_ =	sdelay $0x1  }
0x3dd: {  	v3 =	vadd.s32 v1, v3;
	_ =	sdelay $0x1  }
0x3de: {  	s25 =	simm.s32 $0x1600  }
0x3df: {  	[tilespmem:s25], [sflag:$0x1] =	stream.indirect_vreg.gather [hbm4b:s1+s8], $0x80, v4, vm0, $0xb8;
	[tilespmem:$0x18600] =	vst v63  }
0x3e0: {  	s26 =	simm.s32 $0x3600  }
0x3e1: {  	[tilespmem:s26], [sflag:$0x1] =	stream.indirect_vreg.gather [hbm4b:s1+s8], $0x80, v3, vm0, $0xb8;
	[tilespmem:$0x18600] =	vst v63  }
0x3e2: {  	v3 =	vld [tilespmem:s11+$0x0];
	_ =	sdelay $0x4  }
0x3e3: {  	v59 =	vshll.u32 v3, $0x1  }
0x3e4: {  	v3 =	vand.u32 $0x7, v3;
	v4 =	vand.u32 $0xFFFFFFF0, v59  }
0x3e5: {  	v3 =	vor.u32 v3, v4  }
0x3e6: {  	v4 =	vperm.xlane v3, v0;
	_ =	sdelay $0x1  }
0x3e7: {  	v3 =	vperm.xlane v3, v2;
	v4 =	vadd.s32 v1, v4;
	_ =	sdelay $0x1  }
0x3e8: {  	v3 =	vadd.s32 v1, v3;
	_ =	sdelay $0x1  }
0x3e9: {  	s3 =	simm.s32 $0x1E00  }
0x3ea: {  	[tilespmem:s3], [sflag:$0x1] =	stream.indirect_vreg.gather [hbm4b:s0+s8], $0x80, v4, vm0, $0xb8;
	[tilespmem:$0x18600] =	vst v63  }
0x3eb: {  	s4 =	simm.s32 $0x3E00  }
0x3ec: {  	[tilespmem:s4], [sflag:$0x1] =	stream.indirect_vreg.gather [hbm4b:s0+s8], $0x80, v3, vm0, $0xb8;
	[tilespmem:$0x18600] =	vst v63  }
0x3ed: {  	v3 =	vld [tilespmem:s17+$0x0];
	_ =	sdelay $0x4  }
0x3ee: {  	v60 =	vshll.u32 v3, $0x1  }
0x3ef: {  	v3 =	vand.u32 $0x7, v3;
	v4 =	vand.u32 $0xFFFFFFF0, v60  }
0x3f0: {  	v3 =	vor.u32 v3, v4  }
0x3f1: {  	v4 =	vperm.xlane v3, v0;
	_ =	sdelay $0x1  }
0x3f2: {  	v3 =	vperm.xlane v3, v2;
	v4 =	vadd.s32 v1, v4;
	_ =	sdelay $0x1  }
0x3f3: {  	v3 =	vadd.s32 v1, v3;
	_ =	sdelay $0x1  }
0x3f4: {  	s5 =	simm.s32 $0x4600  }
0x3f5: {  	[tilespmem:s5], [sflag:$0x1] =	stream.indirect_vreg.gather [hbm4b:s6+s8], $0x80, v4, vm0, $0xb8;
	[tilespmem:$0x18600] =	vst v63  }
0x3f6: {  	_ = 	snop  }
0x3f7: {  	[tilespmem:s21], [sflag:$0x1] =	stream.indirect_vreg.gather [hbm4b:s6+s8], $0x80, v3, vm0, $0xb8;
	[tilespmem:$0x18600] =	vst v63  }
0x3f8: {  	v3 =	vld [tilespmem:s17+$0x0];
	_ =	sdelay $0x4  }
0x3f9: {  	v61 =	vshll.u32 v3, $0x1  }
0x3fa: {  	v3 =	vand.u32 $0x7, v3;
	v4 =	vand.u32 $0xFFFFFFF0, v61  }
0x3fb: {  	v3 =	vor.u32 v3, v4  }
0x3fc: {  	v4 =	vperm.xlane v3, v0;
	_ =	sdelay $0x1  }
0x3fd: {  	v3 =	vperm.xlane v3, v2;
	v4 =	vadd.s32 v1, v4;
	_ =	sdelay $0x1  }
0x3fe: {  	v3 =	vadd.s32 v1, v3;
	_ =	sdelay $0x1  }
0x3ff: {  	s6 =	simm.s32 $0x4E00  }
0x400: {  	[tilespmem:s6], [sflag:$0x1] =	stream.indirect_vreg.gather [hbm4b:s7+s8], $0x80, v4, vm0, $0xb8;
	[tilespmem:$0x18600] =	vst v63  }
0x401: {  	s12 =	simm.s32 $0x6E00  }
0x402: {  	[tilespmem:s12], [sflag:$0x1] =	stream.indirect_vreg.gather [hbm4b:s7+s8], $0x80, v3, vm0, $0xb8;
	[tilespmem:$0x18600] =	vst v63  }
0x403: {  	v3 =	vld [tilespmem:s13+$0x0];
	_ =	sdelay $0x4  }
0x404: {  	v62 =	vshll.u32 v3, $0x1  }
0x405: {  	v3 =	vand.u32 $0x7, v3;
	v4 =	vand.u32 $0xFFFFFFF0, v62  }
0x406: {  	v3 =	vor.u32 v3, v4  }
0x407: {  	v4 =	vperm.xlane v3, v0;
	_ =	sdelay $0x1  }
0x408: {  	v3 =	vperm.xlane v3, v2;
	v4 =	vadd.s32 v1, v4;
	_ =	sdelay $0x1  }
0x409: {  	v3 =	vadd.s32 v1, v3;
	_ =	sdelay $0x1  }
0x40a: {  	s14 =	simm.s32 $0x5600  }
0x40b: {  	[tilespmem:s14], [sflag:$0x1] =	stream.indirect_vreg.gather [hbm4b:s1+s8], $0x80, v4, vm0, $0xb8;
	[tilespmem:$0x18600] =	vst v63  }
0x40c: {  	s15 =	simm.s32 $0x7600  }
0x40d: {  	[tilespmem:s15], [sflag:$0x1] =	stream.indirect_vreg.gather [hbm4b:s1+s8], $0x80, v3, vm0, $0xb8;
	[tilespmem:$0x18600] =	vst v63  }
0x40e: {  	v3 =	vld [tilespmem:s13+$0x0];
	_ =	sdelay $0x4  }
0x40f: {  	v63 =	vshll.u32 v3, $0x1  }
0x410: {  	v3 =	vand.u32 $0x7, v3;
	v4 =	vand.u32 $0xFFFFFFF0, v63  }
0x411: {  	v3 =	vor.u32 v3, v4  }
0x412: {  	p0 =	sne.s32 s18, $0x18000;
	s18 =	sadd.s32 $0x3000, s18;
	s31 =	simm.s32 $0x6600;
	v4 =	vperm.xlane v3, v0  }
0x413: {  	s29 =	simm.s32 $0x4600;
	s19 =	simm.s32 $0x600;
	s28 =	simm.s32 $0x3E00  }
0x414: {  	s16 =	simm.s32 $0x5E00;
	s20 =	simm.s32 $0x2600;
	s22 =	simm.s32 $0x2E00;
	v3 =	vperm.xlane v3, v2;
	v4 =	vadd.s32 v1, v4  }
0x415: {  	s10 =	simm.s32 $0xE00;
	s24 =	simm.s32 $0x1600;
	s25 =	simm.s32 $0x3600  }
0x416: {  	s26 =	simm.s32 $0x1E00;
	s11 =	sadd.s32 $0x30, s11;
	s3 =	simm.s32 $0x4E00;
	v3 =	vadd.s32 v1, v3  }
.Ltmp0:
0x417: {  	s4 =	simm.s32 $0x6E00;
	s5 =	simm.s32 $0x5600;
	(pc) =	sbr.rel @p0 .LBB2_2-.Ltmp0, $4  }
0x418: {  	s21 =	simm.s32 $0x7E00;
	s17 =	sadd.s32 $0x30, s17;
	s6 =	simm.s32 $0x7600  }
0x419: {  	[tilespmem:s16], [sflag:$0x1] =	stream.indirect_vreg.gather [hbm4b:s0+s8], $0x80, v4, vm0, $0xb8;
	[tilespmem:$0x18600] =	vst v63  }
0x41a: {  	s7 =	simm.s32 $0x5E00;
	s14 =	simm.s32 $0x7E00;
	s13 =	sadd.s32 $0x30, s13  }
0x41b: {  	[tilespmem:s21], [sflag:$0x1] =	stream.indirect_vreg.gather [hbm4b:s0+s8], $0x80, v3, vm0, $0xb8;
	[tilespmem:$0x18600] =	vst v63  }
0x41c: {  	_ =	swait.ge [sflag:s30], $0x4000  }
0x41d: {  	[sflag:s30] =	ssyncset.done $0x0  }
0x41e: {  	[sflag:s30] =	ssyncadd.s32 $0xFFFFC000  }
0x41f: {  	_ =	swait.ge [sflag:s30], $0x4000  }
0x420: {  	[sflag:s30] =	ssyncset.done $0x0  }
0x421: {  	s0 =	simm.s32 $0x10600;
	s13 =	rddreg [dreg:$0x11];
	[sflag:s30] =	ssyncadd.s32 $0xFFFFC000  }
0x422: {  	[hbm4b:s13+s23] =	stream.strided.scatter [tilespmem:s0], [sflag:$0x6], $0x400, s9, s23, $0x38;
	[tilespmem:$0x18600] =	vst v63  }
0x423: {  	s12 =	simm.s32 $0x10A00;
	s11 =	sadd.s32 $0x20, s13  }
0x424: {  	[hbm4b:s11+s23] =	stream.strided.scatter [tilespmem:s12], [sflag:$0x6], $0x400, s9, s23, $0x38;
	[tilespmem:$0x18600] =	vst v63  }
0x425: {  	s16 =	simm.s32 $0x10E00;
	s15 =	sadd.s32 $0x40, s13  }
0x426: {  	[hbm4b:s15+s23] =	stream.strided.scatter [tilespmem:s16], [sflag:$0x6], $0x400, s9, s23, $0x38;
	[tilespmem:$0x18600] =	vst v63  }
0x427: {  	s18 =	simm.s32 $0x11200;
	s17 =	sadd.s32 $0x60, s13  }
0x428: {  	[hbm4b:s17+s23] =	stream.strided.scatter [tilespmem:s18], [sflag:$0x6], $0x400, s9, s23, $0x38;
	[tilespmem:$0x18600] =	vst v63  }
0x429: {  	s21 =	sadd.s32 $0x80, s13;
	s30 =	simm.s32 $0x11600  }
0x42a: {  	[hbm4b:s21+s23] =	stream.strided.scatter [tilespmem:s30], [sflag:$0x6], $0x400, s9, s23, $0x38;
	[tilespmem:$0x18600] =	vst v63  }
0x42b: {  	s1 =	simm.s32 $0x11A00;
	s0 =	sadd.s32 $0xA0, s13  }
0x42c: {  	[hbm4b:s0+s23] =	stream.strided.scatter [tilespmem:s1], [sflag:$0x6], $0x400, s9, s23, $0x38;
	[tilespmem:$0x18600] =	vst v63  }
0x42d: {  	s2 =	sadd.s32 $0xC0, s13;
	s12 =	simm.s32 $0x11E00  }
0x42e: {  	[hbm4b:s2+s23] =	stream.strided.scatter [tilespmem:s12], [sflag:$0x6], $0x400, s9, s23, $0x38;
	[tilespmem:$0x18600] =	vst v63  }
0x42f: {  	s15 =	sadd.s32 $0xE0, s13;
	s16 =	simm.s32 $0x12200  }
0x430: {  	[hbm4b:s15+s23] =	stream.strided.scatter [tilespmem:s16], [sflag:$0x6], $0x400, s9, s23, $0x38;
	[tilespmem:$0x18600] =	vst v63  }
0x431: {  	s17 =	sadd.s32 $0x800, s13;
	s18 =	simm.s32 $0x12600  }
0x432: {  	[hbm4b:s17+s23] =	stream.strided.scatter [tilespmem:s18], [sflag:$0x6], $0x400, s9, s23, $0x38;
	[tilespmem:$0x18600] =	vst v63  }
0x433: {  	s21 =	sadd.s32 $0x820, s13;
	s30 =	simm.s32 $0x12A00  }
0x434: {  	[hbm4b:s21+s23] =	stream.strided.scatter [tilespmem:s30], [sflag:$0x6], $0x400, s9, s23, $0x38;
	[tilespmem:$0x18600] =	vst v63  }
0x435: {  	s0 =	sadd.s32 $0x840, s13;
	s1 =	simm.s32 $0x12E00  }
0x436: {  	[hbm4b:s0+s23] =	stream.strided.scatter [tilespmem:s1], [sflag:$0x6], $0x400, s9, s23, $0x38;
	[tilespmem:$0x18600] =	vst v63  }
0x437: {  	s2 =	sadd.s32 $0x860, s13;
	s12 =	simm.s32 $0x13200  }
0x438: {  	[hbm4b:s2+s23] =	stream.strided.scatter [tilespmem:s12], [sflag:$0x6], $0x400, s9, s23, $0x38;
	[tilespmem:$0x18600] =	vst v63  }
0x439: {  	s15 =	sadd.s32 $0x880, s13;
	s16 =	simm.s32 $0x13600  }
0x43a: {  	[hbm4b:s15+s23] =	stream.strided.scatter [tilespmem:s16], [sflag:$0x6], $0x400, s9, s23, $0x38;
	[tilespmem:$0x18600] =	vst v63  }
0x43b: {  	s17 =	sadd.s32 $0x8A0, s13;
	s18 =	simm.s32 $0x13A00  }
0x43c: {  	[hbm4b:s17+s23] =	stream.strided.scatter [tilespmem:s18], [sflag:$0x6], $0x400, s9, s23, $0x38;
	[tilespmem:$0x18600] =	vst v63  }
0x43d: {  	s21 =	sadd.s32 $0x8C0, s13;
	s30 =	simm.s32 $0x13E00  }
0x43e: {  	[hbm4b:s21+s23] =	stream.strided.scatter [tilespmem:s30], [sflag:$0x6], $0x400, s9, s23, $0x38;
	[tilespmem:$0x18600] =	vst v63  }
0x43f: {  	s1 =	sadd.s32 $0x8E0, s13;
	s2 =	simm.s32 $0x14200  }
0x440: {  	[hbm4b:s1+s23] =	stream.strided.scatter [tilespmem:s2], [sflag:$0x6], $0x400, s9, s23, $0x38;
	[tilespmem:$0x18600] =	vst v63  }
0x441: {  	s13 =	rddreg [dreg:$0x12];
	s12 =	simm.s32 $0x14600  }
0x442: {  	[hbm4b:s13+s23] =	stream.strided.scatter [tilespmem:s12], [sflag:$0x6], $0x400, s9, s23, $0x38;
	[tilespmem:$0x18600] =	vst v63  }
0x443: {  	s15 =	sadd.s32 $0x20, s13;
	s16 =	simm.s32 $0x14A00  }
0x444: {  	[hbm4b:s15+s23] =	stream.strided.scatter [tilespmem:s16], [sflag:$0x6], $0x400, s9, s23, $0x38;
	[tilespmem:$0x18600] =	vst v63  }
0x445: {  	s17 =	sadd.s32 $0x40, s13;
	s18 =	simm.s32 $0x14E00  }
0x446: {  	[hbm4b:s17+s23] =	stream.strided.scatter [tilespmem:s18], [sflag:$0x6], $0x400, s9, s23, $0x38;
	[tilespmem:$0x18600] =	vst v63  }
0x447: {  	s21 =	sadd.s32 $0x60, s13;
	s30 =	simm.s32 $0x15200  }
0x448: {  	[hbm4b:s21+s23] =	stream.strided.scatter [tilespmem:s30], [sflag:$0x6], $0x400, s9, s23, $0x38;
	[tilespmem:$0x18600] =	vst v63  }
0x449: {  	s0 =	sadd.s32 $0x80, s13;
	s1 =	simm.s32 $0x15600  }
0x44a: {  	[hbm4b:s0+s23] =	stream.strided.scatter [tilespmem:s1], [sflag:$0x6], $0x400, s9, s23, $0x38;
	[tilespmem:$0x18600] =	vst v63  }
0x44b: {  	s2 =	sadd.s32 $0xA0, s13;
	s12 =	simm.s32 $0x15A00  }
0x44c: {  	[hbm4b:s2+s23] =	stream.strided.scatter [tilespmem:s12], [sflag:$0x6], $0x400, s9, s23, $0x38;
	[tilespmem:$0x18600] =	vst v63  }
0x44d: {  	s15 =	sadd.s32 $0xC0, s13;
	s16 =	simm.s32 $0x15E00  }
0x44e: {  	[hbm4b:s15+s23] =	stream.strided.scatter [tilespmem:s16], [sflag:$0x6], $0x400, s9, s23, $0x38;
	[tilespmem:$0x18600] =	vst v63  }
0x44f: {  	s17 =	sadd.s32 $0xE0, s13;
	s18 =	simm.s32 $0x16200  }
0x450: {  	[hbm4b:s17+s23] =	stream.strided.scatter [tilespmem:s18], [sflag:$0x6], $0x400, s9, s23, $0x38;
	[tilespmem:$0x18600] =	vst v63  }
0x451: {  	s21 =	sadd.s32 $0x800, s13;
	s30 =	simm.s32 $0x16600  }
0x452: {  	[hbm4b:s21+s23] =	stream.strided.scatter [tilespmem:s30], [sflag:$0x6], $0x400, s9, s23, $0x38;
	[tilespmem:$0x18600] =	vst v63  }
0x453: {  	s0 =	sadd.s32 $0x820, s13;
	s1 =	simm.s32 $0x16A00  }
0x454: {  	[hbm4b:s0+s23] =	stream.strided.scatter [tilespmem:s1], [sflag:$0x6], $0x400, s9, s23, $0x38;
	[tilespmem:$0x18600] =	vst v63  }
0x455: {  	s2 =	sadd.s32 $0x840, s13;
	s12 =	simm.s32 $0x16E00  }
0x456: {  	[hbm4b:s2+s23] =	stream.strided.scatter [tilespmem:s12], [sflag:$0x6], $0x400, s9, s23, $0x38;
	[tilespmem:$0x18600] =	vst v63  }
0x457: {  	s15 =	sadd.s32 $0x860, s13;
	s16 =	simm.s32 $0x17200  }
0x458: {  	[hbm4b:s15+s23] =	stream.strided.scatter [tilespmem:s16], [sflag:$0x6], $0x400, s9, s23, $0x38;
	[tilespmem:$0x18600] =	vst v63  }
0x459: {  	s17 =	sadd.s32 $0x880, s13;
	s18 =	simm.s32 $0x17600  }
0x45a: {  	[hbm4b:s17+s23] =	stream.strided.scatter [tilespmem:s18], [sflag:$0x6], $0x400, s9, s23, $0x38;
	[tilespmem:$0x18600] =	vst v63  }
0x45b: {  	s21 =	sadd.s32 $0x8A0, s13;
	s30 =	simm.s32 $0x17A00  }
0x45c: {  	[hbm4b:s21+s23] =	stream.strided.scatter [tilespmem:s30], [sflag:$0x6], $0x400, s9, s23, $0x38;
	[tilespmem:$0x18600] =	vst v63  }
0x45d: {  	s0 =	sadd.s32 $0x8C0, s13;
	s1 =	simm.s32 $0x17E00  }
0x45e: {  	[hbm4b:s0+s23] =	stream.strided.scatter [tilespmem:s1], [sflag:$0x6], $0x400, s9, s23, $0x38;
	[tilespmem:$0x18600] =	vst v63  }
0x45f: {  	s2 =	sadd.s32 $0x8E0, s13;
	s12 =	simm.s32 $0x18200;
	s30 =	simm.s32 $0x5  }
0x460: {  	[hbm4b:s2+s23] =	stream.strided.scatter [tilespmem:s12], [sflag:$0x6], $0x400, s9, s23, $0x38;
	[tilespmem:$0x18600] =	vst v63  }
0x461: {  	_ =	swait.ge [sflag:s30], $0x4000  }
0x462: {  	[sflag:s30] =	ssyncset.done $0x0  }
0x463: {  	[sflag:s30] =	ssyncadd.s32 $0xFFFFC000  }
0x464: {  	_ =	swait.ge [sflag:s30], $0x4000  }
0x465: {  	[sflag:s30] =	ssyncset.done $0x0  }
0x466: {  	[sflag:s30] =	ssyncadd.s32 $0xFFFFC000  }
0x467: {  	v3 =	vld [tilespmem:$0x1F0];
	_ =	sdelay $0x4  }
0x468: {  	v4 =	vshll.u32 v3, $0x1  }
0x469: {  	v3 =	vand.u32 $0x7, v3;
	v4 =	vand.u32 $0xFFFFFFF0, v4  }
0x46a: {  	v3 =	vor.u32 v3, v4  }
0x46b: {  	v4 =	vperm.xlane v3, v0;
	_ =	sdelay $0x1  }
0x46c: {  	v3 =	vperm.xlane v3, v2;
	v4 =	vadd.s32 v1, v4;
	_ =	sdelay $0x1  }
0x46d: {  	v3 =	vadd.s32 v1, v3;
	_ =	sdelay $0x1  }
0x46e: {  	s13 =	simm.s32 $0x8600;
	s2 =	rddreg [dreg:$0x2]  }
0x46f: {  	[tilespmem:s13], [sflag:$0x2] =	stream.indirect_vreg.gather [hbm4b:s2+s8], $0x80, v4, vm0, $0xb8;
	[tilespmem:$0x18600] =	vst v63  }
0x470: {  	s15 =	simm.s32 $0xA600  }
0x471: {  	[tilespmem:s15], [sflag:$0x2] =	stream.indirect_vreg.gather [hbm4b:s2+s8], $0x80, v3, vm0, $0xb8;
	[tilespmem:$0x18600] =	vst v63  }
0x472: {  	v3 =	vld [tilespmem:$0x1F0];
	_ =	sdelay $0x4  }
0x473: {  	v57 =	vshll.u32 v3, $0x1  }
0x474: {  	v3 =	vand.u32 $0x7, v3;
	v4 =	vand.u32 $0xFFFFFFF0, v57  }
0x475: {  	v3 =	vor.u32 v3, v4  }
0x476: {  	v4 =	vperm.xlane v3, v0;
	_ =	sdelay $0x1  }
0x477: {  	v3 =	vperm.xlane v3, v2;
	v4 =	vadd.s32 v1, v4;
	_ =	sdelay $0x1  }
0x478: {  	v3 =	vadd.s32 v1, v3;
	_ =	sdelay $0x1  }
0x479: {  	s18 =	simm.s32 $0x8E00;
	s16 =	rddreg [dreg:$0x3]  }
0x47a: {  	[tilespmem:s18], [sflag:$0x2] =	stream.indirect_vreg.gather [hbm4b:s16+s8], $0x80, v4, vm0, $0xb8;
	[tilespmem:$0x18600] =	vst v63  }
0x47b: {  	s17 =	simm.s32 $0xAE00  }
0x47c: {  	[tilespmem:s17], [sflag:$0x2] =	stream.indirect_vreg.gather [hbm4b:s16+s8], $0x80, v3, vm0, $0xb8;
	[tilespmem:$0x18600] =	vst v63  }
0x47d: {  	v3 =	vld [tilespmem:$0x1F0];
	_ =	sdelay $0x4  }
0x47e: {  	v58 =	vshll.u32 v3, $0x1  }
0x47f: {  	v3 =	vand.u32 $0x7, v3;
	v4 =	vand.u32 $0xFFFFFFF0, v58  }
0x480: {  	v3 =	vor.u32 v3, v4  }
0x481: {  	v4 =	vperm.xlane v3, v0;
	_ =	sdelay $0x1  }
0x482: {  	v3 =	vperm.xlane v3, v2;
	v4 =	vadd.s32 v1, v4;
	_ =	sdelay $0x1  }
0x483: {  	v3 =	vadd.s32 v1, v3;
	_ =	sdelay $0x1  }
0x484: {  	s1 =	rddreg [dreg:$0x0];
	s17 =	simm.s32 $0x9600  }
0x485: {  	[tilespmem:s17], [sflag:$0x2] =	stream.indirect_vreg.gather [hbm4b:s1+s8], $0x80, v4, vm0, $0xb8;
	[tilespmem:$0x18600] =	vst v63  }
0x486: {  	s21 =	simm.s32 $0xB600  }
0x487: {  	[tilespmem:s21], [sflag:$0x2] =	stream.indirect_vreg.gather [hbm4b:s1+s8], $0x80, v3, vm0, $0xb8;
	[tilespmem:$0x18600] =	vst v63  }
0x488: {  	v3 =	vld [tilespmem:$0x1F0];
	_ =	sdelay $0x4  }
0x489: {  	v59 =	vshll.u32 v3, $0x1  }
0x48a: {  	v3 =	vand.u32 $0x7, v3;
	v4 =	vand.u32 $0xFFFFFFF0, v59  }
0x48b: {  	v3 =	vor.u32 v3, v4  }
0x48c: {  	v4 =	vperm.xlane v3, v0;
	_ =	sdelay $0x1  }
0x48d: {  	v3 =	vperm.xlane v3, v2;
	v4 =	vadd.s32 v1, v4;
	_ =	sdelay $0x1  }
0x48e: {  	v3 =	vadd.s32 v1, v3;
	_ =	sdelay $0x1  }
0x48f: {  	s11 =	rddreg [dreg:$0x1];
	s21 =	simm.s32 $0x9E00  }
0x490: {  	[tilespmem:s21], [sflag:$0x2] =	stream.indirect_vreg.gather [hbm4b:s11+s8], $0x80, v4, vm0, $0xb8;
	[tilespmem:$0x18600] =	vst v63  }
0x491: {  	s2 =	simm.s32 $0xBE00  }
0x492: {  	[tilespmem:s2], [sflag:$0x2] =	stream.indirect_vreg.gather [hbm4b:s11+s8], $0x80, v3, vm0, $0xb8;
	[tilespmem:$0x18600] =	vst v63  }
0x493: {  	v3 =	vld [tilespmem:$0x3F0];
	_ =	sdelay $0x4  }
0x494: {  	v60 =	vshll.u32 v3, $0x1  }
0x495: {  	v3 =	vand.u32 $0x7, v3;
	v4 =	vand.u32 $0xFFFFFFF0, v60  }
0x496: {  	v3 =	vor.u32 v3, v4  }
0x497: {  	v4 =	vperm.xlane v3, v0;
	_ =	sdelay $0x1  }
0x498: {  	v3 =	vperm.xlane v3, v2;
	v4 =	vadd.s32 v1, v4;
	_ =	sdelay $0x1  }
0x499: {  	v3 =	vadd.s32 v1, v3;
	_ =	sdelay $0x1  }
0x49a: {  	s12 =	rddreg [dreg:$0x4];
	s15 =	simm.s32 $0xC600  }
0x49b: {  	[tilespmem:s15], [sflag:$0x2] =	stream.indirect_vreg.gather [hbm4b:s12+s8], $0x80, v4, vm0, $0xb8;
	[tilespmem:$0x18600] =	vst v63  }
0x49c: {  	s13 =	simm.s32 $0xE600  }
0x49d: {  	[tilespmem:s13], [sflag:$0x2] =	stream.indirect_vreg.gather [hbm4b:s12+s8], $0x80, v3, vm0, $0xb8;
	[tilespmem:$0x18600] =	vst v63  }
0x49e: {  	v3 =	vld [tilespmem:$0x3F0];
	_ =	sdelay $0x4  }
0x49f: {  	v61 =	vshll.u32 v3, $0x1  }
0x4a0: {  	v3 =	vand.u32 $0x7, v3;
	v4 =	vand.u32 $0xFFFFFFF0, v61  }
0x4a1: {  	v3 =	vor.u32 v3, v4  }
0x4a2: {  	v4 =	vperm.xlane v3, v0;
	_ =	sdelay $0x1  }
0x4a3: {  	v3 =	vperm.xlane v3, v2;
	v4 =	vadd.s32 v1, v4;
	_ =	sdelay $0x1  }
0x4a4: {  	v3 =	vadd.s32 v1, v3;
	_ =	sdelay $0x1  }
0x4a5: {  	s0 =	simm.s32 $0xCE00;
	s16 =	rddreg [dreg:$0x5]  }
0x4a6: {  	[tilespmem:s0], [sflag:$0x2] =	stream.indirect_vreg.gather [hbm4b:s16+s8], $0x80, v4, vm0, $0xb8;
	[tilespmem:$0x18600] =	vst v63  }
0x4a7: {  	s12 =	simm.s32 $0xEE00  }
0x4a8: {  	[tilespmem:s12], [sflag:$0x2] =	stream.indirect_vreg.gather [hbm4b:s16+s8], $0x80, v3, vm0, $0xb8;
	[tilespmem:$0x18600] =	vst v63  }
0x4a9: {  	v3 =	vld [tilespmem:$0x5F0];
	_ =	sdelay $0x4  }
0x4aa: {  	v62 =	vshll.u32 v3, $0x1  }
0x4ab: {  	v3 =	vand.u32 $0x7, v3;
	v4 =	vand.u32 $0xFFFFFFF0, v62  }
0x4ac: {  	v3 =	vor.u32 v3, v4  }
0x4ad: {  	v4 =	vperm.xlane v3, v0;
	_ =	sdelay $0x1  }
0x4ae: {  	v3 =	vperm.xlane v3, v2;
	v4 =	vadd.s32 v1, v4;
	_ =	sdelay $0x1  }
0x4af: {  	v3 =	vadd.s32 v1, v3;
	_ =	sdelay $0x1  }
0x4b0: {  	s2 =	simm.s32 $0xD600  }
0x4b1: {  	[tilespmem:s2], [sflag:$0x2] =	stream.indirect_vreg.gather [hbm4b:s1+s8], $0x80, v4, vm0, $0xb8;
	[tilespmem:$0x18600] =	vst v63  }
0x4b2: {  	s16 =	simm.s32 $0xF600  }
0x4b3: {  	[tilespmem:s16], [sflag:$0x2] =	stream.indirect_vreg.gather [hbm4b:s1+s8], $0x80, v3, vm0, $0xb8;
	[tilespmem:$0x18600] =	vst v63  }
0x4b4: {  	v3 =	vld [tilespmem:$0x5F0];
	_ =	sdelay $0x4  }
0x4b5: {  	v63 =	vshll.u32 v3, $0x1  }
0x4b6: {  	v3 =	vand.u32 $0x7, v3;
	v4 =	vand.u32 $0xFFFFFFF0, v63  }
0x4b7: {  	v3 =	vor.u32 v3, v4  }
0x4b8: {  	v4 =	vperm.xlane v3, v0;
	_ =	sdelay $0x1  }
0x4b9: {  	v3 =	vperm.xlane v3, v2;
	v4 =	vadd.s32 v1, v4;
	_ =	sdelay $0x1  }
0x4ba: {  	v3 =	vadd.s32 v1, v3;
	_ =	sdelay $0x1  }
0x4bb: {  	s1 =	simm.s32 $0xDE00  }
0x4bc: {  	[tilespmem:s1], [sflag:$0x2] =	stream.indirect_vreg.gather [hbm4b:s11+s8], $0x80, v4, vm0, $0xb8;
	[tilespmem:$0x18600] =	vst v63  }
0x4bd: {  	s13 =	simm.s32 $0x1;
	s12 =	simm.s32 $0xFE00  }
0x4be: {  	[tilespmem:s12], [sflag:$0x2] =	stream.indirect_vreg.gather [hbm4b:s11+s8], $0x80, v3, vm0, $0xb8;
	[tilespmem:$0x18600] =	vst v63  }
0x4bf: {  	_ =	swait.ge [sflag:s13], $0x4000  }
0x4c0: {  	[sflag:s13] =	ssyncset.done $0x0  }
0x4c1: {  	[sflag:s13] =	ssyncadd.s32 $0xFFFFC000  }
0x4c2: {  	_ =	swait.ge [sflag:s13], $0x4000  }
0x4c3: {  	[sflag:s13] =	ssyncset.done $0x0  }
0x4c4: {  	[sflag:s13] =	ssyncadd.s32 $0xFFFFC000;
	s13 =	rddreg [dreg:$0x13]  }
0x4c5: {  	[hbm4b:s13+s23] =	stream.strided.scatter [tilespmem:s19], [sflag:$0x4], $0x400, s9, s23, $0x38;
	[tilespmem:$0x18600] =	vst v63  }
0x4c6: {  	s11 =	sadd.s32 $0x20, s13;
	s19 =	simm.s32 $0xA00  }
0x4c7: {  	[hbm4b:s11+s23] =	stream.strided.scatter [tilespmem:s19], [sflag:$0x4], $0x400, s9, s23, $0x38;
	[tilespmem:$0x18600] =	vst v63  }
0x4c8: {  	s19 =	sadd.s32 $0x40, s13  }
0x4c9: {  	[hbm4b:s19+s23] =	stream.strided.scatter [tilespmem:s10], [sflag:$0x4], $0x400, s9, s23, $0x38;
	[tilespmem:$0x18600] =	vst v63  }
0x4ca: {  	s10 =	sadd.s32 $0x60, s13;
	s19 =	simm.s32 $0x1200  }
0x4cb: {  	[hbm4b:s10+s23] =	stream.strided.scatter [tilespmem:s19], [sflag:$0x4], $0x400, s9, s23, $0x38;
	[tilespmem:$0x18600] =	vst v63  }
0x4cc: {  	s10 =	sadd.s32 $0x80, s13  }
0x4cd: {  	[hbm4b:s10+s23] =	stream.strided.scatter [tilespmem:s24], [sflag:$0x4], $0x400, s9, s23, $0x38;
	[tilespmem:$0x18600] =	vst v63  }
0x4ce: {  	s19 =	sadd.s32 $0xA0, s13;
	s24 =	simm.s32 $0x1A00  }
0x4cf: {  	[hbm4b:s19+s23] =	stream.strided.scatter [tilespmem:s24], [sflag:$0x4], $0x400, s9, s23, $0x38;
	[tilespmem:$0x18600] =	vst v63  }
0x4d0: {  	s10 =	sadd.s32 $0xC0, s13  }
0x4d1: {  	[hbm4b:s10+s23] =	stream.strided.scatter [tilespmem:s26], [sflag:$0x4], $0x400, s9, s23, $0x38;
	[tilespmem:$0x18600] =	vst v63  }
0x4d2: {  	s19 =	sadd.s32 $0xE0, s13;
	s24 =	simm.s32 $0x2200  }
0x4d3: {  	[hbm4b:s19+s23] =	stream.strided.scatter [tilespmem:s24], [sflag:$0x4], $0x400, s9, s23, $0x38;
	[tilespmem:$0x18600] =	vst v63  }
0x4d4: {  	s26 =	sadd.s32 $0x800, s13  }
0x4d5: {  	[hbm4b:s26+s23] =	stream.strided.scatter [tilespmem:s20], [sflag:$0x4], $0x400, s9, s23, $0x38;
	[tilespmem:$0x18600] =	vst v63  }
0x4d6: {  	s10 =	sadd.s32 $0x820, s13;
	s19 =	simm.s32 $0x2A00  }
0x4d7: {  	[hbm4b:s10+s23] =	stream.strided.scatter [tilespmem:s19], [sflag:$0x4], $0x400, s9, s23, $0x38;
	[tilespmem:$0x18600] =	vst v63  }
0x4d8: {  	s20 =	sadd.s32 $0x840, s13  }
0x4d9: {  	[hbm4b:s20+s23] =	stream.strided.scatter [tilespmem:s22], [sflag:$0x4], $0x400, s9, s23, $0x38;
	[tilespmem:$0x18600] =	vst v63  }
0x4da: {  	s24 =	sadd.s32 $0x860, s13;
	s26 =	simm.s32 $0x3200  }
0x4db: {  	[hbm4b:s24+s23] =	stream.strided.scatter [tilespmem:s26], [sflag:$0x4], $0x400, s9, s23, $0x38;
	[tilespmem:$0x18600] =	vst v63  }
0x4dc: {  	s19 =	sadd.s32 $0x880, s13  }
0x4dd: {  	[hbm4b:s19+s23] =	stream.strided.scatter [tilespmem:s25], [sflag:$0x4], $0x400, s9, s23, $0x38;
	[tilespmem:$0x18600] =	vst v63  }
0x4de: {  	s20 =	sadd.s32 $0x8A0, s13;
	s22 =	simm.s32 $0x3A00  }
0x4df: {  	[hbm4b:s20+s23] =	stream.strided.scatter [tilespmem:s22], [sflag:$0x4], $0x400, s9, s23, $0x38;
	[tilespmem:$0x18600] =	vst v63  }
0x4e0: {  	s24 =	sadd.s32 $0x8C0, s13  }
0x4e1: {  	[hbm4b:s24+s23] =	stream.strided.scatter [tilespmem:s28], [sflag:$0x4], $0x400, s9, s23, $0x38;
	[tilespmem:$0x18600] =	vst v63  }
0x4e2: {  	s26 =	simm.s32 $0x4200;
	s25 =	sadd.s32 $0x8E0, s13  }
0x4e3: {  	[hbm4b:s25+s23] =	stream.strided.scatter [tilespmem:s26], [sflag:$0x4], $0x400, s9, s23, $0x38;
	[tilespmem:$0x18600] =	vst v63  }
0x4e4: {  	s13 =	rddreg [dreg:$0x14]  }
0x4e5: {  	[hbm4b:s13+s23] =	stream.strided.scatter [tilespmem:s29], [sflag:$0x4], $0x400, s9, s23, $0x38;
	[tilespmem:$0x18600] =	vst v63  }
0x4e6: {  	s28 =	sadd.s32 $0x20, s13;
	s29 =	simm.s32 $0x4A00  }
0x4e7: {  	[hbm4b:s28+s23] =	stream.strided.scatter [tilespmem:s29], [sflag:$0x4], $0x400, s9, s23, $0x38;
	[tilespmem:$0x18600] =	vst v63  }
0x4e8: {  	s10 =	sadd.s32 $0x40, s13  }
0x4e9: {  	[hbm4b:s10+s23] =	stream.strided.scatter [tilespmem:s3], [sflag:$0x4], $0x400, s9, s23, $0x38;
	[tilespmem:$0x18600] =	vst v63  }
0x4ea: {  	s19 =	sadd.s32 $0x60, s13;
	s20 =	simm.s32 $0x5200  }
0x4eb: {  	[hbm4b:s19+s23] =	stream.strided.scatter [tilespmem:s20], [sflag:$0x4], $0x400, s9, s23, $0x38;
	[tilespmem:$0x18600] =	vst v63  }
0x4ec: {  	s22 =	sadd.s32 $0x80, s13  }
0x4ed: {  	[hbm4b:s22+s23] =	stream.strided.scatter [tilespmem:s5], [sflag:$0x4], $0x400, s9, s23, $0x38;
	[tilespmem:$0x18600] =	vst v63  }
0x4ee: {  	s24 =	sadd.s32 $0xA0, s13;
	s25 =	simm.s32 $0x5A00  }
0x4ef: {  	[hbm4b:s24+s23] =	stream.strided.scatter [tilespmem:s25], [sflag:$0x4], $0x400, s9, s23, $0x38;
	[tilespmem:$0x18600] =	vst v63  }
0x4f0: {  	s26 =	sadd.s32 $0xC0, s13  }
0x4f1: {  	[hbm4b:s26+s23] =	stream.strided.scatter [tilespmem:s7], [sflag:$0x4], $0x400, s9, s23, $0x38;
	[tilespmem:$0x18600] =	vst v63  }
0x4f2: {  	s28 =	sadd.s32 $0xE0, s13;
	s29 =	simm.s32 $0x6200  }
0x4f3: {  	[hbm4b:s28+s23] =	stream.strided.scatter [tilespmem:s29], [sflag:$0x4], $0x400, s9, s23, $0x38;
	[tilespmem:$0x18600] =	vst v63  }
0x4f4: {  	s3 =	sadd.s32 $0x800, s13  }
0x4f5: {  	[hbm4b:s3+s23] =	stream.strided.scatter [tilespmem:s31], [sflag:$0x4], $0x400, s9, s23, $0x38;
	[tilespmem:$0x18600] =	vst v63  }
0x4f6: {  	s5 =	sadd.s32 $0x820, s13;
	s7 =	simm.s32 $0x6A00  }
0x4f7: {  	[hbm4b:s5+s23] =	stream.strided.scatter [tilespmem:s7], [sflag:$0x4], $0x400, s9, s23, $0x38;
	[tilespmem:$0x18600] =	vst v63  }
0x4f8: {  	s10 =	sadd.s32 $0x840, s13  }
0x4f9: {  	[hbm4b:s10+s23] =	stream.strided.scatter [tilespmem:s4], [sflag:$0x4], $0x400, s9, s23, $0x38;
	[tilespmem:$0x18600] =	vst v63  }
0x4fa: {  	s19 =	sadd.s32 $0x860, s13;
	s20 =	simm.s32 $0x7200  }
0x4fb: {  	[hbm4b:s19+s23] =	stream.strided.scatter [tilespmem:s20], [sflag:$0x4], $0x400, s9, s23, $0x38;
	[tilespmem:$0x18600] =	vst v63  }
0x4fc: {  	s22 =	sadd.s32 $0x880, s13  }
0x4fd: {  	[hbm4b:s22+s23] =	stream.strided.scatter [tilespmem:s6], [sflag:$0x4], $0x400, s9, s23, $0x38;
	[tilespmem:$0x18600] =	vst v63  }
0x4fe: {  	s24 =	sadd.s32 $0x8A0, s13;
	s25 =	simm.s32 $0x7A00  }
0x4ff: {  	[hbm4b:s24+s23] =	stream.strided.scatter [tilespmem:s25], [sflag:$0x4], $0x400, s9, s23, $0x38;
	[tilespmem:$0x18600] =	vst v63  }
0x500: {  	s26 =	sadd.s32 $0x8C0, s13  }
0x501: {  	[hbm4b:s26+s23] =	stream.strided.scatter [tilespmem:s14], [sflag:$0x4], $0x400, s9, s23, $0x38;
	[tilespmem:$0x18600] =	vst v63  }
0x502: {  	s28 =	sadd.s32 $0x8E0, s13;
	s29 =	simm.s32 $0x8200;
	s31 =	simm.s32 $0x2  }
0x503: {  	[hbm4b:s28+s23] =	stream.strided.scatter [tilespmem:s29], [sflag:$0x4], $0x400, s9, s23, $0x38;
	[tilespmem:$0x18600] =	vst v63  }
0x504: {  	_ =	swait.ge [sflag:s31], $0x4000  }
0x505: {  	[sflag:s31] =	ssyncset.done $0x0  }
0x506: {  	[sflag:s31] =	ssyncadd.s32 $0xFFFFC000  }
0x507: {  	_ =	swait.ge [sflag:s31], $0x4000  }
0x508: {  	[sflag:s31] =	ssyncset.done $0x0  }
0x509: {  	s4 =	simm.s32 $0x8600;
	s13 =	rddreg [dreg:$0x15];
	[sflag:s31] =	ssyncadd.s32 $0xFFFFC000  }
0x50a: {  	[hbm4b:s13+s23] =	stream.strided.scatter [tilespmem:s4], [sflag:$0x5], $0x400, s9, s23, $0x38;
	[tilespmem:$0x18600] =	vst v63  }
0x50b: {  	s6 =	simm.s32 $0x8A00;
	s5 =	sadd.s32 $0x20, s13  }
0x50c: {  	[hbm4b:s5+s23] =	stream.strided.scatter [tilespmem:s6], [sflag:$0x5], $0x400, s9, s23, $0x38;
	[tilespmem:$0x18600] =	vst v63  }
0x50d: {  	s7 =	sadd.s32 $0x40, s13  }
0x50e: {  	[hbm4b:s7+s23] =	stream.strided.scatter [tilespmem:s18], [sflag:$0x5], $0x400, s9, s23, $0x38;
	[tilespmem:$0x18600] =	vst v63  }
0x50f: {  	s14 =	simm.s32 $0x9200;
	s10 =	sadd.s32 $0x60, s13  }
0x510: {  	[hbm4b:s10+s23] =	stream.strided.scatter [tilespmem:s14], [sflag:$0x5], $0x400, s9, s23, $0x38;
	[tilespmem:$0x18600] =	vst v63  }
0x511: {  	s18 =	sadd.s32 $0x80, s13  }
0x512: {  	[hbm4b:s18+s23] =	stream.strided.scatter [tilespmem:s17], [sflag:$0x5], $0x400, s9, s23, $0x38;
	[tilespmem:$0x18600] =	vst v63  }
0x513: {  	s20 =	simm.s32 $0x9A00;
	s19 =	sadd.s32 $0xA0, s13  }
0x514: {  	[hbm4b:s19+s23] =	stream.strided.scatter [tilespmem:s20], [sflag:$0x5], $0x400, s9, s23, $0x38;
	[tilespmem:$0x18600] =	vst v63  }
0x515: {  	s22 =	sadd.s32 $0xC0, s13  }
0x516: {  	[hbm4b:s22+s23] =	stream.strided.scatter [tilespmem:s21], [sflag:$0x5], $0x400, s9, s23, $0x38;
	[tilespmem:$0x18600] =	vst v63  }
0x517: {  	s25 =	simm.s32 $0xA200;
	s24 =	sadd.s32 $0xE0, s13  }
0x518: {  	[hbm4b:s24+s23] =	stream.strided.scatter [tilespmem:s25], [sflag:$0x5], $0x400, s9, s23, $0x38;
	[tilespmem:$0x18600] =	vst v63  }
0x519: {  	s28 =	simm.s32 $0xA600;
	s26 =	sadd.s32 $0x800, s13  }
0x51a: {  	[hbm4b:s26+s23] =	stream.strided.scatter [tilespmem:s28], [sflag:$0x5], $0x400, s9, s23, $0x38;
	[tilespmem:$0x18600] =	vst v63  }
0x51b: {  	s29 =	sadd.s32 $0x820, s13;
	s31 =	simm.s32 $0xAA00  }
0x51c: {  	[hbm4b:s29+s23] =	stream.strided.scatter [tilespmem:s31], [sflag:$0x5], $0x400, s9, s23, $0x38;
	[tilespmem:$0x18600] =	vst v63  }
0x51d: {  	s4 =	sadd.s32 $0x840, s13;
	s5 =	simm.s32 $0xAE00  }
0x51e: {  	[hbm4b:s4+s23] =	stream.strided.scatter [tilespmem:s5], [sflag:$0x5], $0x400, s9, s23, $0x38;
	[tilespmem:$0x18600] =	vst v63  }
0x51f: {  	s6 =	sadd.s32 $0x860, s13;
	s7 =	simm.s32 $0xB200  }
0x520: {  	[hbm4b:s6+s23] =	stream.strided.scatter [tilespmem:s7], [sflag:$0x5], $0x400, s9, s23, $0x38;
	[tilespmem:$0x18600] =	vst v63  }
0x521: {  	s10 =	sadd.s32 $0x880, s13;
	s14 =	simm.s32 $0xB600  }
0x522: {  	[hbm4b:s10+s23] =	stream.strided.scatter [tilespmem:s14], [sflag:$0x5], $0x400, s9, s23, $0x38;
	[tilespmem:$0x18600] =	vst v63  }
0x523: {  	s17 =	sadd.s32 $0x8A0, s13;
	s18 =	simm.s32 $0xBA00  }
0x524: {  	[hbm4b:s17+s23] =	stream.strided.scatter [tilespmem:s18], [sflag:$0x5], $0x400, s9, s23, $0x38;
	[tilespmem:$0x18600] =	vst v63  }
0x525: {  	s19 =	sadd.s32 $0x8C0, s13;
	s20 =	simm.s32 $0xBE00  }
0x526: {  	[hbm4b:s19+s23] =	stream.strided.scatter [tilespmem:s20], [sflag:$0x5], $0x400, s9, s23, $0x38;
	[tilespmem:$0x18600] =	vst v63  }
0x527: {  	s21 =	sadd.s32 $0x8E0, s13;
	s22 =	simm.s32 $0xC200  }
0x528: {  	[hbm4b:s21+s23] =	stream.strided.scatter [tilespmem:s22], [sflag:$0x5], $0x400, s9, s23, $0x38;
	[tilespmem:$0x18600] =	vst v63  }
0x529: {  	s13 =	rddreg [dreg:$0x16]  }
0x52a: {  	[hbm4b:s13+s23] =	stream.strided.scatter [tilespmem:s15], [sflag:$0x5], $0x400, s9, s23, $0x38;
	[tilespmem:$0x18600] =	vst v63  }
0x52b: {  	s24 =	sadd.s32 $0x20, s13;
	s25 =	simm.s32 $0xCA00  }
0x52c: {  	[hbm4b:s24+s23] =	stream.strided.scatter [tilespmem:s25], [sflag:$0x5], $0x400, s9, s23, $0x38;
	[tilespmem:$0x18600] =	vst v63  }
0x52d: {  	s26 =	sadd.s32 $0x40, s13  }
0x52e: {  	[hbm4b:s26+s23] =	stream.strided.scatter [tilespmem:s0], [sflag:$0x5], $0x400, s9, s23, $0x38;
	[tilespmem:$0x18600] =	vst v63  }
0x52f: {  	s28 =	sadd.s32 $0x60, s13;
	s29 =	simm.s32 $0xD200  }
0x530: {  	[hbm4b:s28+s23] =	stream.strided.scatter [tilespmem:s29], [sflag:$0x5], $0x400, s9, s23, $0x38;
	[tilespmem:$0x18600] =	vst v63  }
0x531: {  	s31 =	sadd.s32 $0x80, s13  }
0x532: {  	[hbm4b:s31+s23] =	stream.strided.scatter [tilespmem:s2], [sflag:$0x5], $0x400, s9, s23, $0x38;
	[tilespmem:$0x18600] =	vst v63  }
0x533: {  	s0 =	sadd.s32 $0xA0, s13;
	s2 =	simm.s32 $0xDA00  }
0x534: {  	[hbm4b:s0+s23] =	stream.strided.scatter [tilespmem:s2], [sflag:$0x5], $0x400, s9, s23, $0x38;
	[tilespmem:$0x18600] =	vst v63  }
0x535: {  	s3 =	sadd.s32 $0xC0, s13  }
0x536: {  	[hbm4b:s3+s23] =	stream.strided.scatter [tilespmem:s1], [sflag:$0x5], $0x400, s9, s23, $0x38;
	[tilespmem:$0x18600] =	vst v63  }
0x537: {  	s4 =	sadd.s32 $0xE0, s13;
	s5 =	simm.s32 $0xE200  }
0x538: {  	[hbm4b:s4+s23] =	stream.strided.scatter [tilespmem:s5], [sflag:$0x5], $0x400, s9, s23, $0x38;
	[tilespmem:$0x18600] =	vst v63  }
0x539: {  	s6 =	sadd.s32 $0x800, s13;
	s7 =	simm.s32 $0xE600  }
0x53a: {  	[hbm4b:s6+s23] =	stream.strided.scatter [tilespmem:s7], [sflag:$0x5], $0x400, s9, s23, $0x38;
	[tilespmem:$0x18600] =	vst v63  }
0x53b: {  	s10 =	sadd.s32 $0x820, s13;
	s14 =	simm.s32 $0xEA00  }
0x53c: {  	[hbm4b:s10+s23] =	stream.strided.scatter [tilespmem:s14], [sflag:$0x5], $0x400, s9, s23, $0x38;
	[tilespmem:$0x18600] =	vst v63  }
0x53d: {  	s17 =	simm.s32 $0xEE00;
	s15 =	sadd.s32 $0x840, s13  }
0x53e: {  	[hbm4b:s15+s23] =	stream.strided.scatter [tilespmem:s17], [sflag:$0x5], $0x400, s9, s23, $0x38;
	[tilespmem:$0x18600] =	vst v63  }
0x53f: {  	s18 =	sadd.s32 $0x860, s13;
	s19 =	simm.s32 $0xF200  }
0x540: {  	[hbm4b:s18+s23] =	stream.strided.scatter [tilespmem:s19], [sflag:$0x5], $0x400, s9, s23, $0x38;
	[tilespmem:$0x18600] =	vst v63  }
0x541: {  	s20 =	sadd.s32 $0x880, s13  }
0x542: {  	[hbm4b:s20+s23] =	stream.strided.scatter [tilespmem:s16], [sflag:$0x5], $0x400, s9, s23, $0x38;
	[tilespmem:$0x18600] =	vst v63  }
0x543: {  	s21 =	sadd.s32 $0x8A0, s13;
	s22 =	simm.s32 $0xFA00  }
0x544: {  	[hbm4b:s21+s23] =	stream.strided.scatter [tilespmem:s22], [sflag:$0x5], $0x400, s9, s23, $0x38;
	[tilespmem:$0x18600] =	vst v63  }
0x545: {  	s24 =	sadd.s32 $0x8C0, s13  }
0x546: {  	[hbm4b:s24+s23] =	stream.strided.scatter [tilespmem:s12], [sflag:$0x5], $0x400, s9, s23, $0x38;
	[tilespmem:$0x18600] =	vst v63  }
0x547: {  	s25 =	sadd.s32 $0x8E0, s13;
	s26 =	simm.s32 $0x10200;
	s28 =	simm.s32 $0x4  }
0x548: {  	[hbm4b:s25+s23] =	stream.strided.scatter [tilespmem:s26], [sflag:$0x5], $0x400, s9, s23, $0x38;
	[tilespmem:$0x18600] =	vst v63  }
0x549: {  	_ =	swait.ge [sflag:s28], $0x4000  }
0x54a: {  	[sflag:s28] =	ssyncset.done $0x0  }
0x54b: {  	[sflag:s28] =	ssyncadd.s32 $0xFFFFC000  }
0x54c: {  	_ =	swait.ge [sflag:s28], $0x4000  }
0x54d: {  	[sflag:s28] =	ssyncset.done $0x0  }
0x54e: {  	[sflag:s28] =	ssyncadd.s32 $0xFFFFC000  }
0x54f: {  	_ =	swait.ge [sflag:s30], $0x4000  }
0x550: {  	[sflag:s30] =	ssyncset.done $0x0  }
0x551: {  	[sflag:s30] =	ssyncadd.s32 $0xFFFFC000  }
0x552: {  	_ =	swait.ge [sflag:s30], $0x4000  }
0x553: {  	[sflag:s30] =	ssyncset.done $0x0  }
0x554: {  	s29 =	simm.s32 $0x6;
	[sflag:s30] =	ssyncadd.s32 $0xFFFFC000  }
0x555: {  	_ =	swait.ge [sflag:s29], $0x4000  }
0x556: {  	[sflag:s29] =	ssyncset.done $0x0  }
0x557: {  	[sflag:s29] =	ssyncadd.s32 $0xFFFFC000  }
0x558: {  	_ =	swait.ge [sflag:s29], $0x4000  }
0x559: {  	s30 =	rddreg [dreg:$0x18]  }
0x55a: {  	s31 =	rddreg [dreg:$0x17];
	s0 =	sadd.s32 $0x1, s30  }
0x55b: {  	p0 =	sne.s32 s0, s31  }
.Ltmp1:
0x55c: {  	_ = 	snop;
	(pc) =	sbr.rel @p0 .LBB2_1-.Ltmp1, $3  }
0x55d: {  	_ =	sdelay $0x1  }
0x55e: {  	[sflag:s29] =	ssyncset.done $0x0  }
0x55f: {  	[sflag:s29] =	ssyncadd.s32 $0xFFFFC000  }
0x560: {  	_ =	sfence.sel $0x180000  }
0x561: {  	[bflag:$0x0] =	sbarrier.arrive $0xFFFF  }
0x562: {  	_ =	strace $0x90000047  }
0x563: {  	s0 =	stileid.u32;
	[bflag:$0x2] =	sbarrier.arrive $0xFFFF  }
0x564: {  	p0 =	sne.s32 s0, $0x0;
	s0 =	rddreg [dreg:$0x9]  }
0x565: {  	s0 =	sadd.s32 @!p0 $0x100000, s0  }
0x566: {  	[sflag:s0] =	ssyncadd.tile.s32 @!p0 $0x1;
	_ =	shalt  }
.Lfunc_end2:
_tile_overlayer_lowered:
.L_overlay_start_2:
0x567: {  	(tag) =	ssettag $0x2  }
0x568: {  	s0 =	rddreg [dreg:$0x0];
	s2 =	stileid.u32  }
0x569: {  	s1 =	rddreg [dreg:$0x1];
	p0 =	sne.s32 s2, $0x0  }
0x56a: {  	s3 =	rddreg [dreg:$0x2];
	[bflag:$0x3] =	sbarrier.arrive $0xFFFF;
	s2 =	simm.s32 @!p0 $0x1C07  }
0x56b: {  	[timem:s3], [sflag:s2] =	dma.local @!p0 [hbm:s0], s1  }
0x56c: {  	s0 =	simm.s32 @!p0 $0x7  }
0x56d: {  	_ =	swait.ge @!p0 [sflag:s0], s1  }
0x56e: {  	s1 =	ssub.s32 @!p0 $0x0, s1;
	[sflag:s0] =	ssyncset.done @!p0 $0x0  }
0x56f: {  	[sflag:s0] =	ssyncadd.s32 @!p0 s1  }
0x570: {  	[bflag:$0x3] =	sbarrier.arrive $0xFFFF  }
0x571: {  	_ =	shalt  }

</sc_bundles>
